<compile_context>
chip_gen: v7x
topology: tpu7x:2x2x1
jax: 0.10.2.dev20260603
libtpu: 0.0.44.dev20260713+nightly
codegen_flags: <defaults>
</compile_context>

<pallas_src>
import functools

import jax
import jax.numpy as jnp
from jax import lax
from jax.experimental import pallas as pl
from jax.experimental.pallas import tpu as pltpu
from jax.experimental.pallas import tpu_sc as plsc

NC = 2
NS = 16
NW = NC * NS
K = 80


def _sc_mesh():
    return plsc.VectorSubcoreMesh(core_axis_name="c", subcore_axis_name="s")


_SC_PARAMS = pltpu.CompilerParams(use_tc_tiling_on_sc=False)


def _make_deg(NP, E):
    nch = (E // NW) // K
    CZ = NP // NS

    @functools.partial(
        pl.kernel,
        out_type=jax.ShapeDtypeStruct((NC, 1, NP), jnp.float32),
        mesh=_sc_mesh(),
        compiler_params=_SC_PARAMS,
        scratch_types=[
            pltpu.VMEM((nch, K), jnp.int32),
            pltpu.VMEM((nch, K), jnp.float32),
            pltpu.VMEM_SHARED((NP,), jnp.float32),
            pltpu.SemaphoreType.DMA,
        ],
    )
    def deg_kernel(col_hbm, w_hbm, z_hbm, out_hbm, colv, wv, dacc, sem):
        cid = lax.axis_index("c")
        sid = lax.axis_index("s")
        wid = sid * NC + cid

        pltpu.sync_copy(z_hbm, dacc.at[pl.ds(sid * CZ, CZ)])
        plsc.subcore_barrier()
        pltpu.sync_copy(col_hbm.at[wid], colv)
        pltpu.sync_copy(w_hbm.at[wid], wv)

        def body(j, carry):
            pltpu.sync_copy(wv.at[j], dacc.at[colv.at[j]], add=True)
            return carry

        lax.fori_loop(0, nch, body, 0)
        plsc.subcore_barrier()
        pltpu.sync_copy(dacc.at[pl.ds(sid * CZ, CZ)],
                        out_hbm.at[cid, 0, pl.ds(sid * CZ, CZ)])

    return deg_kernel


def _scale_and_scatter(msg, wv, colv, acc, K_, NQ):
    def scale_grp(t, c2):
        wvec = wv[pl.ds(t * 16, 16)]
        base = t * 16
        for u in range(16):
            ws = wvec[u]
            for q in range(NQ):
                msg[base + u, pl.ds(q * 16, 16)] = (
                    msg[base + u, pl.ds(q * 16, 16)] * ws)
        return c2

    lax.fori_loop(0, K_ // 16, scale_grp, 0)
    pltpu.sync_copy(msg, acc.at[colv], add=True)


def _make_agg_split(NP, E, D):
    Dh = D // NC
    nch = (E // NS) // K
    RPS = NP // NS
    NQ = Dh // 16

    @functools.partial(
        pl.kernel,
        out_type=jax.ShapeDtypeStruct((NC, NP, Dh), jnp.float32),
        mesh=_sc_mesh(),
        compiler_params=_SC_PARAMS,
        scratch_types=[
            pltpu.VMEM((nch, K), jnp.int32),
            pltpu.VMEM((nch, K), jnp.int32),
            pltpu.VMEM((nch, K), jnp.float32),
            pltpu.VMEM((K, Dh), jnp.float32),
            pltpu.VMEM_SHARED((NP, Dh), jnp.float32),
            pltpu.SemaphoreType.DMA,
        ],
    )
    def agg_kernel(g0_hbm, g1_hbm, row_hbm, col_hbm, w_hbm, z_hbm, out_hbm,
                   rowv, colv, wv, msg, acc, sem):
        cid = lax.axis_index("c")
        sid = lax.axis_index("s")

        pltpu.sync_copy(z_hbm, acc.at[pl.ds(sid * RPS, RPS)])
        plsc.subcore_barrier()

        pltpu.sync_copy(row_hbm.at[sid], rowv)
        pltpu.sync_copy(col_hbm.at[sid], colv)
        pltpu.sync_copy(w_hbm.at[sid], wv)

        def chunk(j, carry):
            @pl.when(cid == 0)
            def _g0():
                pltpu.async_copy(g0_hbm.at[rowv.at[j]], msg, sem).wait()

            @pl.when(cid == 1)
            def _g1():
                pltpu.async_copy(g1_hbm.at[rowv.at[j]], msg, sem).wait()

            _scale_and_scatter(msg, wv.at[j], colv.at[j], acc, K, NQ)
            return carry

        lax.fori_loop(0, nch, chunk, 0)
        plsc.subcore_barrier()
        pltpu.sync_copy(acc.at[pl.ds(sid * RPS, RPS)],
                        out_hbm.at[cid, pl.ds(sid * RPS, RPS)])

    return agg_kernel


def _make_agg(NP, E, D):
    nch = (E // NW) // K
    RPS = NP // NS
    NQ = D // 16

    @functools.partial(
        pl.kernel,
        out_type=jax.ShapeDtypeStruct((NC, NP, D), jnp.float32),
        mesh=_sc_mesh(),
        compiler_params=_SC_PARAMS,
        scratch_types=[
            pltpu.VMEM((nch, K), jnp.int32),
            pltpu.VMEM((nch, K), jnp.int32),
            pltpu.VMEM((nch, K), jnp.float32),
            pltpu.VMEM((K, D), jnp.float32),
            pltpu.VMEM_SHARED((NP, D), jnp.float32),
            pltpu.SemaphoreType.DMA,
        ],
    )
    def agg_kernel(g_hbm, row_hbm, col_hbm, w_hbm, z_hbm, out_hbm,
                   rowv, colv, wv, msg, acc, sem):
        cid = lax.axis_index("c")
        sid = lax.axis_index("s")
        wid = sid * NC + cid

        pltpu.sync_copy(z_hbm, acc.at[pl.ds(sid * RPS, RPS)])
        plsc.subcore_barrier()

        pltpu.sync_copy(row_hbm.at[wid], rowv)
        pltpu.sync_copy(col_hbm.at[wid], colv)
        pltpu.sync_copy(w_hbm.at[wid], wv)

        def chunk(j, carry):
            pltpu.async_copy(g_hbm.at[rowv.at[j]], msg, sem).wait()
            _scale_and_scatter(msg, wv.at[j], colv.at[j], acc, K, NQ)
            return carry

        lax.fori_loop(0, nch, chunk, 0)
        plsc.subcore_barrier()
        pltpu.sync_copy(acc.at[pl.ds(sid * RPS, RPS)],
                        out_hbm.at[cid, pl.ds(sid * RPS, RPS)])

    return agg_kernel


def _tc1(x, W1, degp_t, BN=1280):
    NP, F = x.shape
    H = W1.shape[1]

    def body(x_ref, w_ref, dp_ref, h_ref, g_ref, dinv_ref):
        dp = dp_ref[...]
        deg = dp[:, 0:1] + dp[:, 1:2] + 1.0
        dinv = jnp.where(deg > 0, lax.rsqrt(deg), 0.0)
        h = jnp.dot(x_ref[...], w_ref[...], preferred_element_type=jnp.float32)
        h_ref[...] = h
        g_ref[...] = h * dinv
        dinv_ref[...] = dinv

    return pl.pallas_call(
        body,
        grid=(NP // BN,),
        in_specs=[
            pl.BlockSpec((BN, F), lambda i: (i, 0)),
            pl.BlockSpec((F, H), lambda i: (0, 0)),
            pl.BlockSpec((BN, NC), lambda i: (i, 0)),
        ],
        out_specs=[
            pl.BlockSpec((BN, H), lambda i: (i, 0)),
            pl.BlockSpec((BN, H), lambda i: (i, 0)),
            pl.BlockSpec((BN, 1), lambda i: (i, 0)),
        ],
        out_shape=[
            jax.ShapeDtypeStruct((NP, H), jnp.float32),
            jax.ShapeDtypeStruct((NP, H), jnp.float32),
            jax.ShapeDtypeStruct((NP, 1), jnp.float32),
        ],
    )(x, W1, degp_t)


def _tc2(agg1, h1, dinv2d, W2p, b1r, BN=1280):
    NP, H = h1.shape
    Dp = W2p.shape[1]

    def body(a_ref, h1_ref, dinv_ref, w2_ref, b1_ref, h2_ref, g2_ref):
        dinv = dinv_ref[...]
        out1 = jnp.maximum(
            dinv * a_ref[...] + (dinv * dinv) * h1_ref[...] + b1_ref[...], 0.0)
        h2 = jnp.dot(out1, w2_ref[...], preferred_element_type=jnp.float32)
        h2_ref[...] = h2
        g2_ref[...] = dinv * h2

    return pl.pallas_call(
        body,
        grid=(NP // BN,),
        in_specs=[
            pl.BlockSpec((BN, H), lambda i: (i, 0)),
            pl.BlockSpec((BN, H), lambda i: (i, 0)),
            pl.BlockSpec((BN, 1), lambda i: (i, 0)),
            pl.BlockSpec((H, Dp), lambda i: (0, 0)),
            pl.BlockSpec((1, H), lambda i: (0, 0)),
        ],
        out_specs=[
            pl.BlockSpec((BN, Dp), lambda i: (i, 0)),
            pl.BlockSpec((BN, Dp), lambda i: (i, 0)),
        ],
        out_shape=[
            jax.ShapeDtypeStruct((NP, Dp), jnp.float32),
            jax.ShapeDtypeStruct((NP, Dp), jnp.float32),
        ],
    )(agg1, h1, dinv2d, W2p, b1r)


def _tc3(parts2, h2, dinv2d, b2r, C, BN=1280):
    NP, Dp = h2.shape

    def body(p_ref, h2_ref, dinv_ref, b2_ref, out_ref):
        dinv = dinv_ref[...]
        p = p_ref[...]
        x = dinv * (p[0] + p[1]) + (dinv * dinv) * h2_ref[...] + b2_ref[...]
        valid = lax.broadcasted_iota(jnp.int32, x.shape, 1) < C
        x = jnp.where(valid, x, -1e30)
        m = jnp.max(x, axis=1, keepdims=True)
        ls = jnp.log(jnp.sum(jnp.exp(x - m), axis=1, keepdims=True))
        out_ref[...] = x - m - ls

    return pl.pallas_call(
        body,
        grid=(NP // BN,),
        in_specs=[
            pl.BlockSpec((NC, BN, Dp), lambda i: (0, i, 0)),
            pl.BlockSpec((BN, Dp), lambda i: (i, 0)),
            pl.BlockSpec((BN, 1), lambda i: (i, 0)),
            pl.BlockSpec((1, Dp), lambda i: (0, 0)),
        ],
        out_specs=pl.BlockSpec((BN, Dp), lambda i: (i, 0)),
        out_shape=jax.ShapeDtypeStruct((NP, Dp), jnp.float32),
    )(parts2, h2, dinv2d, b2r)


def kernel(features, edge_index, edge_weight, W1, b1, W2, b2):
    N, F = features.shape
    H = W1.shape[1]
    C = W2.shape[1]
    E = edge_weight.shape[0]
    Dp = ((C + 15) // 16) * 16
    NP = ((N + 2047) // 2048) * 2048
    nch = (E // NW) // K

    x_p = jnp.pad(features, ((0, NP - N), (0, 0)))
    row3d = edge_index[0].reshape(NW, nch, K)
    col3d = edge_index[1].reshape(NW, nch, K)
    w3d = edge_weight.reshape(NW, nch, K)
    row3s = edge_index[0].reshape(NS, nch * NC, K)
    col3s = edge_index[1].reshape(NS, nch * NC, K)
    w3s = edge_weight.reshape(NS, nch * NC, K)

    zdeg = jnp.zeros((NP // NS,), jnp.float32)
    zH = jnp.zeros((NP // NS, H // NC), jnp.float32)
    zD = jnp.zeros((NP // NS, Dp), jnp.float32)

    W2p = jnp.pad(W2, ((0, 0), (0, Dp - C)))
    b1r = b1.reshape(1, H)
    b2r = jnp.pad(b2, (0, Dp - C)).reshape(1, Dp)

    degp = _make_deg(NP, E)(col3d, w3d, zdeg)
    degp_t = degp.reshape(NC, NP).T
    h1, g1, dinv2d = _tc1(x_p, W1, degp_t)
    g1a = g1[:, : H // NC]
    g1b = g1[:, H // NC:]
    parts1 = _make_agg_split(NP, E, H)(
        g1a, g1b, row3s, col3s, w3s, zH)
    agg1 = jnp.concatenate([parts1[0], parts1[1]], axis=1)
    h2, g2 = _tc2(agg1, h1, dinv2d, W2p, b1r)
    parts2 = _make_agg(NP, E, Dp)(g2, row3d, col3d, w3d, zD)
    out = _tc3(parts2, h2, dinv2d, b2r, C)
    return out[:N, :C]

# --- scband reference (transcript-rebuilt; emitter-appended) ---
"""Pipeline reference for scband-geo-gcnconv-31894427140229 (READ-ONLY COPY).

The authoritative reference and input builder live on the scoring server;
editing this copy changes nothing except your own understanding.
"""

import jax, jax.numpy as jnp
import numpy as np

N = 10000
E = 320000
NFEAT = 128
NHID = 128
NCLASS = 40


def setup_inputs(seed: int = 0) -> dict:
    key = jax.random.key(seed)
    ks = jax.random.split(key, 8)
    features = jax.random.normal(ks[0], (N, NFEAT), dtype=jnp.float32)
    edge_index = jax.random.randint(ks[1], (2, E), 0, N, dtype=jnp.int32)
    edge_weight = jax.random.uniform(ks[2], (E,), dtype=jnp.float32)
    W1 = jax.random.normal(ks[3], (NFEAT, NHID), dtype=jnp.float32) * (1.0 / np.sqrt(NFEAT))
    b1 = jnp.zeros((NHID,), dtype=jnp.float32)
    W2 = jax.random.normal(ks[4], (NHID, NCLASS), dtype=jnp.float32) * (1.0 / np.sqrt(NHID))
    b2 = jnp.zeros((NCLASS,), dtype=jnp.float32)
    return {"features": features, "edge_index": edge_index, "edge_weight": edge_weight,
            "W1": W1, "b1": b1, "W2": W2, "b2": b2}


def _gcn_layer(x, edge_index, edge_weight, W, b):
    # Faithful PyG GCNConv: linear transform, gcn_norm with self-loops, scatter-add aggregate, bias.
    n = x.shape[0]
    loop_idx = jnp.arange(n, dtype=edge_index.dtype)
    row = jnp.concatenate([edge_index[0], loop_idx])
    col = jnp.concatenate([edge_index[1], loop_idx])
    w = jnp.concatenate([edge_weight, jnp.ones((n,), dtype=edge_weight.dtype)])
    deg = jnp.zeros((n,), dtype=w.dtype).at[col].add(w)
    dinv = jnp.where(deg > 0, 1.0 / jnp.sqrt(deg), 0.0)
    norm = dinv[row] * w * dinv[col]
    h = x @ W
    msg = norm[:, None] * jnp.take(h, row, axis=0)
    out = jnp.zeros((n, h.shape[1]), dtype=h.dtype).at[col].add(msg)
    return out + b


def reference(features, edge_index, edge_weight, W1, b1, W2, b2):
    x = jax.nn.relu(_gcn_layer(features, edge_index, edge_weight, W1, b1))
    # dropout is identity in eval / deterministic reference
    x = _gcn_layer(x.astype(jnp.float32), edge_index, edge_weight, W2, b2)
    return jax.nn.log_softmax(x, axis=1)

if __name__ == "__main__":
    import jax
    _d = setup_inputs()
    print(jax.jit(kernel)(*tuple(_d.values())))

</pallas_src>

<mosaic_0001>
#map = affine_map<(d0, d1) -> (0, 0, 0)>
#map1 = affine_map<(d0, d1) -> (0)>
module attributes {stable_mosaic.version = 14 : i64} {
  func.func @deg_kernel(%arg0: i32, %arg1: i32, %arg2: memref<32x125x80xi32, #tpu.memory_space<hbm>>, %arg3: memref<32x125x80xf32, #tpu.memory_space<hbm>>, %arg4: memref<640xf32, #tpu.memory_space<hbm>>, %arg5: memref<2x1x10240xf32, #tpu.memory_space<hbm>>, %arg6: memref<125x80xi32, #tpu.memory_space<vmem>>, %arg7: memref<125x80xf32, #tpu.memory_space<vmem>>, %arg8: memref<10240xf32, #tpu.memory_space<vmem_shared>>, %arg9: memref<!tpu.dma_semaphore, #tpu.memory_space<semaphore_mem>>) attributes {dimension_semantics = [#tpu.dimension_semantics<core_parallel>, #tpu.dimension_semantics<subcore_parallel>], iteration_bounds = array<i64: 2, 16>, scalar_prefetch = 0 : i64, scratch_operands = 4 : i64, tpu.core_type = #tpu.core_type<sc_vector_subcore>, window_params = [{transform_indices = #map}, {transform_indices = #map}, {transform_indices = #map1}, {transform_indices = #map}]} {
    %mul3A = arith.constant 2 : i32
    %mul3A_0 = arith.muli %arg1, %mul3A : i32
    %add3A = arith.addi %mul3A_0, %arg0 : i32
    %mul3A_1 = arith.constant 640 : i32
    %mul3A_2 = arith.muli %arg1, %mul3A_1 : i32
    "tpu.region"() ({
      %run_scoped3A_13 = tpu.sem_alloc : memref<!tpu.dma_semaphore, #tpu.memory_space<semaphore_mem>>
      %dma_start3A = tpu.memref_slice %arg8[%mul3A_2] : memref<10240xf32, #tpu.memory_space<vmem_shared>> -> memref<640xf32, #tpu.memory_space<vmem_shared>>
      tpu.enqueue_dma source(%arg4 : memref<640xf32, #tpu.memory_space<hbm>>) target(%dma_start3A : memref<640xf32, #tpu.memory_space<vmem_shared>>) target_semaphore(%run_scoped3A_13 : memref<!tpu.dma_semaphore, #tpu.memory_space<semaphore_mem>>)
      %dma_wait3A = tpu.memref_slice %arg8[%mul3A_2] : memref<10240xf32, #tpu.memory_space<vmem_shared>> -> memref<640xf32, #tpu.memory_space<vmem_shared>>
      tpu.wait_dma2 semaphore(%run_scoped3A_13 : memref<!tpu.dma_semaphore, #tpu.memory_space<semaphore_mem>>) src(%arg4 : memref<640xf32, #tpu.memory_space<hbm>>) dst(%dma_wait3A : memref<640xf32, #tpu.memory_space<vmem_shared>>)
      tpu.yield
    }) : () -> ()
    %barrier3A = arith.constant 0 : index
    tpu.barrier barrier_id(%barrier3A)
    "tpu.region"() ({
      %run_scoped3A_13 = tpu.sem_alloc : memref<!tpu.dma_semaphore, #tpu.memory_space<semaphore_mem>>
      %dma_start3A = arith.constant 0 : i32
      %dma_start3A_14 = arith.constant 0 : i32
      %dma_start3A_15 = tpu.memref_slice %arg2[%add3A, %dma_start3A, %dma_start3A_14] : memref<32x125x80xi32, #tpu.memory_space<hbm>> -> memref<1x125x80xi32, #tpu.memory_space<hbm>>
      %dma_start3A_16 = tpu.memref_squeeze %dma_start3A_15 : memref<1x125x80xi32, #tpu.memory_space<hbm>> -> memref<125x80xi32, #tpu.memory_space<hbm>>
      %dma_start3A_17 = arith.constant 0 : i32
      %dma_start3A_18 = arith.constant 0 : i32
      %dma_start3A_19 = tpu.memref_slice %arg2[%add3A, %dma_start3A_17, %dma_start3A_18] : memref<32x125x80xi32, #tpu.memory_space<hbm>> -> memref<1x125x80xi32, #tpu.memory_space<hbm>>
      %dma_start3A_20 = tpu.memref_squeeze %dma_start3A_19 : memref<1x125x80xi32, #tpu.memory_space<hbm>> -> memref<125x80xi32, #tpu.memory_space<hbm>>
      tpu.enqueue_dma source(%dma_start3A_20 : memref<125x80xi32, #tpu.memory_space<hbm>>) target(%arg6 : memref<125x80xi32, #tpu.memory_space<vmem>>) target_semaphore(%run_scoped3A_13 : memref<!tpu.dma_semaphore, #tpu.memory_space<semaphore_mem>>)
      %dma_wait3A = arith.constant 0 : i32
      %dma_wait3A_21 = arith.constant 0 : i32
      %dma_wait3A_22 = tpu.memref_slice %arg2[%add3A, %dma_wait3A, %dma_wait3A_21] : memref<32x125x80xi32, #tpu.memory_space<hbm>> -> memref<1x125x80xi32, #tpu.memory_space<hbm>>
      %dma_wait3A_23 = tpu.memref_squeeze %dma_wait3A_22 : memref<1x125x80xi32, #tpu.memory_space<hbm>> -> memref<125x80xi32, #tpu.memory_space<hbm>>
      %dma_wait3A_24 = arith.constant 0 : i32
      %dma_wait3A_25 = arith.constant 0 : i32
      %dma_wait3A_26 = tpu.memref_slice %arg2[%add3A, %dma_wait3A_24, %dma_wait3A_25] : memref<32x125x80xi32, #tpu.memory_space<hbm>> -> memref<1x125x80xi32, #tpu.memory_space<hbm>>
      %dma_wait3A_27 = tpu.memref_squeeze %dma_wait3A_26 : memref<1x125x80xi32, #tpu.memory_space<hbm>> -> memref<125x80xi32, #tpu.memory_space<hbm>>
      tpu.wait_dma2 semaphore(%run_scoped3A_13 : memref<!tpu.dma_semaphore, #tpu.memory_space<semaphore_mem>>) src(%dma_wait3A_27 : memref<125x80xi32, #tpu.memory_space<hbm>>) dst(%arg6 : memref<125x80xi32, #tpu.memory_space<vmem>>)
      tpu.yield
    }) : () -> ()
    "tpu.region"() ({
      %run_scoped3A_13 = tpu.sem_alloc : memref<!tpu.dma_semaphore, #tpu.memory_space<semaphore_mem>>
      %dma_start3A = arith.constant 0 : i32
      %dma_start3A_14 = arith.constant 0 : i32
      %dma_start3A_15 = tpu.memref_slice %arg3[%add3A, %dma_start3A, %dma_start3A_14] : memref<32x125x80xf32, #tpu.memory_space<hbm>> -> memref<1x125x80xf32, #tpu.memory_space<hbm>>
      %dma_start3A_16 = tpu.memref_squeeze %dma_start3A_15 : memref<1x125x80xf32, #tpu.memory_space<hbm>> -> memref<125x80xf32, #tpu.memory_space<hbm>>
      %dma_start3A_17 = arith.constant 0 : i32
      %dma_start3A_18 = arith.constant 0 : i32
      %dma_start3A_19 = tpu.memref_slice %arg3[%add3A, %dma_start3A_17, %dma_start3A_18] : memref<32x125x80xf32, #tpu.memory_space<hbm>> -> memref<1x125x80xf32, #tpu.memory_space<hbm>>
      %dma_start3A_20 = tpu.memref_squeeze %dma_start3A_19 : memref<1x125x80xf32, #tpu.memory_space<hbm>> -> memref<125x80xf32, #tpu.memory_space<hbm>>
      tpu.enqueue_dma source(%dma_start3A_20 : memref<125x80xf32, #tpu.memory_space<hbm>>) target(%arg7 : memref<125x80xf32, #tpu.memory_space<vmem>>) target_semaphore(%run_scoped3A_13 : memref<!tpu.dma_semaphore, #tpu.memory_space<semaphore_mem>>)
      %dma_wait3A = arith.constant 0 : i32
      %dma_wait3A_21 = arith.constant 0 : i32
      %dma_wait3A_22 = tpu.memref_slice %arg3[%add3A, %dma_wait3A, %dma_wait3A_21] : memref<32x125x80xf32, #tpu.memory_space<hbm>> -> memref<1x125x80xf32, #tpu.memory_space<hbm>>
      %dma_wait3A_23 = tpu.memref_squeeze %dma_wait3A_22 : memref<1x125x80xf32, #tpu.memory_space<hbm>> -> memref<125x80xf32, #tpu.memory_space<hbm>>
      %dma_wait3A_24 = arith.constant 0 : i32
      %dma_wait3A_25 = arith.constant 0 : i32
      %dma_wait3A_26 = tpu.memref_slice %arg3[%add3A, %dma_wait3A_24, %dma_wait3A_25] : memref<32x125x80xf32, #tpu.memory_space<hbm>> -> memref<1x125x80xf32, #tpu.memory_space<hbm>>
      %dma_wait3A_27 = tpu.memref_squeeze %dma_wait3A_26 : memref<1x125x80xf32, #tpu.memory_space<hbm>> -> memref<125x80xf32, #tpu.memory_space<hbm>>
      tpu.wait_dma2 semaphore(%run_scoped3A_13 : memref<!tpu.dma_semaphore, #tpu.memory_space<semaphore_mem>>) src(%dma_wait3A_27 : memref<125x80xf32, #tpu.memory_space<hbm>>) dst(%arg7 : memref<125x80xf32, #tpu.memory_space<vmem>>)
      tpu.yield
    }) : () -> ()
    %scan3A = arith.constant 0 : i32
    %scan3A_3 = arith.constant 0 : i32
    %scan3A_4 = arith.constant 125 : i32
    %scan3A_5 = arith.addi %scan3A_3, %scan3A_4 : i32
    %scan3A_6 = arith.constant 1 : i32
    scf.for %scan3A_13 = %scan3A_3 to %scan3A_5 step %scan3A_6  : i32 {
      "tpu.region"() ({
        %run_scoped3A_14 = tpu.sem_alloc : memref<!tpu.dma_semaphore, #tpu.memory_space<semaphore_mem>>
        %dma_start3A = arith.constant 0 : i32
        %dma_start3A_15 = tpu.memref_slice %arg7[%scan3A_13, %dma_start3A] : memref<125x80xf32, #tpu.memory_space<vmem>> -> memref<1x80xf32, #tpu.memory_space<vmem>>
        %dma_start3A_16 = tpu.memref_squeeze %dma_start3A_15 : memref<1x80xf32, #tpu.memory_space<vmem>> -> memref<80xf32, #tpu.memory_space<vmem>>
        %dma_start3A_17 = arith.constant 0 : i32
        %dma_start3A_18 = tpu.memref_slice %arg6[%scan3A_13, %dma_start3A_17] : memref<125x80xi32, #tpu.memory_space<vmem>> -> memref<1x80xi32, #tpu.memory_space<vmem>>
        %dma_start3A_19 = tpu.memref_squeeze %dma_start3A_18 : memref<1x80xi32, #tpu.memory_space<vmem>> -> memref<80xi32, #tpu.memory_space<vmem>>
        %dma_start3A_20 = arith.constant 0 : i32
        %dma_start3A_21 = tpu.memref_slice %arg8[%dma_start3A_20] : memref<10240xf32, #tpu.memory_space<vmem_shared>> -> memref<10240xf32, #tpu.memory_space<vmem_shared>>
        tpu.enqueue_indirect_dma source(%dma_start3A_16 : memref<80xf32, #tpu.memory_space<vmem>>) target(%dma_start3A_21 : memref<10240xf32, #tpu.memory_space<vmem_shared>>) offsets(%dma_start3A_19 : memref<80xi32, #tpu.memory_space<vmem>>) semaphore(%run_scoped3A_14 : memref<!tpu.dma_semaphore, #tpu.memory_space<semaphore_mem>>) {add = true}
        %dma_wait3A = arith.constant 0 : i32
        %dma_wait3A_22 = tpu.memref_slice %arg7[%scan3A_13, %dma_wait3A] : memref<125x80xf32, #tpu.memory_space<vmem>> -> memref<1x80xf32, #tpu.memory_space<vmem>>
        %dma_wait3A_23 = tpu.memref_squeeze %dma_wait3A_22 : memref<1x80xf32, #tpu.memory_space<vmem>> -> memref<80xf32, #tpu.memory_space<vmem>>
        %dma_wait3A_24 = arith.constant 0 : i32
        %dma_wait3A_25 = tpu.memref_slice %arg6[%scan3A_13, %dma_wait3A_24] : memref<125x80xi32, #tpu.memory_space<vmem>> -> memref<1x80xi32, #tpu.memory_space<vmem>>
        %dma_wait3A_26 = tpu.memref_squeeze %dma_wait3A_25 : memref<1x80xi32, #tpu.memory_space<vmem>> -> memref<80xi32, #tpu.memory_space<vmem>>
        %dma_wait3A_27 = arith.constant 0 : i32
        %dma_wait3A_28 = tpu.memref_slice %arg8[%dma_wait3A_27] : memref<10240xf32, #tpu.memory_space<vmem_shared>> -> memref<10240xf32, #tpu.memory_space<vmem_shared>>
        tpu.wait_indirect_dma semaphore(%run_scoped3A_14 : memref<!tpu.dma_semaphore, #tpu.memory_space<semaphore_mem>>) src(%dma_wait3A_23 : memref<80xf32, #tpu.memory_space<vmem>>) dst(%dma_wait3A_28 : memref<10240xf32, #tpu.memory_space<vmem_shared>>)
        tpu.yield
      }) : () -> ()
    }
    %scan3A_7 = arith.constant 125 : i32
    %barrier3A_8 = arith.constant 0 : index
    tpu.barrier barrier_id(%barrier3A_8)
    %mul3A_9 = arith.constant 640 : i32
    %mul3A_10 = arith.muli %arg1, %mul3A_9 : i32
    %mul3A_11 = arith.constant 640 : i32
    %mul3A_12 = arith.muli %arg1, %mul3A_11 : i32
    %run_scoped3A = arith.constant 0 : i32
    "tpu.region"() ({
      %run_scoped3A_13 = tpu.sem_alloc : memref<!tpu.dma_semaphore, #tpu.memory_space<semaphore_mem>>
      %dma_start3A = tpu.memref_slice %arg5[%arg0, %run_scoped3A, %mul3A_12] : memref<2x1x10240xf32, #tpu.memory_space<hbm>> -> memref<1x1x640xf32, #tpu.memory_space<hbm>>
      %dma_start3A_14 = tpu.memref_squeeze %dma_start3A : memref<1x1x640xf32, #tpu.memory_space<hbm>> -> memref<640xf32, #tpu.memory_space<hbm>>
      %dma_start3A_15 = tpu.memref_slice %arg8[%mul3A_10] : memref<10240xf32, #tpu.memory_space<vmem_shared>> -> memref<640xf32, #tpu.memory_space<vmem_shared>>
      tpu.enqueue_dma source(%dma_start3A_15 : memref<640xf32, #tpu.memory_space<vmem_shared>>) target(%dma_start3A_14 : memref<640xf32, #tpu.memory_space<hbm>>) target_semaphore(%run_scoped3A_13 : memref<!tpu.dma_semaphore, #tpu.memory_space<semaphore_mem>>)
      %dma_wait3A = tpu.memref_slice %arg5[%arg0, %run_scoped3A, %mul3A_12] : memref<2x1x10240xf32, #tpu.memory_space<hbm>> -> memref<1x1x640xf32, #tpu.memory_space<hbm>>
      %dma_wait3A_16 = tpu.memref_squeeze %dma_wait3A : memref<1x1x640xf32, #tpu.memory_space<hbm>> -> memref<640xf32, #tpu.memory_space<hbm>>
      %dma_wait3A_17 = tpu.memref_slice %arg8[%mul3A_10] : memref<10240xf32, #tpu.memory_space<vmem_shared>> -> memref<640xf32, #tpu.memory_space<vmem_shared>>
      tpu.wait_dma2 semaphore(%run_scoped3A_13 : memref<!tpu.dma_semaphore, #tpu.memory_space<semaphore_mem>>) src(%dma_wait3A_17 : memref<640xf32, #tpu.memory_space<vmem_shared>>) dst(%dma_wait3A_16 : memref<640xf32, #tpu.memory_space<hbm>>)
      tpu.yield
    }) : () -> ()
    return
  }
}

#map = affine_map<(d0, d1) -> (0, 0)>
#map1 = affine_map<(d0, d1) -> (0, 0, 0)>
module attributes {stable_mosaic.version = 14 : i64} {
  func.func @agg_kernel(%arg0: i32, %arg1: i32, %arg2: memref<10240x48xf32, #tpu.memory_space<hbm>>, %arg3: memref<32x125x80xi32, #tpu.memory_space<hbm>>, %arg4: memref<32x125x80xi32, #tpu.memory_space<hbm>>, %arg5: memref<32x125x80xf32, #tpu.memory_space<hbm>>, %arg6: memref<640x48xf32, #tpu.memory_space<hbm>>, %arg7: memref<2x10240x48xf32, #tpu.memory_space<hbm>>, %arg8: memref<125x80xi32, #tpu.memory_space<vmem>>, %arg9: memref<125x80xi32, #tpu.memory_space<vmem>>, %arg10: memref<125x80xf32, #tpu.memory_space<vmem>>, %arg11: memref<80x48xf32, #tpu.memory_space<vmem>>, %arg12: memref<10240x48xf32, #tpu.memory_space<vmem_shared>>, %arg13: memref<!tpu.dma_semaphore, #tpu.memory_space<semaphore_mem>>) attributes {dimension_semantics = [#tpu.dimension_semantics<core_parallel>, #tpu.dimension_semantics<subcore_parallel>], iteration_bounds = array<i64: 2, 16>, scalar_prefetch = 0 : i64, scratch_operands = 6 : i64, tpu.core_type = #tpu.core_type<sc_vector_subcore>, window_params = [{transform_indices = #map}, {transform_indices = #map1}, {transform_indices = #map1}, {transform_indices = #map1}, {transform_indices = #map}, {transform_indices = #map1}]} {
    %mul3A = arith.constant 2 : i32
    %mul3A_0 = arith.muli %arg1, %mul3A : i32
    %add3A = arith.addi %mul3A_0, %arg0 : i32
    %mul3A_1 = arith.constant 640 : i32
    %mul3A_2 = arith.muli %arg1, %mul3A_1 : i32
    "tpu.region"() ({
      %run_scoped3A = tpu.sem_alloc : memref<!tpu.dma_semaphore, #tpu.memory_space<semaphore_mem>>
      %dma_start3A = arith.constant 0 : i32
      %dma_start3A_13 = tpu.memref_slice %arg12[%mul3A_2, %dma_start3A] : memref<10240x48xf32, #tpu.memory_space<vmem_shared>> -> memref<640x48xf32, #tpu.memory_space<vmem_shared>>
      tpu.enqueue_dma source(%arg6 : memref<640x48xf32, #tpu.memory_space<hbm>>) target(%dma_start3A_13 : memref<640x48xf32, #tpu.memory_space<vmem_shared>>) target_semaphore(%run_scoped3A : memref<!tpu.dma_semaphore, #tpu.memory_space<semaphore_mem>>)
      %dma_wait3A = arith.constant 0 : i32
      %dma_wait3A_14 = tpu.memref_slice %arg12[%mul3A_2, %dma_wait3A] : memref<10240x48xf32, #tpu.memory_space<vmem_shared>> -> memref<640x48xf32, #tpu.memory_space<vmem_shared>>
      tpu.wait_dma2 semaphore(%run_scoped3A : memref<!tpu.dma_semaphore, #tpu.memory_space<semaphore_mem>>) src(%arg6 : memref<640x48xf32, #tpu.memory_space<hbm>>) dst(%dma_wait3A_14 : memref<640x48xf32, #tpu.memory_space<vmem_shared>>)
      tpu.yield
    }) : () -> ()
    %barrier3A = arith.constant 0 : index
    tpu.barrier barrier_id(%barrier3A)
    "tpu.region"() ({
      %run_scoped3A = tpu.sem_alloc : memref<!tpu.dma_semaphore, #tpu.memory_space<semaphore_mem>>
      %dma_start3A = arith.constant 0 : i32
      %dma_start3A_13 = arith.constant 0 : i32
      %dma_start3A_14 = tpu.memref_slice %arg3[%add3A, %dma_start3A, %dma_start3A_13] : memref<32x125x80xi32, #tpu.memory_space<hbm>> -> memref<1x125x80xi32, #tpu.memory_space<hbm>>
      %dma_start3A_15 = tpu.memref_squeeze %dma_start3A_14 : memref<1x125x80xi32, #tpu.memory_space<hbm>> -> memref<125x80xi32, #tpu.memory_space<hbm>>
      %dma_start3A_16 = arith.constant 0 : i32
      %dma_start3A_17 = arith.constant 0 : i32
      %dma_start3A_18 = tpu.memref_slice %arg3[%add3A, %dma_start3A_16, %dma_start3A_17] : memref<32x125x80xi32, #tpu.memory_space<hbm>> -> memref<1x125x80xi32, #tpu.memory_space<hbm>>
      %dma_start3A_19 = tpu.memref_squeeze %dma_start3A_18 : memref<1x125x80xi32, #tpu.memory_space<hbm>> -> memref<125x80xi32, #tpu.memory_space<hbm>>
      tpu.enqueue_dma source(%dma_start3A_19 : memref<125x80xi32, #tpu.memory_space<hbm>>) target(%arg8 : memref<125x80xi32, #tpu.memory_space<vmem>>) target_semaphore(%run_scoped3A : memref<!tpu.dma_semaphore, #tpu.memory_space<semaphore_mem>>)
      %dma_wait3A = arith.constant 0 : i32
      %dma_wait3A_20 = arith.constant 0 : i32
      %dma_wait3A_21 = tpu.memref_slice %arg3[%add3A, %dma_wait3A, %dma_wait3A_20] : memref<32x125x80xi32, #tpu.memory_space<hbm>> -> memref<1x125x80xi32, #tpu.memory_space<hbm>>
      %dma_wait3A_22 = tpu.memref_squeeze %dma_wait3A_21 : memref<1x125x80xi32, #tpu.memory_space<hbm>> -> memref<125x80xi32, #tpu.memory_space<hbm>>
      %dma_wait3A_23 = arith.constant 0 : i32
      %dma_wait3A_24 = arith.constant 0 : i32
      %dma_wait3A_25 = tpu.memref_slice %arg3[%add3A, %dma_wait3A_23, %dma_wait3A_24] : memref<32x125x80xi32, #tpu.memory_space<hbm>> -> memref<1x125x80xi32, #tpu.memory_space<hbm>>
      %dma_wait3A_26 = tpu.memref_squeeze %dma_wait3A_25 : memref<1x125x80xi32, #tpu.memory_space<hbm>> -> memref<125x80xi32, #tpu.memory_space<hbm>>
      tpu.wait_dma2 semaphore(%run_scoped3A : memref<!tpu.dma_semaphore, #tpu.memory_space<semaphore_mem>>) src(%dma_wait3A_26 : memref<125x80xi32, #tpu.memory_space<hbm>>) dst(%arg8 : memref<125x80xi32, #tpu.memory_space<vmem>>)
      tpu.yield
    }) : () -> ()
    "tpu.region"() ({
      %run_scoped3A = tpu.sem_alloc : memref<!tpu.dma_semaphore, #tpu.memory_space<semaphore_mem>>
      %dma_start3A = arith.constant 0 : i32
      %dma_start3A_13 = arith.constant 0 : i32
      %dma_start3A_14 = tpu.memref_slice %arg4[%add3A, %dma_start3A, %dma_start3A_13] : memref<32x125x80xi32, #tpu.memory_space<hbm>> -> memref<1x125x80xi32, #tpu.memory_space<hbm>>
      %dma_start3A_15 = tpu.memref_squeeze %dma_start3A_14 : memref<1x125x80xi32, #tpu.memory_space<hbm>> -> memref<125x80xi32, #tpu.memory_space<hbm>>
      %dma_start3A_16 = arith.constant 0 : i32
      %dma_start3A_17 = arith.constant 0 : i32
      %dma_start3A_18 = tpu.memref_slice %arg4[%add3A, %dma_start3A_16, %dma_start3A_17] : memref<32x125x80xi32, #tpu.memory_space<hbm>> -> memref<1x125x80xi32, #tpu.memory_space<hbm>>
      %dma_start3A_19 = tpu.memref_squeeze %dma_start3A_18 : memref<1x125x80xi32, #tpu.memory_space<hbm>> -> memref<125x80xi32, #tpu.memory_space<hbm>>
      tpu.enqueue_dma source(%dma_start3A_19 : memref<125x80xi32, #tpu.memory_space<hbm>>) target(%arg9 : memref<125x80xi32, #tpu.memory_space<vmem>>) target_semaphore(%run_scoped3A : memref<!tpu.dma_semaphore, #tpu.memory_space<semaphore_mem>>)
      %dma_wait3A = arith.constant 0 : i32
      %dma_wait3A_20 = arith.constant 0 : i32
      %dma_wait3A_21 = tpu.memref_slice %arg4[%add3A, %dma_wait3A, %dma_wait3A_20] : memref<32x125x80xi32, #tpu.memory_space<hbm>> -> memref<1x125x80xi32, #tpu.memory_space<hbm>>
      %dma_wait3A_22 = tpu.memref_squeeze %dma_wait3A_21 : memref<1x125x80xi32, #tpu.memory_space<hbm>> -> memref<125x80xi32, #tpu.memory_space<hbm>>
      %dma_wait3A_23 = arith.constant 0 : i32
      %dma_wait3A_24 = arith.constant 0 : i32
      %dma_wait3A_25 = tpu.memref_slice %arg4[%add3A, %dma_wait3A_23, %dma_wait3A_24] : memref<32x125x80xi32, #tpu.memory_space<hbm>> -> memref<1x125x80xi32, #tpu.memory_space<hbm>>
      %dma_wait3A_26 = tpu.memref_squeeze %dma_wait3A_25 : memref<1x125x80xi32, #tpu.memory_space<hbm>> -> memref<125x80xi32, #tpu.memory_space<hbm>>
      tpu.wait_dma2 semaphore(%run_scoped3A : memref<!tpu.dma_semaphore, #tpu.memory_space<semaphore_mem>>) src(%dma_wait3A_26 : memref<125x80xi32, #tpu.memory_space<hbm>>) dst(%arg9 : memref<125x80xi32, #tpu.memory_space<vmem>>)
      tpu.yield
    }) : () -> ()
    "tpu.region"() ({
      %run_scoped3A = tpu.sem_alloc : memref<!tpu.dma_semaphore, #tpu.memory_space<semaphore_mem>>
      %dma_start3A = arith.constant 0 : i32
      %dma_start3A_13 = arith.constant 0 : i32
      %dma_start3A_14 = tpu.memref_slice %arg5[%add3A, %dma_start3A, %dma_start3A_13] : memref<32x125x80xf32, #tpu.memory_space<hbm>> -> memref<1x125x80xf32, #tpu.memory_space<hbm>>
      %dma_start3A_15 = tpu.memref_squeeze %dma_start3A_14 : memref<1x125x80xf32, #tpu.memory_space<hbm>> -> memref<125x80xf32, #tpu.memory_space<hbm>>
      %dma_start3A_16 = arith.constant 0 : i32
      %dma_start3A_17 = arith.constant 0 : i32
      %dma_start3A_18 = tpu.memref_slice %arg5[%add3A, %dma_start3A_16, %dma_start3A_17] : memref<32x125x80xf32, #tpu.memory_space<hbm>> -> memref<1x125x80xf32, #tpu.memory_space<hbm>>
      %dma_start3A_19 = tpu.memref_squeeze %dma_start3A_18 : memref<1x125x80xf32, #tpu.memory_space<hbm>> -> memref<125x80xf32, #tpu.memory_space<hbm>>
      tpu.enqueue_dma source(%dma_start3A_19 : memref<125x80xf32, #tpu.memory_space<hbm>>) target(%arg10 : memref<125x80xf32, #tpu.memory_space<vmem>>) target_semaphore(%run_scoped3A : memref<!tpu.dma_semaphore, #tpu.memory_space<semaphore_mem>>)
      %dma_wait3A = arith.constant 0 : i32
      %dma_wait3A_20 = arith.constant 0 : i32
      %dma_wait3A_21 = tpu.memref_slice %arg5[%add3A, %dma_wait3A, %dma_wait3A_20] : memref<32x125x80xf32, #tpu.memory_space<hbm>> -> memref<1x125x80xf32, #tpu.memory_space<hbm>>
      %dma_wait3A_22 = tpu.memref_squeeze %dma_wait3A_21 : memref<1x125x80xf32, #tpu.memory_space<hbm>> -> memref<125x80xf32, #tpu.memory_space<hbm>>
      %dma_wait3A_23 = arith.constant 0 : i32
      %dma_wait3A_24 = arith.constant 0 : i32
      %dma_wait3A_25 = tpu.memref_slice %arg5[%add3A, %dma_wait3A_23, %dma_wait3A_24] : memref<32x125x80xf32, #tpu.memory_space<hbm>> -> memref<1x125x80xf32, #tpu.memory_space<hbm>>
      %dma_wait3A_26 = tpu.memref_squeeze %dma_wait3A_25 : memref<1x125x80xf32, #tpu.memory_space<hbm>> -> memref<125x80xf32, #tpu.memory_space<hbm>>
      tpu.wait_dma2 semaphore(%run_scoped3A : memref<!tpu.dma_semaphore, #tpu.memory_space<semaphore_mem>>) src(%dma_wait3A_26 : memref<125x80xf32, #tpu.memory_space<hbm>>) dst(%arg10 : memref<125x80xf32, #tpu.memory_space<vmem>>)
      tpu.yield
    }) : () -> ()
    %scan3A = arith.constant 0 : i32
    %scan3A_3 = arith.constant 0 : i32
    %scan3A_4 = arith.constant 125 : i32
    %scan3A_5 = arith.addi %scan3A_3, %scan3A_4 : i32
    %scan3A_6 = arith.constant 1 : i32
    scf.for %scan3A_13 = %scan3A_3 to %scan3A_5 step %scan3A_6  : i32 {
      %dma_start3A = arith.constant 0 : i32
      %dma_start3A_14 = tpu.memref_slice %arg8[%scan3A_13, %dma_start3A] : memref<125x80xi32, #tpu.memory_space<vmem>> -> memref<1x80xi32, #tpu.memory_space<vmem>>
      %dma_start3A_15 = tpu.memref_squeeze %dma_start3A_14 : memref<1x80xi32, #tpu.memory_space<vmem>> -> memref<80xi32, #tpu.memory_space<vmem>>
      %dma_start3A_16 = arith.constant 0 : i32
      %dma_start3A_17 = arith.constant 0 : i32
      %dma_start3A_18 = tpu.memref_slice %arg2[%dma_start3A_16, %dma_start3A_17] : memref<10240x48xf32, #tpu.memory_space<hbm>> -> memref<10240x48xf32, #tpu.memory_space<hbm>>
      tpu.enqueue_indirect_dma source(%dma_start3A_18 : memref<10240x48xf32, #tpu.memory_space<hbm>>) target(%arg11 : memref<80x48xf32, #tpu.memory_space<vmem>>) offsets(%dma_start3A_15 : memref<80xi32, #tpu.memory_space<vmem>>) semaphore(%arg13 : memref<!tpu.dma_semaphore, #tpu.memory_space<semaphore_mem>>)
      %dma_wait3A = arith.constant 0 : i32
      %dma_wait3A_19 = tpu.memref_slice %arg8[%scan3A_13, %dma_wait3A] : memref<125x80xi32, #tpu.memory_space<vmem>> -> memref<1x80xi32, #tpu.memory_space<vmem>>
      %dma_wait3A_20 = tpu.memref_squeeze %dma_wait3A_19 : memref<1x80xi32, #tpu.memory_space<vmem>> -> memref<80xi32, #tpu.memory_space<vmem>>
      %dma_wait3A_21 = arith.constant 0 : i32
      %dma_wait3A_22 = arith.constant 0 : i32
      %dma_wait3A_23 = tpu.memref_slice %arg2[%dma_wait3A_21, %dma_wait3A_22] : memref<10240x48xf32, #tpu.memory_space<hbm>> -> memref<10240x48xf32, #tpu.memory_space<hbm>>
      tpu.wait_indirect_dma semaphore(%arg13 : memref<!tpu.dma_semaphore, #tpu.memory_space<semaphore_mem>>) src(%dma_wait3A_23 : memref<10240x48xf32, #tpu.memory_space<hbm>>) dst(%arg11 : memref<80x48xf32, #tpu.memory_space<vmem>>)
      %scan3A_24 = arith.constant 0 : i32
      %scan3A_25 = arith.constant 0 : i32
      %scan3A_26 = arith.constant 5 : i32
      %scan3A_27 = arith.addi %scan3A_25, %scan3A_26 : i32
      %scan3A_28 = arith.constant 1 : i32
      scf.for %scan3A_30 = %scan3A_25 to %scan3A_27 step %scan3A_28  : i32 {
        %mul3A_31 = arith.constant 16 : i32
        %mul3A_32 = arith.muli %scan3A_30, %mul3A_31 : i32
        %get3A = arith.constant 0 : i32
        %get3A_33 = tpu.memref_slice %arg10[%scan3A_13, %get3A] : memref<125x80xf32, #tpu.memory_space<vmem>> -> memref<1x80xf32, #tpu.memory_space<vmem>>
        %get3A_34 = tpu.memref_squeeze %get3A_33 : memref<1x80xf32, #tpu.memory_space<vmem>> -> memref<80xf32, #tpu.memory_space<vmem>>
        %get3A_35 = arith.index_cast %mul3A_32 : i32 to index
        %get3A_36 = tpu.vector_load %get3A_34[%get3A_35] {strides = array<i32>} : memref<80xf32, #tpu.memory_space<vmem>>, vector<16xf32>,
        %get3A_37 = vector.shape_cast %get3A_36 : vector<16xf32> to vector<16xf32>
        %mul3A_38 = arith.constant 16 : i32
        %mul3A_39 = arith.muli %scan3A_30, %mul3A_38 : i32
        %slice3A = vector.extract_strided_slice %get3A_37 {offsets = [0], sizes = [1], strides = [1]} : vector<16xf32> to vector<1xf32>
        %squeeze3A = vector.extract %slice3A[0] : f32 from vector<1xf32>
        %add3A_40 = arith.constant 0 : i32
        %add3A_41 = arith.addi %mul3A_39, %add3A_40 : i32
        %get3A_42 = arith.index_cast %add3A_41 : i32 to index
        %get3A_43 = arith.constant 0 : index
        %get3A_44 = tpu.vector_load %arg11[%get3A_42, %get3A_43] {strides = array<i32>} : memref<80x48xf32, #tpu.memory_space<vmem>>, vector<1x16xf32>,
        %get3A_45 = vector.shape_cast %get3A_44 : vector<1x16xf32> to vector<16xf32>
        %mul3A_46 = vector.broadcast %squeeze3A : f32 to vector<16xf32>
        %mul3A_47 = arith.mulf %get3A_45, %mul3A_46 : vector<16xf32>
        %add3A_48 = arith.constant 0 : i32
        %add3A_49 = arith.addi %mul3A_39, %add3A_48 : i32
        %swap3A = arith.index_cast %add3A_49 : i32 to index
        %swap3A_50 = arith.constant 0 : index
        %swap3A_51 = tpu.vector_load %arg11[%swap3A, %swap3A_50] {strides = array<i32>} : memref<80x48xf32, #tpu.memory_space<vmem>>, vector<1x16xf32>,
        %swap3A_52 = vector.shape_cast %swap3A_51 : vector<1x16xf32> to vector<16xf32>
        %swap3A_53 = vector.shape_cast %mul3A_47 : vector<16xf32> to vector<1x16xf32>
        tpu.vector_store %arg11[%swap3A, %swap3A_50], %swap3A_53 {strides = array<i32>} : memref<80x48xf32, #tpu.memory_space<vmem>>, vector<1x16xf32>,
        %add3A_54 = arith.constant 0 : i32
        %add3A_55 = arith.addi %mul3A_39, %add3A_54 : i32
        %get3A_56 = arith.index_cast %add3A_55 : i32 to index
        %get3A_57 = arith.constant 16 : index
        %get3A_58 = tpu.vector_load %arg11[%get3A_56, %get3A_57] {strides = array<i32>} : memref<80x48xf32, #tpu.memory_space<vmem>>, vector<1x16xf32>,
        %get3A_59 = vector.shape_cast %get3A_58 : vector<1x16xf32> to vector<16xf32>
        %mul3A_60 = vector.broadcast %squeeze3A : f32 to vector<16xf32>
        %mul3A_61 = arith.mulf %get3A_59, %mul3A_60 : vector<16xf32>
        %add3A_62 = arith.constant 0 : i32
        %add3A_63 = arith.addi %mul3A_39, %add3A_62 : i32
        %swap3A_64 = arith.index_cast %add3A_63 : i32 to index
        %swap3A_65 = arith.constant 16 : index
        %swap3A_66 = tpu.vector_load %arg11[%swap3A_64, %swap3A_65] {strides = array<i32>} : memref<80x48xf32, #tpu.memory_space<vmem>>, vector<1x16xf32>,
        %swap3A_67 = vector.shape_cast %swap3A_66 : vector<1x16xf32> to vector<16xf32>
        %swap3A_68 = vector.shape_cast %mul3A_61 : vector<16xf32> to vector<1x16xf32>
        tpu.vector_store %arg11[%swap3A_64, %swap3A_65], %swap3A_68 {strides = array<i32>} : memref<80x48xf32, #tpu.memory_space<vmem>>, vector<1x16xf32>,
        %add3A_69 = arith.constant 0 : i32
        %add3A_70 = arith.addi %mul3A_39, %add3A_69 : i32
        %get3A_71 = arith.index_cast %add3A_70 : i32 to index
        %get3A_72 = arith.constant 32 : index
        %get3A_73 = tpu.vector_load %arg11[%get3A_71, %get3A_72] {strides = array<i32>} : memref<80x48xf32, #tpu.memory_space<vmem>>, vector<1x16xf32>,
        %get3A_74 = vector.shape_cast %get3A_73 : vector<1x16xf32> to vector<16xf32>
        %mul3A_75 = vector.broadcast %squeeze3A : f32 to vector<16xf32>
        %mul3A_76 = arith.mulf %get3A_74, %mul3A_75 : vector<16xf32>
        %add3A_77 = arith.constant 0 : i32
        %add3A_78 = arith.addi %mul3A_39, %add3A_77 : i32
        %swap3A_79 = arith.index_cast %add3A_78 : i32 to index
        %swap3A_80 = arith.constant 32 : index
        %swap3A_81 = tpu.vector_load %arg11[%swap3A_79, %swap3A_80] {strides = array<i32>} : memref<80x48xf32, #tpu.memory_space<vmem>>, vector<1x16xf32>,
        %swap3A_82 = vector.shape_cast %swap3A_81 : vector<1x16xf32> to vector<16xf32>
        %swap3A_83 = vector.shape_cast %mul3A_76 : vector<16xf32> to vector<1x16xf32>
        tpu.vector_store %arg11[%swap3A_79, %swap3A_80], %swap3A_83 {strides = array<i32>} : memref<80x48xf32, #tpu.memory_space<vmem>>, vector<1x16xf32>,
        %slice3A_84 = vector.extract_strided_slice %get3A_37 {offsets = [1], sizes = [1], strides = [1]} : vector<16xf32> to vector<1xf32>
        %squeeze3A_85 = vector.extract %slice3A_84[0] : f32 from vector<1xf32>
        %add3A_86 = arith.constant 1 : i32
        %add3A_87 = arith.addi %mul3A_39, %add3A_86 : i32
        %get3A_88 = arith.index_cast %add3A_87 : i32 to index
        %get3A_89 = arith.constant 0 : index
        %get3A_90 = tpu.vector_load %arg11[%get3A_88, %get3A_89] {strides = array<i32>} : memref<80x48xf32, #tpu.memory_space<vmem>>, vector<1x16xf32>,
        %get3A_91 = vector.shape_cast %get3A_90 : vector<1x16xf32> to vector<16xf32>
        %mul3A_92 = vector.broadcast %squeeze3A_85 : f32 to vector<16xf32>
        %mul3A_93 = arith.mulf %get3A_91, %mul3A_92 : vector<16xf32>
        %add3A_94 = arith.constant 1 : i32
        %add3A_95 = arith.addi %mul3A_39, %add3A_94 : i32
        %swap3A_96 = arith.index_cast %add3A_95 : i32 to index
        %swap3A_97 = arith.constant 0 : index
        %swap3A_98 = tpu.vector_load %arg11[%swap3A_96, %swap3A_97] {strides = array<i32>} : memref<80x48xf32, #tpu.memory_space<vmem>>, vector<1x16xf32>,
        %swap3A_99 = vector.shape_cast %swap3A_98 : vector<1x16xf32> to vector<16xf32>
        %swap3A_100 = vector.shape_cast %mul3A_93 : vector<16xf32> to vector<1x16xf32>
        tpu.vector_store %arg11[%swap3A_96, %swap3A_97], %swap3A_100 {strides = array<i32>} : memref<80x48xf32, #tpu.memory_space<vmem>>, vector<1x16xf32>,
        %add3A_101 = arith.constant 1 : i32
        %add3A_102 = arith.addi %mul3A_39, %add3A_101 : i32
        %get3A_103 = arith.index_cast %add3A_102 : i32 to index
        %get3A_104 = arith.constant 16 : index
        %get3A_105 = tpu.vector_load %arg11[%get3A_103, %get3A_104] {strides = array<i32>} : memref<80x48xf32, #tpu.memory_space<vmem>>, vector<1x16xf32>,
        %get3A_106 = vector.shape_cast %get3A_105 : vector<1x16xf32> to vector<16xf32>
        %mul3A_107 = vector.broadcast %squeeze3A_85 : f32 to vector<16xf32>
        %mul3A_108 = arith.mulf %get3A_106, %mul3A_107 : vector<16xf32>
        %add3A_109 = arith.constant 1 : i32
        %add3A_110 = arith.addi %mul3A_39, %add3A_109 : i32
        %swap3A_111 = arith.index_cast %add3A_110 : i32 to index
        %swap3A_112 = arith.constant 16 : index
        %swap3A_113 = tpu.vector_load %arg11[%swap3A_111, %swap3A_112] {strides = array<i32>} : memref<80x48xf32, #tpu.memory_space<vmem>>, vector<1x16xf32>,
        %swap3A_114 = vector.shape_cast %swap3A_113 : vector<1x16xf32> to vector<16xf32>
        %swap3A_115 = vector.shape_cast %mul3A_108 : vector<16xf32> to vector<1x16xf32>
        tpu.vector_store %arg11[%swap3A_111, %swap3A_112], %swap3A_115 {strides = array<i32>} : memref<80x48xf32, #tpu.memory_space<vmem>>, vector<1x16xf32>,
        %add3A_116 = arith.constant 1 : i32
        %add3A_117 = arith.addi %mul3A_39, %add3A_116 : i32
        %get3A_118 = arith.index_cast %add3A_117 : i32 to index
        %get3A_119 = arith.constant 32 : index
        %get3A_120 = tpu.vector_load %arg11[%get3A_118, %get3A_119] {strides = array<i32>} : memref<80x48xf32, #tpu.memory_space<vmem>>, vector<1x16xf32>,
        %get3A_121 = vector.shape_cast %get3A_120 : vector<1x16xf32> to vector<16xf32>
        %mul3A_122 = vector.broadcast %squeeze3A_85 : f32 to vector<16xf32>
        %mul3A_123 = arith.mulf %get3A_121, %mul3A_122 : vector<16xf32>
        %add3A_124 = arith.constant 1 : i32
        %add3A_125 = arith.addi %mul3A_39, %add3A_124 : i32
        %swap3A_126 = arith.index_cast %add3A_125 : i32 to index
        %swap3A_127 = arith.constant 32 : index
        %swap3A_128 = tpu.vector_load %arg11[%swap3A_126, %swap3A_127] {strides = array<i32>} : memref<80x48xf32, #tpu.memory_space<vmem>>, vector<1x16xf32>,
        %swap3A_129 = vector.shape_cast %swap3A_128 : vector<1x16xf32> to vector<16xf32>
        %swap3A_130 = vector.shape_cast %mul3A_123 : vector<16xf32> to vector<1x16xf32>
        tpu.vector_store %arg11[%swap3A_126, %swap3A_127], %swap3A_130 {strides = array<i32>} : memref<80x48xf32, #tpu.memory_space<vmem>>, vector<1x16xf32>,
        %slice3A_131 = vector.extract_strided_slice %get3A_37 {offsets = [2], sizes = [1], strides = [1]} : vector<16xf32> to vector<1xf32>
        %squeeze3A_132 = vector.extract %slice3A_131[0] : f32 from vector<1xf32>
        %add3A_133 = arith.constant 2 : i32
        %add3A_134 = arith.addi %mul3A_39, %add3A_133 : i32
        %get3A_135 = arith.index_cast %add3A_134 : i32 to index
        %get3A_136 = arith.constant 0 : index
        %get3A_137 = tpu.vector_load %arg11[%get3A_135, %get3A_136] {strides = array<i32>} : memref<80x48xf32, #tpu.memory_space<vmem>>, vector<1x16xf32>,
        %get3A_138 = vector.shape_cast %get3A_137 : vector<1x16xf32> to vector<16xf32>
        %mul3A_139 = vector.broadcast %squeeze3A_132 : f32 to vector<16xf32>
        %mul3A_140 = arith.mulf %get3A_138, %mul3A_139 : vector<16xf32>
        %add3A_141 = arith.constant 2 : i32
        %add3A_142 = arith.addi %mul3A_39, %add3A_141 : i32
        %swap3A_143 = arith.index_cast %add3A_142 : i32 to index
        %swap3A_144 = arith.constant 0 : index
        %swap3A_145 = tpu.vector_load %arg11[%swap3A_143, %swap3A_144] {strides = array<i32>} : memref<80x48xf32, #tpu.memory_space<vmem>>, vector<1x16xf32>,
        %swap3A_146 = vector.shape_cast %swap3A_145 : vector<1x16xf32> to vector<16xf32>
        %swap3A_147 = vector.shape_cast %mul3A_140 : vector<16xf32> to vector<1x16xf32>
        tpu.vector_store %arg11[%swap3A_143, %swap3A_144], %swap3A_147 {strides = array<i32>} : memref<80x48xf32, #tpu.memory_space<vmem>>, vector<1x16xf32>,
        %add3A_148 = arith.constant 2 : i32
        %add3A_149 = arith.addi %mul3A_39, %add3A_148 : i32
        %get3A_150 = arith.index_cast %add3A_149 : i32 to index
        %get3A_151 = arith.constant 16 : index
        %get3A_152 = tpu.vector_load %arg11[%get3A_150, %get3A_151] {strides = array<i32>} : memref<80x48xf32, #tpu.memory_space<vmem>>, vector<1x16xf32>,
        %get3A_153 = vector.shape_cast %get3A_152 : vector<1x16xf32> to vector<16xf32>
        %mul3A_154 = vector.broadcast %squeeze3A_132 : f32 to vector<16xf32>
        %mul3A_155 = arith.mulf %get3A_153, %mul3A_154 : vector<16xf32>
        %add3A_156 = arith.constant 2 : i32
        %add3A_157 = arith.addi %mul3A_39, %add3A_156 : i32
        %swap3A_158 = arith.index_cast %add3A_157 : i32 to index
        %swap3A_159 = arith.constant 16 : index
        %swap3A_160 = tpu.vector_load %arg11[%swap3A_158, %swap3A_159] {strides = array<i32>} : memref<80x48xf32, #tpu.memory_space<vmem>>, vector<1x16xf32>,
        %swap3A_161 = vector.shape_cast %swap3A_160 : vector<1x16xf32> to vector<16xf32>
        %swap3A_162 = vector.shape_cast %mul3A_155 : vector<16xf32> to vector<1x16xf32>
        tpu.vector_store %arg11[%swap3A_158, %swap3A_159], %swap3A_162 {strides = array<i32>} : memref<80x48xf32, #tpu.memory_space<vmem>>, vector<1x16xf32>,
        %add3A_163 = arith.constant 2 : i32
        %add3A_164 = arith.addi %mul3A_39, %add3A_163 : i32
        %get3A_165 = arith.index_cast %add3A_164 : i32 to index
        %get3A_166 = arith.constant 32 : index
        %get3A_167 = tpu.vector_load %arg11[%get3A_165, %get3A_166] {strides = array<i32>} : memref<80x48xf32, #tpu.memory_space<vmem>>, vector<1x16xf32>,
        %get3A_168 = vector.shape_cast %get3A_167 : vector<1x16xf32> to vector<16xf32>
        %mul3A_169 = vector.broadcast %squeeze3A_132 : f32 to vector<16xf32>
        %mul3A_170 = arith.mulf %get3A_168, %mul3A_169 : vector<16xf32>
        %add3A_171 = arith.constant 2 : i32
        %add3A_172 = arith.addi %mul3A_39, %add3A_171 : i32
        %swap3A_173 = arith.index_cast %add3A_172 : i32 to index
        %swap3A_174 = arith.constant 32 : index
        %swap3A_175 = tpu.vector_load %arg11[%swap3A_173, %swap3A_174] {strides = array<i32>} : memref<80x48xf32, #tpu.memory_space<vmem>>, vector<1x16xf32>,
        %swap3A_176 = vector.shape_cast %swap3A_175 : vector<1x16xf32> to vector<16xf32>
        %swap3A_177 = vector.shape_cast %mul3A_170 : vector<16xf32> to vector<1x16xf32>
        tpu.vector_store %arg11[%swap3A_173, %swap3A_174], %swap3A_177 {strides = array<i32>} : memref<80x48xf32, #tpu.memory_space<vmem>>, vector<1x16xf32>,
        %slice3A_178 = vector.extract_strided_slice %get3A_37 {offsets = [3], sizes = [1], strides = [1]} : vector<16xf32> to vector<1xf32>
        %squeeze3A_179 = vector.extract %slice3A_178[0] : f32 from vector<1xf32>
        %add3A_180 = arith.constant 3 : i32
        %add3A_181 = arith.addi %mul3A_39, %add3A_180 : i32
        %get3A_182 = arith.index_cast %add3A_181 : i32 to index
        %get3A_183 = arith.constant 0 : index
        %get3A_184 = tpu.vector_load %arg11[%get3A_182, %get3A_183] {strides = array<i32>} : memref<80x48xf32, #tpu.memory_space<vmem>>, vector<1x16xf32>,
        %get3A_185 = vector.shape_cast %get3A_184 : vector<1x16xf32> to vector<16xf32>
        %mul3A_186 = vector.broadcast %squeeze3A_179 : f32 to vector<16xf32>
        %mul3A_187 = arith.mulf %get3A_185, %mul3A_186 : vector<16xf32>
        %add3A_188 = arith.constant 3 : i32
        %add3A_189 = arith.addi %mul3A_39, %add3A_188 : i32
        %swap3A_190 = arith.index_cast %add3A_189 : i32 to index
        %swap3A_191 = arith.constant 0 : index
        %swap3A_192 = tpu.vector_load %arg11[%swap3A_190, %swap3A_191] {strides = array<i32>} : memref<80x48xf32, #tpu.memory_space<vmem>>, vector<1x16xf32>,
        %swap3A_193 = vector.shape_cast %swap3A_192 : vector<1x16xf32> to vector<16xf32>
        %swap3A_194 = vector.shape_cast %mul3A_187 : vector<16xf32> to vector<1x16xf32>
        tpu.vector_store %arg11[%swap3A_190, %swap3A_191], %swap3A_194 {strides = array<i32>} : memref<80x48xf32, #tpu.memory_space<vmem>>, vector<1x16xf32>,
        %add3A_195 = arith.constant 3 : i32
        %add3A_196 = arith.addi %mul3A_39, %add3A_195 : i32
        %get3A_197 = arith.index_cast %add3A_196 : i32 to index
        %get3A_198 = arith.constant 16 : index
        %get3A_199 = tpu.vector_load %arg11[%get3A_197, %get3A_198] {strides = array<i32>} : memref<80x48xf32, #tpu.memory_space<vmem>>, vector<1x16xf32>,
        %get3A_200 = vector.shape_cast %get3A_199 : vector<1x16xf32> to vector<16xf32>
        %mul3A_201 = vector.broadcast %squeeze3A_179 : f32 to vector<16xf32>
        %mul3A_202 = arith.mulf %get3A_200, %mul3A_201 : vector<16xf32>
        %add3A_203 = arith.constant 3 : i32
        %add3A_204 = arith.addi %mul3A_39, %add3A_203 : i32
        %swap3A_205 = arith.index_cast %add3A_204 : i32 to index
        %swap3A_206 = arith.constant 16 : index
        %swap3A_207 = tpu.vector_load %arg11[%swap3A_205, %swap3A_206] {strides = array<i32>} : memref<80x48xf32, #tpu.memory_space<vmem>>, vector<1x16xf32>,
        %swap3A_208 = vector.shape_cast %swap3A_207 : vector<1x16xf32> to vector<16xf32>
        %swap3A_209 = vector.shape_cast %mul3A_202 : vector<16xf32> to vector<1x16xf32>
        tpu.vector_store %arg11[%swap3A_205, %swap3A_206], %swap3A_209 {strides = array<i32>} : memref<80x48xf32, #tpu.memory_space<vmem>>, vector<1x16xf32>,
        %add3A_210 = arith.constant 3 : i32
        %add3A_211 = arith.addi %mul3A_39, %add3A_210 : i32
        %get3A_212 = arith.index_cast %add3A_211 : i32 to index
        %get3A_213 = arith.constant 32 : index
        %get3A_214 = tpu.vector_load %arg11[%get3A_212, %get3A_213] {strides = array<i32>} : memref<80x48xf32, #tpu.memory_space<vmem>>, vector<1x16xf32>,
        %get3A_215 = vector.shape_cast %get3A_214 : vector<1x16xf32> to vector<16xf32>
        %mul3A_216 = vector.broadcast %squeeze3A_179 : f32 to vector<16xf32>
        %mul3A_217 = arith.mulf %get3A_215, %mul3A_216 : vector<16xf32>
        %add3A_218 = arith.constant 3 : i32
        %add3A_219 = arith.addi %mul3A_39, %add3A_218 : i32
        %swap3A_220 = arith.index_cast %add3A_219 : i32 to index
        %swap3A_221 = arith.constant 32 : index
        %swap3A_222 = tpu.vector_load %arg11[%swap3A_220, %swap3A_221] {strides = array<i32>} : memref<80x48xf32, #tpu.memory_space<vmem>>, vector<1x16xf32>,
        %swap3A_223 = vector.shape_cast %swap3A_222 : vector<1x16xf32> to vector<16xf32>
        %swap3A_224 = vector.shape_cast %mul3A_217 : vector<16xf32> to vector<1x16xf32>
        tpu.vector_store %arg11[%swap3A_220, %swap3A_221], %swap3A_224 {strides = array<i32>} : memref<80x48xf32, #tpu.memory_space<vmem>>, vector<1x16xf32>,
        %slice3A_225 = vector.extract_strided_slice %get3A_37 {offsets = [4], sizes = [1], strides = [1]} : vector<16xf32> to vector<1xf32>
        %squeeze3A_226 = vector.extract %slice3A_225[0] : f32 from vector<1xf32>
        %add3A_227 = arith.constant 4 : i32
        %add3A_228 = arith.addi %mul3A_39, %add3A_227 : i32
        %get3A_229 = arith.index_cast %add3A_228 : i32 to index
        %get3A_230 = arith.constant 0 : index
        %get3A_231 = tpu.vector_load %arg11[%get3A_229, %get3A_230] {strides = array<i32>} : memref<80x48xf32, #tpu.memory_space<vmem>>, vector<1x16xf32>,
        %get3A_232 = vector.shape_cast %get3A_231 : vector<1x16xf32> to vector<16xf32>
        %mul3A_233 = vector.broadcast %squeeze3A_226 : f32 to vector<16xf32>
        %mul3A_234 = arith.mulf %get3A_232, %mul3A_233 : vector<16xf32>
        %add3A_235 = arith.constant 4 : i32
        %add3A_236 = arith.addi %mul3A_39, %add3A_235 : i32
        %swap3A_237 = arith.index_cast %add3A_236 : i32 to index
        %swap3A_238 = arith.constant 0 : index
        %swap3A_239 = tpu.vector_load %arg11[%swap3A_237, %swap3A_238] {strides = array<i32>} : memref<80x48xf32, #tpu.memory_space<vmem>>, vector<1x16xf32>,
        %swap3A_240 = vector.shape_cast %swap3A_239 : vector<1x16xf32> to vector<16xf32>
        %swap3A_241 = vector.shape_cast %mul3A_234 : vector<16xf32> to vector<1x16xf32>
        tpu.vector_store %arg11[%swap3A_237, %swap3A_238], %swap3A_241 {strides = array<i32>} : memref<80x48xf32, #tpu.memory_space<vmem>>, vector<1x16xf32>,
        %add3A_242 = arith.constant 4 : i32
        %add3A_243 = arith.addi %mul3A_39, %add3A_242 : i32
        %get3A_244 = arith.index_cast %add3A_243 : i32 to index
        %get3A_245 = arith.constant 16 : index
        %get3A_246 = tpu.vector_load %arg11[%get3A_244, %get3A_245] {strides = array<i32>} : memref<80x48xf32, #tpu.memory_space<vmem>>, vector<1x16xf32>,
        %get3A_247 = vector.shape_cast %get3A_246 : vector<1x16xf32> to vector<16xf32>
        %mul3A_248 = vector.broadcast %squeeze3A_226 : f32 to vector<16xf32>
        %mul3A_249 = arith.mulf %get3A_247, %mul3A_248 : vector<16xf32>
        %add3A_250 = arith.constant 4 : i32
        %add3A_251 = arith.addi %mul3A_39, %add3A_250 : i32
        %swap3A_252 = arith.index_cast %add3A_251 : i32 to index
        %swap3A_253 = arith.constant 16 : index
        %swap3A_254 = tpu.vector_load %arg11[%swap3A_252, %swap3A_253] {strides = array<i32>} : memref<80x48xf32, #tpu.memory_space<vmem>>, vector<1x16xf32>,
        %swap3A_255 = vector.shape_cast %swap3A_254 : vector<1x16xf32> to vector<16xf32>
        %swap3A_256 = vector.shape_cast %mul3A_249 : vector<16xf32> to vector<1x16xf32>
        tpu.vector_store %arg11[%swap3A_252, %swap3A_253], %swap3A_256 {strides = array<i32>} : memref<80x48xf32, #tpu.memory_space<vmem>>, vector<1x16xf32>,
        %add3A_257 = arith.constant 4 : i32
        %add3A_258 = arith.addi %mul3A_39, %add3A_257 : i32
        %get3A_259 = arith.index_cast %add3A_258 : i32 to index
        %get3A_260 = arith.constant 32 : index
        %get3A_261 = tpu.vector_load %arg11[%get3A_259, %get3A_260] {strides = array<i32>} : memref<80x48xf32, #tpu.memory_space<vmem>>, vector<1x16xf32>,
        %get3A_262 = vector.shape_cast %get3A_261 : vector<1x16xf32> to vector<16xf32>
        %mul3A_263 = vector.broadcast %squeeze3A_226 : f32 to vector<16xf32>
        %mul3A_264 = arith.mulf %get3A_262, %mul3A_263 : vector<16xf32>
        %add3A_265 = arith.constant 4 : i32
        %add3A_266 = arith.addi %mul3A_39, %add3A_265 : i32
        %swap3A_267 = arith.index_cast %add3A_266 : i32 to index
        %swap3A_268 = arith.constant 32 : index
        %swap3A_269 = tpu.vector_load %arg11[%swap3A_267, %swap3A_268] {strides = array<i32>} : memref<80x48xf32, #tpu.memory_space<vmem>>, vector<1x16xf32>,
        %swap3A_270 = vector.shape_cast %swap3A_269 : vector<1x16xf32> to vector<16xf32>
        %swap3A_271 = vector.shape_cast %mul3A_264 : vector<16xf32> to vector<1x16xf32>
        tpu.vector_store %arg11[%swap3A_267, %swap3A_268], %swap3A_271 {strides = array<i32>} : memref<80x48xf32, #tpu.memory_space<vmem>>, vector<1x16xf32>,
        %slice3A_272 = vector.extract_strided_slice %get3A_37 {offsets = [5], sizes = [1], strides = [1]} : vector<16xf32> to vector<1xf32>
        %squeeze3A_273 = vector.extract %slice3A_272[0] : f32 from vector<1xf32>
        %add3A_274 = arith.constant 5 : i32
        %add3A_275 = arith.addi %mul3A_39, %add3A_274 : i32
        %get3A_276 = arith.index_cast %add3A_275 : i32 to index
        %get3A_277 = arith.constant 0 : index
        %get3A_278 = tpu.vector_load %arg11[%get3A_276, %get3A_277] {strides = array<i32>} : memref<80x48xf32, #tpu.memory_space<vmem>>, vector<1x16xf32>,
        %get3A_279 = vector.shape_cast %get3A_278 : vector<1x16xf32> to vector<16xf32>
        %mul3A_280 = vector.broadcast %squeeze3A_273 : f32 to vector<16xf32>
        %mul3A_281 = arith.mulf %get3A_279, %mul3A_280 : vector<16xf32>
        %add3A_282 = arith.constant 5 : i32
        %add3A_283 = arith.addi %mul3A_39, %add3A_282 : i32
        %swap3A_284 = arith.index_cast %add3A_283 : i32 to index
        %swap3A_285 = arith.constant 0 : index
        %swap3A_286 = tpu.vector_load %arg11[%swap3A_284, %swap3A_285] {strides = array<i32>} : memref<80x48xf32, #tpu.memory_space<vmem>>, vector<1x16xf32>,
        %swap3A_287 = vector.shape_cast %swap3A_286 : vector<1x16xf32> to vector<16xf32>
        %swap3A_288 = vector.shape_cast %mul3A_281 : vector<16xf32> to vector<1x16xf32>
        tpu.vector_store %arg11[%swap3A_284, %swap3A_285], %swap3A_288 {strides = array<i32>} : memref<80x48xf32, #tpu.memory_space<vmem>>, vector<1x16xf32>,
        %add3A_289 = arith.constant 5 : i32
        %add3A_290 = arith.addi %mul3A_39, %add3A_289 : i32
        %get3A_291 = arith.index_cast %add3A_290 : i32 to index
        %get3A_292 = arith.constant 16 : index
        %get3A_293 = tpu.vector_load %arg11[%get3A_291, %get3A_292] {strides = array<i32>} : memref<80x48xf32, #tpu.memory_space<vmem>>, vector<1x16xf32>,
        %get3A_294 = vector.shape_cast %get3A_293 : vector<1x16xf32> to vector<16xf32>
        %mul3A_295 = vector.broadcast %squeeze3A_273 : f32 to vector<16xf32>
        %mul3A_296 = arith.mulf %get3A_294, %mul3A_295 : vector<16xf32>
        %add3A_297 = arith.constant 5 : i32
        %add3A_298 = arith.addi %mul3A_39, %add3A_297 : i32
        %swap3A_299 = arith.index_cast %add3A_298 : i32 to index
        %swap3A_300 = arith.constant 16 : index
        %swap3A_301 = tpu.vector_load %arg11[%swap3A_299, %swap3A_300] {strides = array<i32>} : memref<80x48xf32, #tpu.memory_space<vmem>>, vector<1x16xf32>,
        %swap3A_302 = vector.shape_cast %swap3A_301 : vector<1x16xf32> to vector<16xf32>
        %swap3A_303 = vector.shape_cast %mul3A_296 : vector<16xf32> to vector<1x16xf32>
        tpu.vector_store %arg11[%swap3A_299, %swap3A_300], %swap3A_303 {strides = array<i32>} : memref<80x48xf32, #tpu.memory_space<vmem>>, vector<1x16xf32>,
        %add3A_304 = arith.constant 5 : i32
        %add3A_305 = arith.addi %mul3A_39, %add3A_304 : i32
        %get3A_306 = arith.index_cast %add3A_305 : i32 to index
        %get3A_307 = arith.constant 32 : index
        %get3A_308 = tpu.vector_load %arg11[%get3A_306, %get3A_307] {strides = array<i32>} : memref<80x48xf32, #tpu.memory_space<vmem>>, vector<1x16xf32>,
        %get3A_309 = vector.shape_cast %get3A_308 : vector<1x16xf32> to vector<16xf32>
        %mul3A_310 = vector.broadcast %squeeze3A_273 : f32 to vector<16xf32>
        %mul3A_311 = arith.mulf %get3A_309, %mul3A_310 : vector<16xf32>
        %add3A_312 = arith.constant 5 : i32
        %add3A_313 = arith.addi %mul3A_39, %add3A_312 : i32
        %swap3A_314 = arith.index_cast %add3A_313 : i32 to index
        %swap3A_315 = arith.constant 32 : index
        %swap3A_316 = tpu.vector_load %arg11[%swap3A_314, %swap3A_315] {strides = array<i32>} : memref<80x48xf32, #tpu.memory_space<vmem>>, vector<1x16xf32>,
        %swap3A_317 = vector.shape_cast %swap3A_316 : vector<1x16xf32> to vector<16xf32>
        %swap3A_318 = vector.shape_cast %mul3A_311 : vector<16xf32> to vector<1x16xf32>
        tpu.vector_store %arg11[%swap3A_314, %swap3A_315], %swap3A_318 {strides = array<i32>} : memref<80x48xf32, #tpu.memory_space<vmem>>, vector<1x16xf32>,
        %slice3A_319 = vector.extract_strided_slice %get3A_37 {offsets = [6], sizes = [1], strides = [1]} : vector<16xf32> to vector<1xf32>
        %squeeze3A_320 = vector.extract %slice3A_319[0] : f32 from vector<1xf32>
        %add3A_321 = arith.constant 6 : i32
        %add3A_322 = arith.addi %mul3A_39, %add3A_321 : i32
        %get3A_323 = arith.index_cast %add3A_322 : i32 to index
        %get3A_324 = arith.constant 0 : index
        %get3A_325 = tpu.vector_load %arg11[%get3A_323, %get3A_324] {strides = array<i32>} : memref<80x48xf32, #tpu.memory_space<vmem>>, vector<1x16xf32>,
        %get3A_326 = vector.shape_cast %get3A_325 : vector<1x16xf32> to vector<16xf32>
        %mul3A_327 = vector.broadcast %squeeze3A_320 : f32 to vector<16xf32>
        %mul3A_328 = arith.mulf %get3A_326, %mul3A_327 : vector<16xf32>
        %add3A_329 = arith.constant 6 : i32
        %add3A_330 = arith.addi %mul3A_39, %add3A_329 : i32
        %swap3A_331 = arith.index_cast %add3A_330 : i32 to index
        %swap3A_332 = arith.constant 0 : index
        %swap3A_333 = tpu.vector_load %arg11[%swap3A_331, %swap3A_332] {strides = array<i32>} : memref<80x48xf32, #tpu.memory_space<vmem>>, vector<1x16xf32>,
        %swap3A_334 = vector.shape_cast %swap3A_333 : vector<1x16xf32> to vector<16xf32>
        %swap3A_335 = vector.shape_cast %mul3A_328 : vector<16xf32> to vector<1x16xf32>
        tpu.vector_store %arg11[%swap3A_331, %swap3A_332], %swap3A_335 {strides = array<i32>} : memref<80x48xf32, #tpu.memory_space<vmem>>, vector<1x16xf32>,
        %add3A_336 = arith.constant 6 : i32
        %add3A_337 = arith.addi %mul3A_39, %add3A_336 : i32
        %get3A_338 = arith.index_cast %add3A_337 : i32 to index
        %get3A_339 = arith.constant 16 : index
        %get3A_340 = tpu.vector_load %arg11[%get3A_338, %get3A_339] {strides = array<i32>} : memref<80x48xf32, #tpu.memory_space<vmem>>, vector<1x16xf32>,
        %get3A_341 = vector.shape_cast %get3A_340 : vector<1x16xf32> to vector<16xf32>
        %mul3A_342 = vector.broadcast %squeeze3A_320 : f32 to vector<16xf32>
        %mul3A_343 = arith.mulf %get3A_341, %mul3A_342 : vector<16xf32>
        %add3A_344 = arith.constant 6 : i32
        %add3A_345 = arith.addi %mul3A_39, %add3A_344 : i32
        %swap3A_346 = arith.index_cast %add3A_345 : i32 to index
        %swap3A_347 = arith.constant 16 : index
        %swap3A_348 = tpu.vector_load %arg11[%swap3A_346, %swap3A_347] {strides = array<i32>} : memref<80x48xf32, #tpu.memory_space<vmem>>, vector<1x16xf32>,
        %swap3A_349 = vector.shape_cast %swap3A_348 : vector<1x16xf32> to vector<16xf32>
        %swap3A_350 = vector.shape_cast %mul3A_343 : vector<16xf32> to vector<1x16xf32>
        tpu.vector_store %arg11[%swap3A_346, %swap3A_347], %swap3A_350 {strides = array<i32>} : memref<80x48xf32, #tpu.memory_space<vmem>>, vector<1x16xf32>,
        %add3A_351 = arith.constant 6 : i32
        %add3A_352 = arith.addi %mul3A_39, %add3A_351 : i32
        %get3A_353 = arith.index_cast %add3A_352 : i32 to index
        %get3A_354 = arith.constant 32 : index
        %get3A_355 = tpu.vector_load %arg11[%get3A_353, %get3A_354] {strides = array<i32>} : memref<80x48xf32, #tpu.memory_space<vmem>>, vector<1x16xf32>,
        %get3A_356 = vector.shape_cast %get3A_355 : vector<1x16xf32> to vector<16xf32>
        %mul3A_357 = vector.broadcast %squeeze3A_320 : f32 to vector<16xf32>
        %mul3A_358 = arith.mulf %get3A_356, %mul3A_357 : vector<16xf32>
        %add3A_359 = arith.constant 6 : i32
        %add3A_360 = arith.addi %mul3A_39, %add3A_359 : i32
        %swap3A_361 = arith.index_cast %add3A_360 : i32 to index
        %swap3A_362 = arith.constant 32 : index
        %swap3A_363 = tpu.vector_load %arg11[%swap3A_361, %swap3A_362] {strides = array<i32>} : memref<80x48xf32, #tpu.memory_space<vmem>>, vector<1x16xf32>,
        %swap3A_364 = vector.shape_cast %swap3A_363 : vector<1x16xf32> to vector<16xf32>
        %swap3A_365 = vector.shape_cast %mul3A_358 : vector<16xf32> to vector<1x16xf32>
        tpu.vector_store %arg11[%swap3A_361, %swap3A_362], %swap3A_365 {strides = array<i32>} : memref<80x48xf32, #tpu.memory_space<vmem>>, vector<1x16xf32>,
        %slice3A_366 = vector.extract_strided_slice %get3A_37 {offsets = [7], sizes = [1], strides = [1]} : vector<16xf32> to vector<1xf32>
        %squeeze3A_367 = vector.extract %slice3A_366[0] : f32 from vector<1xf32>
        %add3A_368 = arith.constant 7 : i32
        %add3A_369 = arith.addi %mul3A_39, %add3A_368 : i32
        %get3A_370 = arith.index_cast %add3A_369 : i32 to index
        %get3A_371 = arith.constant 0 : index
        %get3A_372 = tpu.vector_load %arg11[%get3A_370, %get3A_371] {strides = array<i32>} : memref<80x48xf32, #tpu.memory_space<vmem>>, vector<1x16xf32>,
        %get3A_373 = vector.shape_cast %get3A_372 : vector<1x16xf32> to vector<16xf32>
        %mul3A_374 = vector.broadcast %squeeze3A_367 : f32 to vector<16xf32>
        %mul3A_375 = arith.mulf %get3A_373, %mul3A_374 : vector<16xf32>
        %add3A_376 = arith.constant 7 : i32
        %add3A_377 = arith.addi %mul3A_39, %add3A_376 : i32
        %swap3A_378 = arith.index_cast %add3A_377 : i32 to index
        %swap3A_379 = arith.constant 0 : index
        %swap3A_380 = tpu.vector_load %arg11[%swap3A_378, %swap3A_379] {strides = array<i32>} : memref<80x48xf32, #tpu.memory_space<vmem>>, vector<1x16xf32>,
        %swap3A_381 = vector.shape_cast %swap3A_380 : vector<1x16xf32> to vector<16xf32>
        %swap3A_382 = vector.shape_cast %mul3A_375 : vector<16xf32> to vector<1x16xf32>
        tpu.vector_store %arg11[%swap3A_378, %swap3A_379], %swap3A_382 {strides = array<i32>} : memref<80x48xf32, #tpu.memory_space<vmem>>, vector<1x16xf32>,
        %add3A_383 = arith.constant 7 : i32
        %add3A_384 = arith.addi %mul3A_39, %add3A_383 : i32
        %get3A_385 = arith.index_cast %add3A_384 : i32 to index
        %get3A_386 = arith.constant 16 : index
        %get3A_387 = tpu.vector_load %arg11[%get3A_385, %get3A_386] {strides = array<i32>} : memref<80x48xf32, #tpu.memory_space<vmem>>, vector<1x16xf32>,
        %get3A_388 = vector.shape_cast %get3A_387 : vector<1x16xf32> to vector<16xf32>
        %mul3A_389 = vector.broadcast %squeeze3A_367 : f32 to vector<16xf32>
        %mul3A_390 = arith.mulf %get3A_388, %mul3A_389 : vector<16xf32>
        %add3A_391 = arith.constant 7 : i32
        %add3A_392 = arith.addi %mul3A_39, %add3A_391 : i32
        %swap3A_393 = arith.index_cast %add3A_392 : i32 to index
        %swap3A_394 = arith.constant 16 : index
        %swap3A_395 = tpu.vector_load %arg11[%swap3A_393, %swap3A_394] {strides = array<i32>} : memref<80x48xf32, #tpu.memory_space<vmem>>, vector<1x16xf32>,
        %swap3A_396 = vector.shape_cast %swap3A_395 : vector<1x16xf32> to vector<16xf32>
        %swap3A_397 = vector.shape_cast %mul3A_390 : vector<16xf32> to vector<1x16xf32>
        tpu.vector_store %arg11[%swap3A_393, %swap3A_394], %swap3A_397 {strides = array<i32>} : memref<80x48xf32, #tpu.memory_space<vmem>>, vector<1x16xf32>,
        %add3A_398 = arith.constant 7 : i32
        %add3A_399 = arith.addi %mul3A_39, %add3A_398 : i32
        %get3A_400 = arith.index_cast %add3A_399 : i32 to index
        %get3A_401 = arith.constant 32 : index
        %get3A_402 = tpu.vector_load %arg11[%get3A_400, %get3A_401] {strides = array<i32>} : memref<80x48xf32, #tpu.memory_space<vmem>>, vector<1x16xf32>,
        %get3A_403 = vector.shape_cast %get3A_402 : vector<1x16xf32> to vector<16xf32>
        %mul3A_404 = vector.broadcast %squeeze3A_367 : f32 to vector<16xf32>
        %mul3A_405 = arith.mulf %get3A_403, %mul3A_404 : vector<16xf32>
        %add3A_406 = arith.constant 7 : i32
        %add3A_407 = arith.addi %mul3A_39, %add3A_406 : i32
        %swap3A_408 = arith.index_cast %add3A_407 : i32 to index
        %swap3A_409 = arith.constant 32 : index
        %swap3A_410 = tpu.vector_load %arg11[%swap3A_408, %swap3A_409] {strides = array<i32>} : memref<80x48xf32, #tpu.memory_space<vmem>>, vector<1x16xf32>,
        %swap3A_411 = vector.shape_cast %swap3A_410 : vector<1x16xf32> to vector<16xf32>
        %swap3A_412 = vector.shape_cast %mul3A_405 : vector<16xf32> to vector<1x16xf32>
        tpu.vector_store %arg11[%swap3A_408, %swap3A_409], %swap3A_412 {strides = array<i32>} : memref<80x48xf32, #tpu.memory_space<vmem>>, vector<1x16xf32>,
        %slice3A_413 = vector.extract_strided_slice %get3A_37 {offsets = [8], sizes = [1], strides = [1]} : vector<16xf32> to vector<1xf32>
        %squeeze3A_414 = vector.extract %slice3A_413[0] : f32 from vector<1xf32>
        %add3A_415 = arith.constant 8 : i32
        %add3A_416 = arith.addi %mul3A_39, %add3A_415 : i32
        %get3A_417 = arith.index_cast %add3A_416 : i32 to index
        %get3A_418 = arith.constant 0 : index
        %get3A_419 = tpu.vector_load %arg11[%get3A_417, %get3A_418] {strides = array<i32>} : memref<80x48xf32, #tpu.memory_space<vmem>>, vector<1x16xf32>,
        %get3A_420 = vector.shape_cast %get3A_419 : vector<1x16xf32> to vector<16xf32>
        %mul3A_421 = vector.broadcast %squeeze3A_414 : f32 to vector<16xf32>
        %mul3A_422 = arith.mulf %get3A_420, %mul3A_421 : vector<16xf32>
        %add3A_423 = arith.constant 8 : i32
        %add3A_424 = arith.addi %mul3A_39, %add3A_423 : i32
        %swap3A_425 = arith.index_cast %add3A_424 : i32 to index
        %swap3A_426 = arith.constant 0 : index
        %swap3A_427 = tpu.vector_load %arg11[%swap3A_425, %swap3A_426] {strides = array<i32>} : memref<80x48xf32, #tpu.memory_space<vmem>>, vector<1x16xf32>,
        %swap3A_428 = vector.shape_cast %swap3A_427 : vector<1x16xf32> to vector<16xf32>
        %swap3A_429 = vector.shape_cast %mul3A_422 : vector<16xf32> to vector<1x16xf32>
        tpu.vector_store %arg11[%swap3A_425, %swap3A_426], %swap3A_429 {strides = array<i32>} : memref<80x48xf32, #tpu.memory_space<vmem>>, vector<1x16xf32>,
        %add3A_430 = arith.constant 8 : i32
        %add3A_431 = arith.addi %mul3A_39, %add3A_430 : i32
        %get3A_432 = arith.index_cast %add3A_431 : i32 to index
        %get3A_433 = arith.constant 16 : index
        %get3A_434 = tpu.vector_load %arg11[%get3A_432, %get3A_433] {strides = array<i32>} : memref<80x48xf32, #tpu.memory_space<vmem>>, vector<1x16xf32>,
        %get3A_435 = vector.shape_cast %get3A_434 : vector<1x16xf32> to vector<16xf32>
        %mul3A_436 = vector.broadcast %squeeze3A_414 : f32 to vector<16xf32>
        %mul3A_437 = arith.mulf %get3A_435, %mul3A_436 : vector<16xf32>
        %add3A_438 = arith.constant 8 : i32
        %add3A_439 = arith.addi %mul3A_39, %add3A_438 : i32
        %swap3A_440 = arith.index_cast %add3A_439 : i32 to index
        %swap3A_441 = arith.constant 16 : index
        %swap3A_442 = tpu.vector_load %arg11[%swap3A_440, %swap3A_441] {strides = array<i32>} : memref<80x48xf32, #tpu.memory_space<vmem>>, vector<1x16xf32>,
        %swap3A_443 = vector.shape_cast %swap3A_442 : vector<1x16xf32> to vector<16xf32>
        %swap3A_444 = vector.shape_cast %mul3A_437 : vector<16xf32> to vector<1x16xf32>
        tpu.vector_store %arg11[%swap3A_440, %swap3A_441], %swap3A_444 {strides = array<i32>} : memref<80x48xf32, #tpu.memory_space<vmem>>, vector<1x16xf32>,
        %add3A_445 = arith.constant 8 : i32
        %add3A_446 = arith.addi %mul3A_39, %add3A_445 : i32
        %get3A_447 = arith.index_cast %add3A_446 : i32 to index
        %get3A_448 = arith.constant 32 : index
        %get3A_449 = tpu.vector_load %arg11[%get3A_447, %get3A_448] {strides = array<i32>} : memref<80x48xf32, #tpu.memory_space<vmem>>, vector<1x16xf32>,
        %get3A_450 = vector.shape_cast %get3A_449 : vector<1x16xf32> to vector<16xf32>
        %mul3A_451 = vector.broadcast %squeeze3A_414 : f32 to vector<16xf32>
        %mul3A_452 = arith.mulf %get3A_450, %mul3A_451 : vector<16xf32>
        %add3A_453 = arith.constant 8 : i32
        %add3A_454 = arith.addi %mul3A_39, %add3A_453 : i32
        %swap3A_455 = arith.index_cast %add3A_454 : i32 to index
        %swap3A_456 = arith.constant 32 : index
        %swap3A_457 = tpu.vector_load %arg11[%swap3A_455, %swap3A_456] {strides = array<i32>} : memref<80x48xf32, #tpu.memory_space<vmem>>, vector<1x16xf32>,
        %swap3A_458 = vector.shape_cast %swap3A_457 : vector<1x16xf32> to vector<16xf32>
        %swap3A_459 = vector.shape_cast %mul3A_452 : vector<16xf32> to vector<1x16xf32>
        tpu.vector_store %arg11[%swap3A_455, %swap3A_456], %swap3A_459 {strides = array<i32>} : memref<80x48xf32, #tpu.memory_space<vmem>>, vector<1x16xf32>,
        %slice3A_460 = vector.extract_strided_slice %get3A_37 {offsets = [9], sizes = [1], strides = [1]} : vector<16xf32> to vector<1xf32>
        %squeeze3A_461 = vector.extract %slice3A_460[0] : f32 from vector<1xf32>
        %add3A_462 = arith.constant 9 : i32
        %add3A_463 = arith.addi %mul3A_39, %add3A_462 : i32
        %get3A_464 = arith.index_cast %add3A_463 : i32 to index
        %get3A_465 = arith.constant 0 : index
        %get3A_466 = tpu.vector_load %arg11[%get3A_464, %get3A_465] {strides = array<i32>} : memref<80x48xf32, #tpu.memory_space<vmem>>, vector<1x16xf32>,
        %get3A_467 = vector.shape_cast %get3A_466 : vector<1x16xf32> to vector<16xf32>
        %mul3A_468 = vector.broadcast %squeeze3A_461 : f32 to vector<16xf32>
        %mul3A_469 = arith.mulf %get3A_467, %mul3A_468 : vector<16xf32>
        %add3A_470 = arith.constant 9 : i32
        %add3A_471 = arith.addi %mul3A_39, %add3A_470 : i32
        %swap3A_472 = arith.index_cast %add3A_471 : i32 to index
        %swap3A_473 = arith.constant 0 : index
        %swap3A_474 = tpu.vector_load %arg11[%swap3A_472, %swap3A_473] {strides = array<i32>} : memref<80x48xf32, #tpu.memory_space<vmem>>, vector<1x16xf32>,
        %swap3A_475 = vector.shape_cast %swap3A_474 : vector<1x16xf32> to vector<16xf32>
        %swap3A_476 = vector.shape_cast %mul3A_469 : vector<16xf32> to vector<1x16xf32>
        tpu.vector_store %arg11[%swap3A_472, %swap3A_473], %swap3A_476 {strides = array<i32>} : memref<80x48xf32, #tpu.memory_space<vmem>>, vector<1x16xf32>,
        %add3A_477 = arith.constant 9 : i32
        %add3A_478 = arith.addi %mul3A_39, %add3A_477 : i32
        %get3A_479 = arith.index_cast %add3A_478 : i32 to index
        %get3A_480 = arith.constant 16 : index
        %get3A_481 = tpu.vector_load %arg11[%get3A_479, %get3A_480] {strides = array<i32>} : memref<80x48xf32, #tpu.memory_space<vmem>>, vector<1x16xf32>,
        %get3A_482 = vector.shape_cast %get3A_481 : vector<1x16xf32> to vector<16xf32>
        %mul3A_483 = vector.broadcast %squeeze3A_461 : f32 to vector<16xf32>
        %mul3A_484 = arith.mulf %get3A_482, %mul3A_483 : vector<16xf32>
        %add3A_485 = arith.constant 9 : i32
        %add3A_486 = arith.addi %mul3A_39, %add3A_485 : i32
        %swap3A_487 = arith.index_cast %add3A_486 : i32 to index
        %swap3A_488 = arith.constant 16 : index
        %swap3A_489 = tpu.vector_load %arg11[%swap3A_487, %swap3A_488] {strides = array<i32>} : memref<80x48xf32, #tpu.memory_space<vmem>>, vector<1x16xf32>,
        %swap3A_490 = vector.shape_cast %swap3A_489 : vector<1x16xf32> to vector<16xf32>
        %swap3A_491 = vector.shape_cast %mul3A_484 : vector<16xf32> to vector<1x16xf32>
        tpu.vector_store %arg11[%swap3A_487, %swap3A_488], %swap3A_491 {strides = array<i32>} : memref<80x48xf32, #tpu.memory_space<vmem>>, vector<1x16xf32>,
        %add3A_492 = arith.constant 9 : i32
        %add3A_493 = arith.addi %mul3A_39, %add3A_492 : i32
        %get3A_494 = arith.index_cast %add3A_493 : i32 to index
        %get3A_495 = arith.constant 32 : index
        %get3A_496 = tpu.vector_load %arg11[%get3A_494, %get3A_495] {strides = array<i32>} : memref<80x48xf32, #tpu.memory_space<vmem>>, vector<1x16xf32>,
        %get3A_497 = vector.shape_cast %get3A_496 : vector<1x16xf32> to vector<16xf32>
        %mul3A_498 = vector.broadcast %squeeze3A_461 : f32 to vector<16xf32>
        %mul3A_499 = arith.mulf %get3A_497, %mul3A_498 : vector<16xf32>
        %add3A_500 = arith.constant 9 : i32
        %add3A_501 = arith.addi %mul3A_39, %add3A_500 : i32
        %swap3A_502 = arith.index_cast %add3A_501 : i32 to index
        %swap3A_503 = arith.constant 32 : index
        %swap3A_504 = tpu.vector_load %arg11[%swap3A_502, %swap3A_503] {strides = array<i32>} : memref<80x48xf32, #tpu.memory_space<vmem>>, vector<1x16xf32>,
        %swap3A_505 = vector.shape_cast %swap3A_504 : vector<1x16xf32> to vector<16xf32>
        %swap3A_506 = vector.shape_cast %mul3A_499 : vector<16xf32> to vector<1x16xf32>
        tpu.vector_store %arg11[%swap3A_502, %swap3A_503], %swap3A_506 {strides = array<i32>} : memref<80x48xf32, #tpu.memory_space<vmem>>, vector<1x16xf32>,
        %slice3A_507 = vector.extract_strided_slice %get3A_37 {offsets = [10], sizes = [1], strides = [1]} : vector<16xf32> to vector<1xf32>
        %squeeze3A_508 = vector.extract %slice3A_507[0] : f32 from vector<1xf32>
        %add3A_509 = arith.constant 10 : i32
        %add3A_510 = arith.addi %mul3A_39, %add3A_509 : i32
        %get3A_511 = arith.index_cast %add3A_510 : i32 to index
        %get3A_512 = arith.constant 0 : index
        %get3A_513 = tpu.vector_load %arg11[%get3A_511, %get3A_512] {strides = array<i32>} : memref<80x48xf32, #tpu.memory_space<vmem>>, vector<1x16xf32>,
        %get3A_514 = vector.shape_cast %get3A_513 : vector<1x16xf32> to vector<16xf32>
        %mul3A_515 = vector.broadcast %squeeze3A_508 : f32 to vector<16xf32>
        %mul3A_516 = arith.mulf %get3A_514, %mul3A_515 : vector<16xf32>
        %add3A_517 = arith.constant 10 : i32
        %add3A_518 = arith.addi %mul3A_39, %add3A_517 : i32
        %swap3A_519 = arith.index_cast %add3A_518 : i32 to index
        %swap3A_520 = arith.constant 0 : index
        %swap3A_521 = tpu.vector_load %arg11[%swap3A_519, %swap3A_520] {strides = array<i32>} : memref<80x48xf32, #tpu.memory_space<vmem>>, vector<1x16xf32>,
        %swap3A_522 = vector.shape_cast %swap3A_521 : vector<1x16xf32> to vector<16xf32>
        %swap3A_523 = vector.shape_cast %mul3A_516 : vector<16xf32> to vector<1x16xf32>
        tpu.vector_store %arg11[%swap3A_519, %swap3A_520], %swap3A_523 {strides = array<i32>} : memref<80x48xf32, #tpu.memory_space<vmem>>, vector<1x16xf32>,
        %add3A_524 = arith.constant 10 : i32
        %add3A_525 = arith.addi %mul3A_39, %add3A_524 : i32
        %get3A_526 = arith.index_cast %add3A_525 : i32 to index
        %get3A_527 = arith.constant 16 : index
        %get3A_528 = tpu.vector_load %arg11[%get3A_526, %get3A_527] {strides = array<i32>} : memref<80x48xf32, #tpu.memory_space<vmem>>, vector<1x16xf32>,
        %get3A_529 = vector.shape_cast %get3A_528 : vector<1x16xf32> to vector<16xf32>
        %mul3A_530 = vector.broadcast %squeeze3A_508 : f32 to vector<16xf32>
        %mul3A_531 = arith.mulf %get3A_529, %mul3A_530 : vector<16xf32>
        %add3A_532 = arith.constant 10 : i32
        %add3A_533 = arith.addi %mul3A_39, %add3A_532 : i32
        %swap3A_534 = arith.index_cast %add3A_533 : i32 to index
        %swap3A_535 = arith.constant 16 : index
        %swap3A_536 = tpu.vector_load %arg11[%swap3A_534, %swap3A_535] {strides = array<i32>} : memref<80x48xf32, #tpu.memory_space<vmem>>, vector<1x16xf32>,
        %swap3A_537 = vector.shape_cast %swap3A_536 : vector<1x16xf32> to vector<16xf32>
        %swap3A_538 = vector.shape_cast %mul3A_531 : vector<16xf32> to vector<1x16xf32>
        tpu.vector_store %arg11[%swap3A_534, %swap3A_535], %swap3A_538 {strides = array<i32>} : memref<80x48xf32, #tpu.memory_space<vmem>>, vector<1x16xf32>,
        %add3A_539 = arith.constant 10 : i32
        %add3A_540 = arith.addi %mul3A_39, %add3A_539 : i32
        %get3A_541 = arith.index_cast %add3A_540 : i32 to index
        %get3A_542 = arith.constant 32 : index
        %get3A_543 = tpu.vector_load %arg11[%get3A_541, %get3A_542] {strides = array<i32>} : memref<80x48xf32, #tpu.memory_space<vmem>>, vector<1x16xf32>,
        %get3A_544 = vector.shape_cast %get3A_543 : vector<1x16xf32> to vector<16xf32>
        %mul3A_545 = vector.broadcast %squeeze3A_508 : f32 to vector<16xf32>
        %mul3A_546 = arith.mulf %get3A_544, %mul3A_545 : vector<16xf32>
        %add3A_547 = arith.constant 10 : i32
        %add3A_548 = arith.addi %mul3A_39, %add3A_547 : i32
        %swap3A_549 = arith.index_cast %add3A_548 : i32 to index
        %swap3A_550 = arith.constant 32 : index
        %swap3A_551 = tpu.vector_load %arg11[%swap3A_549, %swap3A_550] {strides = array<i32>} : memref<80x48xf32, #tpu.memory_space<vmem>>, vector<1x16xf32>,
        %swap3A_552 = vector.shape_cast %swap3A_551 : vector<1x16xf32> to vector<16xf32>
        %swap3A_553 = vector.shape_cast %mul3A_546 : vector<16xf32> to vector<1x16xf32>
        tpu.vector_store %arg11[%swap3A_549, %swap3A_550], %swap3A_553 {strides = array<i32>} : memref<80x48xf32, #tpu.memory_space<vmem>>, vector<1x16xf32>,
        %slice3A_554 = vector.extract_strided_slice %get3A_37 {offsets = [11], sizes = [1], strides = [1]} : vector<16xf32> to vector<1xf32>
        %squeeze3A_555 = vector.extract %slice3A_554[0] : f32 from vector<1xf32>
        %add3A_556 = arith.constant 11 : i32
        %add3A_557 = arith.addi %mul3A_39, %add3A_556 : i32
        %get3A_558 = arith.index_cast %add3A_557 : i32 to index
        %get3A_559 = arith.constant 0 : index
        %get3A_560 = tpu.vector_load %arg11[%get3A_558, %get3A_559] {strides = array<i32>} : memref<80x48xf32, #tpu.memory_space<vmem>>, vector<1x16xf32>,
        %get3A_561 = vector.shape_cast %get3A_560 : vector<1x16xf32> to vector<16xf32>
        %mul3A_562 = vector.broadcast %squeeze3A_555 : f32 to vector<16xf32>
        %mul3A_563 = arith.mulf %get3A_561, %mul3A_562 : vector<16xf32>
        %add3A_564 = arith.constant 11 : i32
        %add3A_565 = arith.addi %mul3A_39, %add3A_564 : i32
        %swap3A_566 = arith.index_cast %add3A_565 : i32 to index
        %swap3A_567 = arith.constant 0 : index
        %swap3A_568 = tpu.vector_load %arg11[%swap3A_566, %swap3A_567] {strides = array<i32>} : memref<80x48xf32, #tpu.memory_space<vmem>>, vector<1x16xf32>,
        %swap3A_569 = vector.shape_cast %swap3A_568 : vector<1x16xf32> to vector<16xf32>
        %swap3A_570 = vector.shape_cast %mul3A_563 : vector<16xf32> to vector<1x16xf32>
        tpu.vector_store %arg11[%swap3A_566, %swap3A_567], %swap3A_570 {strides = array<i32>} : memref<80x48xf32, #tpu.memory_space<vmem>>, vector<1x16xf32>,
        %add3A_571 = arith.constant 11 : i32
        %add3A_572 = arith.addi %mul3A_39, %add3A_571 : i32
        %get3A_573 = arith.index_cast %add3A_572 : i32 to index
        %get3A_574 = arith.constant 16 : index
        %get3A_575 = tpu.vector_load %arg11[%get3A_573, %get3A_574] {strides = array<i32>} : memref<80x48xf32, #tpu.memory_space<vmem>>, vector<1x16xf32>,
        %get3A_576 = vector.shape_cast %get3A_575 : vector<1x16xf32> to vector<16xf32>
        %mul3A_577 = vector.broadcast %squeeze3A_555 : f32 to vector<16xf32>
        %mul3A_578 = arith.mulf %get3A_576, %mul3A_577 : vector<16xf32>
        %add3A_579 = arith.constant 11 : i32
        %add3A_580 = arith.addi %mul3A_39, %add3A_579 : i32
        %swap3A_581 = arith.index_cast %add3A_580 : i32 to index
        %swap3A_582 = arith.constant 16 : index
        %swap3A_583 = tpu.vector_load %arg11[%swap3A_581, %swap3A_582] {strides = array<i32>} : memref<80x48xf32, #tpu.memory_space<vmem>>, vector<1x16xf32>,
        %swap3A_584 = vector.shape_cast %swap3A_583 : vector<1x16xf32> to vector<16xf32>
        %swap3A_585 = vector.shape_cast %mul3A_578 : vector<16xf32> to vector<1x16xf32>
        tpu.vector_store %arg11[%swap3A_581, %swap3A_582], %swap3A_585 {strides = array<i32>} : memref<80x48xf32, #tpu.memory_space<vmem>>, vector<1x16xf32>,
        %add3A_586 = arith.constant 11 : i32
        %add3A_587 = arith.addi %mul3A_39, %add3A_586 : i32
        %get3A_588 = arith.index_cast %add3A_587 : i32 to index
        %get3A_589 = arith.constant 32 : index
        %get3A_590 = tpu.vector_load %arg11[%get3A_588, %get3A_589] {strides = array<i32>} : memref<80x48xf32, #tpu.memory_space<vmem>>, vector<1x16xf32>,
        %get3A_591 = vector.shape_cast %get3A_590 : vector<1x16xf32> to vector<16xf32>
        %mul3A_592 = vector.broadcast %squeeze3A_555 : f32 to vector<16xf32>
        %mul3A_593 = arith.mulf %get3A_591, %mul3A_592 : vector<16xf32>
        %add3A_594 = arith.constant 11 : i32
        %add3A_595 = arith.addi %mul3A_39, %add3A_594 : i32
        %swap3A_596 = arith.index_cast %add3A_595 : i32 to index
        %swap3A_597 = arith.constant 32 : index
        %swap3A_598 = tpu.vector_load %arg11[%swap3A_596, %swap3A_597] {strides = array<i32>} : memref<80x48xf32, #tpu.memory_space<vmem>>, vector<1x16xf32>,
        %swap3A_599 = vector.shape_cast %swap3A_598 : vector<1x16xf32> to vector<16xf32>
        %swap3A_600 = vector.shape_cast %mul3A_593 : vector<16xf32> to vector<1x16xf32>
        tpu.vector_store %arg11[%swap3A_596, %swap3A_597], %swap3A_600 {strides = array<i32>} : memref<80x48xf32, #tpu.memory_space<vmem>>, vector<1x16xf32>,
        %slice3A_601 = vector.extract_strided_slice %get3A_37 {offsets = [12], sizes = [1], strides = [1]} : vector<16xf32> to vector<1xf32>
        %squeeze3A_602 = vector.extract %slice3A_601[0] : f32 from vector<1xf32>
        %add3A_603 = arith.constant 12 : i32
        %add3A_604 = arith.addi %mul3A_39, %add3A_603 : i32
        %get3A_605 = arith.index_cast %add3A_604 : i32 to index
        %get3A_606 = arith.constant 0 : index
        %get3A_607 = tpu.vector_load %arg11[%get3A_605, %get3A_606] {strides = array<i32>} : memref<80x48xf32, #tpu.memory_space<vmem>>, vector<1x16xf32>,
        %get3A_608 = vector.shape_cast %get3A_607 : vector<1x16xf32> to vector<16xf32>
        %mul3A_609 = vector.broadcast %squeeze3A_602 : f32 to vector<16xf32>
        %mul3A_610 = arith.mulf %get3A_608, %mul3A_609 : vector<16xf32>
        %add3A_611 = arith.constant 12 : i32
        %add3A_612 = arith.addi %mul3A_39, %add3A_611 : i32
        %swap3A_613 = arith.index_cast %add3A_612 : i32 to index
        %swap3A_614 = arith.constant 0 : index
        %swap3A_615 = tpu.vector_load %arg11[%swap3A_613, %swap3A_614] {strides = array<i32>} : memref<80x48xf32, #tpu.memory_space<vmem>>, vector<1x16xf32>,
        %swap3A_616 = vector.shape_cast %swap3A_615 : vector<1x16xf32> to vector<16xf32>
        %swap3A_617 = vector.shape_cast %mul3A_610 : vector<16xf32> to vector<1x16xf32>
        tpu.vector_store %arg11[%swap3A_613, %swap3A_614], %swap3A_617 {strides = array<i32>} : memref<80x48xf32, #tpu.memory_space<vmem>>, vector<1x16xf32>,
        %add3A_618 = arith.constant 12 : i32
        %add3A_619 = arith.addi %mul3A_39, %add3A_618 : i32
        %get3A_620 = arith.index_cast %add3A_619 : i32 to index
        %get3A_621 = arith.constant 16 : index
        %get3A_622 = tpu.vector_load %arg11[%get3A_620, %get3A_621] {strides = array<i32>} : memref<80x48xf32, #tpu.memory_space<vmem>>, vector<1x16xf32>,
        %get3A_623 = vector.shape_cast %get3A_622 : vector<1x16xf32> to vector<16xf32>
        %mul3A_624 = vector.broadcast %squeeze3A_602 : f32 to vector<16xf32>
        %mul3A_625 = arith.mulf %get3A_623, %mul3A_624 : vector<16xf32>
        %add3A_626 = arith.constant 12 : i32
        %add3A_627 = arith.addi %mul3A_39, %add3A_626 : i32
        %swap3A_628 = arith.index_cast %add3A_627 : i32 to index
        %swap3A_629 = arith.constant 16 : index
        %swap3A_630 = tpu.vector_load %arg11[%swap3A_628, %swap3A_629] {strides = array<i32>} : memref<80x48xf32, #tpu.memory_space<vmem>>, vector<1x16xf32>,
        %swap3A_631 = vector.shape_cast %swap3A_630 : vector<1x16xf32> to vector<16xf32>
        %swap3A_632 = vector.shape_cast %mul3A_625 : vector<16xf32> to vector<1x16xf32>
        tpu.vector_store %arg11[%swap3A_628, %swap3A_629], %swap3A_632 {strides = array<i32>} : memref<80x48xf32, #tpu.memory_space<vmem>>, vector<1x16xf32>,
        %add3A_633 = arith.constant 12 : i32
        %add3A_634 = arith.addi %mul3A_39, %add3A_633 : i32
        %get3A_635 = arith.index_cast %add3A_634 : i32 to index
        %get3A_636 = arith.constant 32 : index
        %get3A_637 = tpu.vector_load %arg11[%get3A_635, %get3A_636] {strides = array<i32>} : memref<80x48xf32, #tpu.memory_space<vmem>>, vector<1x16xf32>,
        %get3A_638 = vector.shape_cast %get3A_637 : vector<1x16xf32> to vector<16xf32>
        %mul3A_639 = vector.broadcast %squeeze3A_602 : f32 to vector<16xf32>
        %mul3A_640 = arith.mulf %get3A_638, %mul3A_639 : vector<16xf32>
        %add3A_641 = arith.constant 12 : i32
        %add3A_642 = arith.addi %mul3A_39, %add3A_641 : i32
        %swap3A_643 = arith.index_cast %add3A_642 : i32 to index
        %swap3A_644 = arith.constant 32 : index
        %swap3A_645 = tpu.vector_load %arg11[%swap3A_643, %swap3A_644] {strides = array<i32>} : memref<80x48xf32, #tpu.memory_space<vmem>>, vector<1x16xf32>,
        %swap3A_646 = vector.shape_cast %swap3A_645 : vector<1x16xf32> to vector<16xf32>
        %swap3A_647 = vector.shape_cast %mul3A_640 : vector<16xf32> to vector<1x16xf32>
        tpu.vector_store %arg11[%swap3A_643, %swap3A_644], %swap3A_647 {strides = array<i32>} : memref<80x48xf32, #tpu.memory_space<vmem>>, vector<1x16xf32>,
        %slice3A_648 = vector.extract_strided_slice %get3A_37 {offsets = [13], sizes = [1], strides = [1]} : vector<16xf32> to vector<1xf32>
        %squeeze3A_649 = vector.extract %slice3A_648[0] : f32 from vector<1xf32>
        %add3A_650 = arith.constant 13 : i32
        %add3A_651 = arith.addi %mul3A_39, %add3A_650 : i32
        %get3A_652 = arith.index_cast %add3A_651 : i32 to index
        %get3A_653 = arith.constant 0 : index
        %get3A_654 = tpu.vector_load %arg11[%get3A_652, %get3A_653] {strides = array<i32>} : memref<80x48xf32, #tpu.memory_space<vmem>>, vector<1x16xf32>,
        %get3A_655 = vector.shape_cast %get3A_654 : vector<1x16xf32> to vector<16xf32>
        %mul3A_656 = vector.broadcast %squeeze3A_649 : f32 to vector<16xf32>
        %mul3A_657 = arith.mulf %get3A_655, %mul3A_656 : vector<16xf32>
        %add3A_658 = arith.constant 13 : i32
        %add3A_659 = arith.addi %mul3A_39, %add3A_658 : i32
        %swap3A_660 = arith.index_cast %add3A_659 : i32 to index
        %swap3A_661 = arith.constant 0 : index
        %swap3A_662 = tpu.vector_load %arg11[%swap3A_660, %swap3A_661] {strides = array<i32>} : memref<80x48xf32, #tpu.memory_space<vmem>>, vector<1x16xf32>,
        %swap3A_663 = vector.shape_cast %swap3A_662 : vector<1x16xf32> to vector<16xf32>
        %swap3A_664 = vector.shape_cast %mul3A_657 : vector<16xf32> to vector<1x16xf32>
        tpu.vector_store %arg11[%swap3A_660, %swap3A_661], %swap3A_664 {strides = array<i32>} : memref<80x48xf32, #tpu.memory_space<vmem>>, vector<1x16xf32>,
        %add3A_665 = arith.constant 13 : i32
        %add3A_666 = arith.addi %mul3A_39, %add3A_665 : i32
        %get3A_667 = arith.index_cast %add3A_666 : i32 to index
        %get3A_668 = arith.constant 16 : index
        %get3A_669 = tpu.vector_load %arg11[%get3A_667, %get3A_668] {strides = array<i32>} : memref<80x48xf32, #tpu.memory_space<vmem>>, vector<1x16xf32>,
        %get3A_670 = vector.shape_cast %get3A_669 : vector<1x16xf32> to vector<16xf32>
        %mul3A_671 = vector.broadcast %squeeze3A_649 : f32 to vector<16xf32>
        %mul3A_672 = arith.mulf %get3A_670, %mul3A_671 : vector<16xf32>
        %add3A_673 = arith.constant 13 : i32
        %add3A_674 = arith.addi %mul3A_39, %add3A_673 : i32
        %swap3A_675 = arith.index_cast %add3A_674 : i32 to index
        %swap3A_676 = arith.constant 16 : index
        %swap3A_677 = tpu.vector_load %arg11[%swap3A_675, %swap3A_676] {strides = array<i32>} : memref<80x48xf32, #tpu.memory_space<vmem>>, vector<1x16xf32>,
        %swap3A_678 = vector.shape_cast %swap3A_677 : vector<1x16xf32> to vector<16xf32>
        %swap3A_679 = vector.shape_cast %mul3A_672 : vector<16xf32> to vector<1x16xf32>
        tpu.vector_store %arg11[%swap3A_675, %swap3A_676], %swap3A_679 {strides = array<i32>} : memref<80x48xf32, #tpu.memory_space<vmem>>, vector<1x16xf32>,
        %add3A_680 = arith.constant 13 : i32
        %add3A_681 = arith.addi %mul3A_39, %add3A_680 : i32
        %get3A_682 = arith.index_cast %add3A_681 : i32 to index
        %get3A_683 = arith.constant 32 : index
        %get3A_684 = tpu.vector_load %arg11[%get3A_682, %get3A_683] {strides = array<i32>} : memref<80x48xf32, #tpu.memory_space<vmem>>, vector<1x16xf32>,
        %get3A_685 = vector.shape_cast %get3A_684 : vector<1x16xf32> to vector<16xf32>
        %mul3A_686 = vector.broadcast %squeeze3A_649 : f32 to vector<16xf32>
        %mul3A_687 = arith.mulf %get3A_685, %mul3A_686 : vector<16xf32>
        %add3A_688 = arith.constant 13 : i32
        %add3A_689 = arith.addi %mul3A_39, %add3A_688 : i32
        %swap3A_690 = arith.index_cast %add3A_689 : i32 to index
        %swap3A_691 = arith.constant 32 : index
        %swap3A_692 = tpu.vector_load %arg11[%swap3A_690, %swap3A_691] {strides = array<i32>} : memref<80x48xf32, #tpu.memory_space<vmem>>, vector<1x16xf32>,
        %swap3A_693 = vector.shape_cast %swap3A_692 : vector<1x16xf32> to vector<16xf32>
        %swap3A_694 = vector.shape_cast %mul3A_687 : vector<16xf32> to vector<1x16xf32>
        tpu.vector_store %arg11[%swap3A_690, %swap3A_691], %swap3A_694 {strides = array<i32>} : memref<80x48xf32, #tpu.memory_space<vmem>>, vector<1x16xf32>,
        %slice3A_695 = vector.extract_strided_slice %get3A_37 {offsets = [14], sizes = [1], strides = [1]} : vector<16xf32> to vector<1xf32>
        %squeeze3A_696 = vector.extract %slice3A_695[0] : f32 from vector<1xf32>
        %add3A_697 = arith.constant 14 : i32
        %add3A_698 = arith.addi %mul3A_39, %add3A_697 : i32
        %get3A_699 = arith.index_cast %add3A_698 : i32 to index
        %get3A_700 = arith.constant 0 : index
        %get3A_701 = tpu.vector_load %arg11[%get3A_699, %get3A_700] {strides = array<i32>} : memref<80x48xf32, #tpu.memory_space<vmem>>, vector<1x16xf32>,
        %get3A_702 = vector.shape_cast %get3A_701 : vector<1x16xf32> to vector<16xf32>
        %mul3A_703 = vector.broadcast %squeeze3A_696 : f32 to vector<16xf32>
        %mul3A_704 = arith.mulf %get3A_702, %mul3A_703 : vector<16xf32>
        %add3A_705 = arith.constant 14 : i32
        %add3A_706 = arith.addi %mul3A_39, %add3A_705 : i32
        %swap3A_707 = arith.index_cast %add3A_706 : i32 to index
        %swap3A_708 = arith.constant 0 : index
        %swap3A_709 = tpu.vector_load %arg11[%swap3A_707, %swap3A_708] {strides = array<i32>} : memref<80x48xf32, #tpu.memory_space<vmem>>, vector<1x16xf32>,
        %swap3A_710 = vector.shape_cast %swap3A_709 : vector<1x16xf32> to vector<16xf32>
        %swap3A_711 = vector.shape_cast %mul3A_704 : vector<16xf32> to vector<1x16xf32>
        tpu.vector_store %arg11[%swap3A_707, %swap3A_708], %swap3A_711 {strides = array<i32>} : memref<80x48xf32, #tpu.memory_space<vmem>>, vector<1x16xf32>,
        %add3A_712 = arith.constant 14 : i32
        %add3A_713 = arith.addi %mul3A_39, %add3A_712 : i32
        %get3A_714 = arith.index_cast %add3A_713 : i32 to index
        %get3A_715 = arith.constant 16 : index
        %get3A_716 = tpu.vector_load %arg11[%get3A_714, %get3A_715] {strides = array<i32>} : memref<80x48xf32, #tpu.memory_space<vmem>>, vector<1x16xf32>,
        %get3A_717 = vector.shape_cast %get3A_716 : vector<1x16xf32> to vector<16xf32>
        %mul3A_718 = vector.broadcast %squeeze3A_696 : f32 to vector<16xf32>
        %mul3A_719 = arith.mulf %get3A_717, %mul3A_718 : vector<16xf32>
        %add3A_720 = arith.constant 14 : i32
        %add3A_721 = arith.addi %mul3A_39, %add3A_720 : i32
        %swap3A_722 = arith.index_cast %add3A_721 : i32 to index
        %swap3A_723 = arith.constant 16 : index
        %swap3A_724 = tpu.vector_load %arg11[%swap3A_722, %swap3A_723] {strides = array<i32>} : memref<80x48xf32, #tpu.memory_space<vmem>>, vector<1x16xf32>,
        %swap3A_725 = vector.shape_cast %swap3A_724 : vector<1x16xf32> to vector<16xf32>
        %swap3A_726 = vector.shape_cast %mul3A_719 : vector<16xf32> to vector<1x16xf32>
        tpu.vector_store %arg11[%swap3A_722, %swap3A_723], %swap3A_726 {strides = array<i32>} : memref<80x48xf32, #tpu.memory_space<vmem>>, vector<1x16xf32>,
        %add3A_727 = arith.constant 14 : i32
        %add3A_728 = arith.addi %mul3A_39, %add3A_727 : i32
        %get3A_729 = arith.index_cast %add3A_728 : i32 to index
        %get3A_730 = arith.constant 32 : index
        %get3A_731 = tpu.vector_load %arg11[%get3A_729, %get3A_730] {strides = array<i32>} : memref<80x48xf32, #tpu.memory_space<vmem>>, vector<1x16xf32>,
        %get3A_732 = vector.shape_cast %get3A_731 : vector<1x16xf32> to vector<16xf32>
        %mul3A_733 = vector.broadcast %squeeze3A_696 : f32 to vector<16xf32>
        %mul3A_734 = arith.mulf %get3A_732, %mul3A_733 : vector<16xf32>
        %add3A_735 = arith.constant 14 : i32
        %add3A_736 = arith.addi %mul3A_39, %add3A_735 : i32
        %swap3A_737 = arith.index_cast %add3A_736 : i32 to index
        %swap3A_738 = arith.constant 32 : index
        %swap3A_739 = tpu.vector_load %arg11[%swap3A_737, %swap3A_738] {strides = array<i32>} : memref<80x48xf32, #tpu.memory_space<vmem>>, vector<1x16xf32>,
        %swap3A_740 = vector.shape_cast %swap3A_739 : vector<1x16xf32> to vector<16xf32>
        %swap3A_741 = vector.shape_cast %mul3A_734 : vector<16xf32> to vector<1x16xf32>
        tpu.vector_store %arg11[%swap3A_737, %swap3A_738], %swap3A_741 {strides = array<i32>} : memref<80x48xf32, #tpu.memory_space<vmem>>, vector<1x16xf32>,
        %slice3A_742 = vector.extract_strided_slice %get3A_37 {offsets = [15], sizes = [1], strides = [1]} : vector<16xf32> to vector<1xf32>
        %squeeze3A_743 = vector.extract %slice3A_742[0] : f32 from vector<1xf32>
        %add3A_744 = arith.constant 15 : i32
        %add3A_745 = arith.addi %mul3A_39, %add3A_744 : i32
        %get3A_746 = arith.index_cast %add3A_745 : i32 to index
        %get3A_747 = arith.constant 0 : index
        %get3A_748 = tpu.vector_load %arg11[%get3A_746, %get3A_747] {strides = array<i32>} : memref<80x48xf32, #tpu.memory_space<vmem>>, vector<1x16xf32>,
        %get3A_749 = vector.shape_cast %get3A_748 : vector<1x16xf32> to vector<16xf32>
        %mul3A_750 = vector.broadcast %squeeze3A_743 : f32 to vector<16xf32>
        %mul3A_751 = arith.mulf %get3A_749, %mul3A_750 : vector<16xf32>
        %add3A_752 = arith.constant 15 : i32
        %add3A_753 = arith.addi %mul3A_39, %add3A_752 : i32
        %swap3A_754 = arith.index_cast %add3A_753 : i32 to index
        %swap3A_755 = arith.constant 0 : index
        %swap3A_756 = tpu.vector_load %arg11[%swap3A_754, %swap3A_755] {strides = array<i32>} : memref<80x48xf32, #tpu.memory_space<vmem>>, vector<1x16xf32>,
        %swap3A_757 = vector.shape_cast %swap3A_756 : vector<1x16xf32> to vector<16xf32>
        %swap3A_758 = vector.shape_cast %mul3A_751 : vector<16xf32> to vector<1x16xf32>
        tpu.vector_store %arg11[%swap3A_754, %swap3A_755], %swap3A_758 {strides = array<i32>} : memref<80x48xf32, #tpu.memory_space<vmem>>, vector<1x16xf32>,
        %add3A_759 = arith.constant 15 : i32
        %add3A_760 = arith.addi %mul3A_39, %add3A_759 : i32
        %get3A_761 = arith.index_cast %add3A_760 : i32 to index
        %get3A_762 = arith.constant 16 : index
        %get3A_763 = tpu.vector_load %arg11[%get3A_761, %get3A_762] {strides = array<i32>} : memref<80x48xf32, #tpu.memory_space<vmem>>, vector<1x16xf32>,
        %get3A_764 = vector.shape_cast %get3A_763 : vector<1x16xf32> to vector<16xf32>
        %mul3A_765 = vector.broadcast %squeeze3A_743 : f32 to vector<16xf32>
        %mul3A_766 = arith.mulf %get3A_764, %mul3A_765 : vector<16xf32>
        %add3A_767 = arith.constant 15 : i32
        %add3A_768 = arith.addi %mul3A_39, %add3A_767 : i32
        %swap3A_769 = arith.index_cast %add3A_768 : i32 to index
        %swap3A_770 = arith.constant 16 : index
        %swap3A_771 = tpu.vector_load %arg11[%swap3A_769, %swap3A_770] {strides = array<i32>} : memref<80x48xf32, #tpu.memory_space<vmem>>, vector<1x16xf32>,
        %swap3A_772 = vector.shape_cast %swap3A_771 : vector<1x16xf32> to vector<16xf32>
        %swap3A_773 = vector.shape_cast %mul3A_766 : vector<16xf32> to vector<1x16xf32>
        tpu.vector_store %arg11[%swap3A_769, %swap3A_770], %swap3A_773 {strides = array<i32>} : memref<80x48xf32, #tpu.memory_space<vmem>>, vector<1x16xf32>,
        %add3A_774 = arith.constant 15 : i32
        %add3A_775 = arith.addi %mul3A_39, %add3A_774 : i32
        %get3A_776 = arith.index_cast %add3A_775 : i32 to index
        %get3A_777 = arith.constant 32 : index
        %get3A_778 = tpu.vector_load %arg11[%get3A_776, %get3A_777] {strides = array<i32>} : memref<80x48xf32, #tpu.memory_space<vmem>>, vector<1x16xf32>,
        %get3A_779 = vector.shape_cast %get3A_778 : vector<1x16xf32> to vector<16xf32>
        %mul3A_780 = vector.broadcast %squeeze3A_743 : f32 to vector<16xf32>
        %mul3A_781 = arith.mulf %get3A_779, %mul3A_780 : vector<16xf32>
        %add3A_782 = arith.constant 15 : i32
        %add3A_783 = arith.addi %mul3A_39, %add3A_782 : i32
        %swap3A_784 = arith.index_cast %add3A_783 : i32 to index
        %swap3A_785 = arith.constant 32 : index
        %swap3A_786 = tpu.vector_load %arg11[%swap3A_784, %swap3A_785] {strides = array<i32>} : memref<80x48xf32, #tpu.memory_space<vmem>>, vector<1x16xf32>,
        %swap3A_787 = vector.shape_cast %swap3A_786 : vector<1x16xf32> to vector<16xf32>
        %swap3A_788 = vector.shape_cast %mul3A_781 : vector<16xf32> to vector<1x16xf32>
        tpu.vector_store %arg11[%swap3A_784, %swap3A_785], %swap3A_788 {strides = array<i32>} : memref<80x48xf32, #tpu.memory_space<vmem>>, vector<1x16xf32>,
      }
      %scan3A_29 = arith.constant 5 : i32
      "tpu.region"() ({
        %run_scoped3A = tpu.sem_alloc : memref<!tpu.dma_semaphore, #tpu.memory_space<semaphore_mem>>
        %dma_start3A_30 = arith.constant 0 : i32
        %dma_start3A_31 = tpu.memref_slice %arg9[%scan3A_13, %dma_start3A_30] : memref<125x80xi32, #tpu.memory_space<vmem>> -> memref<1x80xi32, #tpu.memory_space<vmem>>
        %dma_start3A_32 = tpu.memref_squeeze %dma_start3A_31 : memref<1x80xi32, #tpu.memory_space<vmem>> -> memref<80xi32, #tpu.memory_space<vmem>>
        %dma_start3A_33 = arith.constant 0 : i32
        %dma_start3A_34 = arith.constant 0 : i32
        %dma_start3A_35 = tpu.memref_slice %arg12[%dma_start3A_33, %dma_start3A_34] : memref<10240x48xf32, #tpu.memory_space<vmem_shared>> -> memref<10240x48xf32, #tpu.memory_space<vmem_shared>>
        tpu.enqueue_indirect_dma source(%arg11 : memref<80x48xf32, #tpu.memory_space<vmem>>) target(%dma_start3A_35 : memref<10240x48xf32, #tpu.memory_space<vmem_shared>>) offsets(%dma_start3A_32 : memref<80xi32, #tpu.memory_space<vmem>>) semaphore(%run_scoped3A : memref<!tpu.dma_semaphore, #tpu.memory_space<semaphore_mem>>) {add = true}
        %dma_wait3A_36 = arith.constant 0 : i32
        %dma_wait3A_37 = tpu.memref_slice %arg9[%scan3A_13, %dma_wait3A_36] : memref<125x80xi32, #tpu.memory_space<vmem>> -> memref<1x80xi32, #tpu.memory_space<vmem>>
        %dma_wait3A_38 = tpu.memref_squeeze %dma_wait3A_37 : memref<1x80xi32, #tpu.memory_space<vmem>> -> memref<80xi32, #tpu.memory_space<vmem>>
        %dma_wait3A_39 = arith.constant 0 : i32
        %dma_wait3A_40 = arith.constant 0 : i32
        %dma_wait3A_41 = tpu.memref_slice %arg12[%dma_wait3A_39, %dma_wait3A_40] : memref<10240x48xf32, #tpu.memory_space<vmem_shared>> -> memref<10240x48xf32, #tpu.memory_space<vmem_shared>>
        tpu.wait_indirect_dma semaphore(%run_scoped3A : memref<!tpu.dma_semaphore, #tpu.memory_space<semaphore_mem>>) src(%arg11 : memref<80x48xf32, #tpu.memory_space<vmem>>) dst(%dma_wait3A_41 : memref<10240x48xf32, #tpu.memory_space<vmem_shared>>)
        tpu.yield
      }) : () -> ()
    }
    %scan3A_7 = arith.constant 125 : i32
    %barrier3A_8 = arith.constant 0 : index
    tpu.barrier barrier_id(%barrier3A_8)
    %mul3A_9 = arith.constant 640 : i32
    %mul3A_10 = arith.muli %arg1, %mul3A_9 : i32
    %mul3A_11 = arith.constant 640 : i32
    %mul3A_12 = arith.muli %arg1, %mul3A_11 : i32
    "tpu.region"() ({
      %run_scoped3A = tpu.sem_alloc : memref<!tpu.dma_semaphore, #tpu.memory_space<semaphore_mem>>
      %dma_start3A = arith.constant 0 : i32
      %dma_start3A_13 = tpu.memref_slice %arg7[%arg0, %mul3A_12, %dma_start3A] : memref<2x10240x48xf32, #tpu.memory_space<hbm>> -> memref<1x640x48xf32, #tpu.memory_space<hbm>>
      %dma_start3A_14 = tpu.memref_squeeze %dma_start3A_13 : memref<1x640x48xf32, #tpu.memory_space<hbm>> -> memref<640x48xf32, #tpu.memory_space<hbm>>
      %dma_start3A_15 = arith.constant 0 : i32
      %dma_start3A_16 = tpu.memref_slice %arg12[%mul3A_10, %dma_start3A_15] : memref<10240x48xf32, #tpu.memory_space<vmem_shared>> -> memref<640x48xf32, #tpu.memory_space<vmem_shared>>
      tpu.enqueue_dma source(%dma_start3A_16 : memref<640x48xf32, #tpu.memory_space<vmem_shared>>) target(%dma_start3A_14 : memref<640x48xf32, #tpu.memory_space<hbm>>) target_semaphore(%run_scoped3A : memref<!tpu.dma_semaphore, #tpu.memory_space<semaphore_mem>>)
      %dma_wait3A = arith.constant 0 : i32
      %dma_wait3A_17 = tpu.memref_slice %arg7[%arg0, %mul3A_12, %dma_wait3A] : memref<2x10240x48xf32, #tpu.memory_space<hbm>> -> memref<1x640x48xf32, #tpu.memory_space<hbm>>
      %dma_wait3A_18 = tpu.memref_squeeze %dma_wait3A_17 : memref<1x640x48xf32, #tpu.memory_space<hbm>> -> memref<640x48xf32, #tpu.memory_space<hbm>>
      %dma_wait3A_19 = arith.constant 0 : i32
      %dma_wait3A_20 = tpu.memref_slice %arg12[%mul3A_10, %dma_wait3A_19] : memref<10240x48xf32, #tpu.memory_space<vmem_shared>> -> memref<640x48xf32, #tpu.memory_space<vmem_shared>>
      tpu.wait_dma2 semaphore(%run_scoped3A : memref<!tpu.dma_semaphore, #tpu.memory_space<semaphore_mem>>) src(%dma_wait3A_20 : memref<640x48xf32, #tpu.memory_space<vmem_shared>>) dst(%dma_wait3A_18 : memref<640x48xf32, #tpu.memory_space<hbm>>)
      tpu.yield
    }) : () -> ()
    return
  }
}

#map = affine_map<(d0, d1) -> (0, 0)>
#map1 = affine_map<(d0, d1) -> (0, 0, 0)>
module attributes {stable_mosaic.version = 14 : i64} {
  func.func @agg_kernel(%arg0: i32, %arg1: i32, %arg2: memref<10240x64xf32, #tpu.memory_space<hbm>>, %arg3: memref<10240x64xf32, #tpu.memory_space<hbm>>, %arg4: memref<16x250x80xi32, #tpu.memory_space<hbm>>, %arg5: memref<16x250x80xi32, #tpu.memory_space<hbm>>, %arg6: memref<16x250x80xf32, #tpu.memory_space<hbm>>, %arg7: memref<640x64xf32, #tpu.memory_space<hbm>>, %arg8: memref<2x10240x64xf32, #tpu.memory_space<hbm>>, %arg9: memref<250x80xi32, #tpu.memory_space<vmem>>, %arg10: memref<250x80xi32, #tpu.memory_space<vmem>>, %arg11: memref<250x80xf32, #tpu.memory_space<vmem>>, %arg12: memref<80x64xf32, #tpu.memory_space<vmem>>, %arg13: memref<10240x64xf32, #tpu.memory_space<vmem_shared>>, %arg14: memref<!tpu.dma_semaphore, #tpu.memory_space<semaphore_mem>>) attributes {dimension_semantics = [#tpu.dimension_semantics<core_parallel>, #tpu.dimension_semantics<subcore_parallel>], iteration_bounds = array<i64: 2, 16>, scalar_prefetch = 0 : i64, scratch_operands = 6 : i64, tpu.core_type = #tpu.core_type<sc_vector_subcore>, window_params = [{transform_indices = #map}, {transform_indices = #map}, {transform_indices = #map1}, {transform_indices = #map1}, {transform_indices = #map1}, {transform_indices = #map}, {transform_indices = #map1}]} {
    %mul3A = arith.constant 640 : i32
    %mul3A_0 = arith.muli %arg1, %mul3A : i32
    "tpu.region"() ({
      %run_scoped3A = tpu.sem_alloc : memref<!tpu.dma_semaphore, #tpu.memory_space<semaphore_mem>>
      %dma_start3A = arith.constant 0 : i32
      %dma_start3A_11 = tpu.memref_slice %arg13[%mul3A_0, %dma_start3A] : memref<10240x64xf32, #tpu.memory_space<vmem_shared>> -> memref<640x64xf32, #tpu.memory_space<vmem_shared>>
      tpu.enqueue_dma source(%arg7 : memref<640x64xf32, #tpu.memory_space<hbm>>) target(%dma_start3A_11 : memref<640x64xf32, #tpu.memory_space<vmem_shared>>) target_semaphore(%run_scoped3A : memref<!tpu.dma_semaphore, #tpu.memory_space<semaphore_mem>>)
      %dma_wait3A = arith.constant 0 : i32
      %dma_wait3A_12 = tpu.memref_slice %arg13[%mul3A_0, %dma_wait3A] : memref<10240x64xf32, #tpu.memory_space<vmem_shared>> -> memref<640x64xf32, #tpu.memory_space<vmem_shared>>
      tpu.wait_dma2 semaphore(%run_scoped3A : memref<!tpu.dma_semaphore, #tpu.memory_space<semaphore_mem>>) src(%arg7 : memref<640x64xf32, #tpu.memory_space<hbm>>) dst(%dma_wait3A_12 : memref<640x64xf32, #tpu.memory_space<vmem_shared>>)
      tpu.yield
    }) : () -> ()
    %barrier3A = arith.constant 0 : index
    tpu.barrier barrier_id(%barrier3A)
    "tpu.region"() ({
      %run_scoped3A = tpu.sem_alloc : memref<!tpu.dma_semaphore, #tpu.memory_space<semaphore_mem>>
      %dma_start3A = arith.constant 0 : i32
      %dma_start3A_11 = arith.constant 0 : i32
      %dma_start3A_12 = tpu.memref_slice %arg4[%arg1, %dma_start3A, %dma_start3A_11] : memref<16x250x80xi32, #tpu.memory_space<hbm>> -> memref<1x250x80xi32, #tpu.memory_space<hbm>>
      %dma_start3A_13 = tpu.memref_squeeze %dma_start3A_12 : memref<1x250x80xi32, #tpu.memory_space<hbm>> -> memref<250x80xi32, #tpu.memory_space<hbm>>
      %dma_start3A_14 = arith.constant 0 : i32
      %dma_start3A_15 = arith.constant 0 : i32
      %dma_start3A_16 = tpu.memref_slice %arg4[%arg1, %dma_start3A_14, %dma_start3A_15] : memref<16x250x80xi32, #tpu.memory_space<hbm>> -> memref<1x250x80xi32, #tpu.memory_space<hbm>>
      %dma_start3A_17 = tpu.memref_squeeze %dma_start3A_16 : memref<1x250x80xi32, #tpu.memory_space<hbm>> -> memref<250x80xi32, #tpu.memory_space<hbm>>
      tpu.enqueue_dma source(%dma_start3A_17 : memref<250x80xi32, #tpu.memory_space<hbm>>) target(%arg9 : memref<250x80xi32, #tpu.memory_space<vmem>>) target_semaphore(%run_scoped3A : memref<!tpu.dma_semaphore, #tpu.memory_space<semaphore_mem>>)
      %dma_wait3A = arith.constant 0 : i32
      %dma_wait3A_18 = arith.constant 0 : i32
      %dma_wait3A_19 = tpu.memref_slice %arg4[%arg1, %dma_wait3A, %dma_wait3A_18] : memref<16x250x80xi32, #tpu.memory_space<hbm>> -> memref<1x250x80xi32, #tpu.memory_space<hbm>>
      %dma_wait3A_20 = tpu.memref_squeeze %dma_wait3A_19 : memref<1x250x80xi32, #tpu.memory_space<hbm>> -> memref<250x80xi32, #tpu.memory_space<hbm>>
      %dma_wait3A_21 = arith.constant 0 : i32
      %dma_wait3A_22 = arith.constant 0 : i32
      %dma_wait3A_23 = tpu.memref_slice %arg4[%arg1, %dma_wait3A_21, %dma_wait3A_22] : memref<16x250x80xi32, #tpu.memory_space<hbm>> -> memref<1x250x80xi32, #tpu.memory_space<hbm>>
      %dma_wait3A_24 = tpu.memref_squeeze %dma_wait3A_23 : memref<1x250x80xi32, #tpu.memory_space<hbm>> -> memref<250x80xi32, #tpu.memory_space<hbm>>
      tpu.wait_dma2 semaphore(%run_scoped3A : memref<!tpu.dma_semaphore, #tpu.memory_space<semaphore_mem>>) src(%dma_wait3A_24 : memref<250x80xi32, #tpu.memory_space<hbm>>) dst(%arg9 : memref<250x80xi32, #tpu.memory_space<vmem>>)
      tpu.yield
    }) : () -> ()
    "tpu.region"() ({
      %run_scoped3A = tpu.sem_alloc : memref<!tpu.dma_semaphore, #tpu.memory_space<semaphore_mem>>
      %dma_start3A = arith.constant 0 : i32
      %dma_start3A_11 = arith.constant 0 : i32
      %dma_start3A_12 = tpu.memref_slice %arg5[%arg1, %dma_start3A, %dma_start3A_11] : memref<16x250x80xi32, #tpu.memory_space<hbm>> -> memref<1x250x80xi32, #tpu.memory_space<hbm>>
      %dma_start3A_13 = tpu.memref_squeeze %dma_start3A_12 : memref<1x250x80xi32, #tpu.memory_space<hbm>> -> memref<250x80xi32, #tpu.memory_space<hbm>>
      %dma_start3A_14 = arith.constant 0 : i32
      %dma_start3A_15 = arith.constant 0 : i32
      %dma_start3A_16 = tpu.memref_slice %arg5[%arg1, %dma_start3A_14, %dma_start3A_15] : memref<16x250x80xi32, #tpu.memory_space<hbm>> -> memref<1x250x80xi32, #tpu.memory_space<hbm>>
      %dma_start3A_17 = tpu.memref_squeeze %dma_start3A_16 : memref<1x250x80xi32, #tpu.memory_space<hbm>> -> memref<250x80xi32, #tpu.memory_space<hbm>>
      tpu.enqueue_dma source(%dma_start3A_17 : memref<250x80xi32, #tpu.memory_space<hbm>>) target(%arg10 : memref<250x80xi32, #tpu.memory_space<vmem>>) target_semaphore(%run_scoped3A : memref<!tpu.dma_semaphore, #tpu.memory_space<semaphore_mem>>)
      %dma_wait3A = arith.constant 0 : i32
      %dma_wait3A_18 = arith.constant 0 : i32
      %dma_wait3A_19 = tpu.memref_slice %arg5[%arg1, %dma_wait3A, %dma_wait3A_18] : memref<16x250x80xi32, #tpu.memory_space<hbm>> -> memref<1x250x80xi32, #tpu.memory_space<hbm>>
      %dma_wait3A_20 = tpu.memref_squeeze %dma_wait3A_19 : memref<1x250x80xi32, #tpu.memory_space<hbm>> -> memref<250x80xi32, #tpu.memory_space<hbm>>
      %dma_wait3A_21 = arith.constant 0 : i32
      %dma_wait3A_22 = arith.constant 0 : i32
      %dma_wait3A_23 = tpu.memref_slice %arg5[%arg1, %dma_wait3A_21, %dma_wait3A_22] : memref<16x250x80xi32, #tpu.memory_space<hbm>> -> memref<1x250x80xi32, #tpu.memory_space<hbm>>
      %dma_wait3A_24 = tpu.memref_squeeze %dma_wait3A_23 : memref<1x250x80xi32, #tpu.memory_space<hbm>> -> memref<250x80xi32, #tpu.memory_space<hbm>>
      tpu.wait_dma2 semaphore(%run_scoped3A : memref<!tpu.dma_semaphore, #tpu.memory_space<semaphore_mem>>) src(%dma_wait3A_24 : memref<250x80xi32, #tpu.memory_space<hbm>>) dst(%arg10 : memref<250x80xi32, #tpu.memory_space<vmem>>)
      tpu.yield
    }) : () -> ()
    "tpu.region"() ({
      %run_scoped3A = tpu.sem_alloc : memref<!tpu.dma_semaphore, #tpu.memory_space<semaphore_mem>>
      %dma_start3A = arith.constant 0 : i32
      %dma_start3A_11 = arith.constant 0 : i32
      %dma_start3A_12 = tpu.memref_slice %arg6[%arg1, %dma_start3A, %dma_start3A_11] : memref<16x250x80xf32, #tpu.memory_space<hbm>> -> memref<1x250x80xf32, #tpu.memory_space<hbm>>
      %dma_start3A_13 = tpu.memref_squeeze %dma_start3A_12 : memref<1x250x80xf32, #tpu.memory_space<hbm>> -> memref<250x80xf32, #tpu.memory_space<hbm>>
      %dma_start3A_14 = arith.constant 0 : i32
      %dma_start3A_15 = arith.constant 0 : i32
      %dma_start3A_16 = tpu.memref_slice %arg6[%arg1, %dma_start3A_14, %dma_start3A_15] : memref<16x250x80xf32, #tpu.memory_space<hbm>> -> memref<1x250x80xf32, #tpu.memory_space<hbm>>
      %dma_start3A_17 = tpu.memref_squeeze %dma_start3A_16 : memref<1x250x80xf32, #tpu.memory_space<hbm>> -> memref<250x80xf32, #tpu.memory_space<hbm>>
      tpu.enqueue_dma source(%dma_start3A_17 : memref<250x80xf32, #tpu.memory_space<hbm>>) target(%arg11 : memref<250x80xf32, #tpu.memory_space<vmem>>) target_semaphore(%run_scoped3A : memref<!tpu.dma_semaphore, #tpu.memory_space<semaphore_mem>>)
      %dma_wait3A = arith.constant 0 : i32
      %dma_wait3A_18 = arith.constant 0 : i32
      %dma_wait3A_19 = tpu.memref_slice %arg6[%arg1, %dma_wait3A, %dma_wait3A_18] : memref<16x250x80xf32, #tpu.memory_space<hbm>> -> memref<1x250x80xf32, #tpu.memory_space<hbm>>
      %dma_wait3A_20 = tpu.memref_squeeze %dma_wait3A_19 : memref<1x250x80xf32, #tpu.memory_space<hbm>> -> memref<250x80xf32, #tpu.memory_space<hbm>>
      %dma_wait3A_21 = arith.constant 0 : i32
      %dma_wait3A_22 = arith.constant 0 : i32
      %dma_wait3A_23 = tpu.memref_slice %arg6[%arg1, %dma_wait3A_21, %dma_wait3A_22] : memref<16x250x80xf32, #tpu.memory_space<hbm>> -> memref<1x250x80xf32, #tpu.memory_space<hbm>>
      %dma_wait3A_24 = tpu.memref_squeeze %dma_wait3A_23 : memref<1x250x80xf32, #tpu.memory_space<hbm>> -> memref<250x80xf32, #tpu.memory_space<hbm>>
      tpu.wait_dma2 semaphore(%run_scoped3A : memref<!tpu.dma_semaphore, #tpu.memory_space<semaphore_mem>>) src(%dma_wait3A_24 : memref<250x80xf32, #tpu.memory_space<hbm>>) dst(%arg11 : memref<250x80xf32, #tpu.memory_space<vmem>>)
      tpu.yield
    }) : () -> ()
    %scan3A = arith.constant 0 : i32
    %scan3A_1 = arith.constant 0 : i32
    %scan3A_2 = arith.constant 250 : i32
    %scan3A_3 = arith.addi %scan3A_1, %scan3A_2 : i32
    %scan3A_4 = arith.constant 1 : i32
    scf.for %scan3A_11 = %scan3A_1 to %scan3A_3 step %scan3A_4  : i32 {
      %eq3A = arith.constant 0 : i32
      %eq3A_12 = arith.cmpi eq, %arg0, %eq3A : i32
      %convert_element_type3A = arith.extui %eq3A_12 : i1 to i32
      %cond3A = arith.constant 0 : i32
      %cond3A_13 = arith.cmpi ne, %convert_element_type3A, %cond3A : i32
      scf.if %cond3A_13 {
        %dma_start3A = arith.constant 0 : i32
        %dma_start3A_25 = tpu.memref_slice %arg9[%scan3A_11, %dma_start3A] : memref<250x80xi32, #tpu.memory_space<vmem>> -> memref<1x80xi32, #tpu.memory_space<vmem>>
        %dma_start3A_26 = tpu.memref_squeeze %dma_start3A_25 : memref<1x80xi32, #tpu.memory_space<vmem>> -> memref<80xi32, #tpu.memory_space<vmem>>
        %dma_start3A_27 = arith.constant 0 : i32
        %dma_start3A_28 = arith.constant 0 : i32
        %dma_start3A_29 = tpu.memref_slice %arg2[%dma_start3A_27, %dma_start3A_28] : memref<10240x64xf32, #tpu.memory_space<hbm>> -> memref<10240x64xf32, #tpu.memory_space<hbm>>
        tpu.enqueue_indirect_dma source(%dma_start3A_29 : memref<10240x64xf32, #tpu.memory_space<hbm>>) target(%arg12 : memref<80x64xf32, #tpu.memory_space<vmem>>) offsets(%dma_start3A_26 : memref<80xi32, #tpu.memory_space<vmem>>) semaphore(%arg14 : memref<!tpu.dma_semaphore, #tpu.memory_space<semaphore_mem>>)
        %dma_wait3A = arith.constant 0 : i32
        %dma_wait3A_30 = tpu.memref_slice %arg9[%scan3A_11, %dma_wait3A] : memref<250x80xi32, #tpu.memory_space<vmem>> -> memref<1x80xi32, #tpu.memory_space<vmem>>
        %dma_wait3A_31 = tpu.memref_squeeze %dma_wait3A_30 : memref<1x80xi32, #tpu.memory_space<vmem>> -> memref<80xi32, #tpu.memory_space<vmem>>
        %dma_wait3A_32 = arith.constant 0 : i32
        %dma_wait3A_33 = arith.constant 0 : i32
        %dma_wait3A_34 = tpu.memref_slice %arg2[%dma_wait3A_32, %dma_wait3A_33] : memref<10240x64xf32, #tpu.memory_space<hbm>> -> memref<10240x64xf32, #tpu.memory_space<hbm>>
        tpu.wait_indirect_dma semaphore(%arg14 : memref<!tpu.dma_semaphore, #tpu.memory_space<semaphore_mem>>) src(%dma_wait3A_34 : memref<10240x64xf32, #tpu.memory_space<hbm>>) dst(%arg12 : memref<80x64xf32, #tpu.memory_space<vmem>>)
      } else {
      }
      %eq3A_14 = arith.constant 1 : i32
      %eq3A_15 = arith.cmpi eq, %arg0, %eq3A_14 : i32
      %convert_element_type3A_16 = arith.extui %eq3A_15 : i1 to i32
      %cond3A_17 = arith.constant 0 : i32
      %cond3A_18 = arith.cmpi ne, %convert_element_type3A_16, %cond3A_17 : i32
      scf.if %cond3A_18 {
        %dma_start3A = arith.constant 0 : i32
        %dma_start3A_25 = tpu.memref_slice %arg9[%scan3A_11, %dma_start3A] : memref<250x80xi32, #tpu.memory_space<vmem>> -> memref<1x80xi32, #tpu.memory_space<vmem>>
        %dma_start3A_26 = tpu.memref_squeeze %dma_start3A_25 : memref<1x80xi32, #tpu.memory_space<vmem>> -> memref<80xi32, #tpu.memory_space<vmem>>
        %dma_start3A_27 = arith.constant 0 : i32
        %dma_start3A_28 = arith.constant 0 : i32
        %dma_start3A_29 = tpu.memref_slice %arg3[%dma_start3A_27, %dma_start3A_28] : memref<10240x64xf32, #tpu.memory_space<hbm>> -> memref<10240x64xf32, #tpu.memory_space<hbm>>
        tpu.enqueue_indirect_dma source(%dma_start3A_29 : memref<10240x64xf32, #tpu.memory_space<hbm>>) target(%arg12 : memref<80x64xf32, #tpu.memory_space<vmem>>) offsets(%dma_start3A_26 : memref<80xi32, #tpu.memory_space<vmem>>) semaphore(%arg14 : memref<!tpu.dma_semaphore, #tpu.memory_space<semaphore_mem>>)
        %dma_wait3A = arith.constant 0 : i32
        %dma_wait3A_30 = tpu.memref_slice %arg9[%scan3A_11, %dma_wait3A] : memref<250x80xi32, #tpu.memory_space<vmem>> -> memref<1x80xi32, #tpu.memory_space<vmem>>
        %dma_wait3A_31 = tpu.memref_squeeze %dma_wait3A_30 : memref<1x80xi32, #tpu.memory_space<vmem>> -> memref<80xi32, #tpu.memory_space<vmem>>
        %dma_wait3A_32 = arith.constant 0 : i32
        %dma_wait3A_33 = arith.constant 0 : i32
        %dma_wait3A_34 = tpu.memref_slice %arg3[%dma_wait3A_32, %dma_wait3A_33] : memref<10240x64xf32, #tpu.memory_space<hbm>> -> memref<10240x64xf32, #tpu.memory_space<hbm>>
        tpu.wait_indirect_dma semaphore(%arg14 : memref<!tpu.dma_semaphore, #tpu.memory_space<semaphore_mem>>) src(%dma_wait3A_34 : memref<10240x64xf32, #tpu.memory_space<hbm>>) dst(%arg12 : memref<80x64xf32, #tpu.memory_space<vmem>>)
      } else {
      }
      %scan3A_19 = arith.constant 0 : i32
      %scan3A_20 = arith.constant 0 : i32
      %scan3A_21 = arith.constant 5 : i32
      %scan3A_22 = arith.addi %scan3A_20, %scan3A_21 : i32
      %scan3A_23 = arith.constant 1 : i32
      scf.for %scan3A_25 = %scan3A_20 to %scan3A_22 step %scan3A_23  : i32 {
        %mul3A_26 = arith.constant 16 : i32
        %mul3A_27 = arith.muli %scan3A_25, %mul3A_26 : i32
        %get3A = arith.constant 0 : i32
        %get3A_28 = tpu.memref_slice %arg11[%scan3A_11, %get3A] : memref<250x80xf32, #tpu.memory_space<vmem>> -> memref<1x80xf32, #tpu.memory_space<vmem>>
        %get3A_29 = tpu.memref_squeeze %get3A_28 : memref<1x80xf32, #tpu.memory_space<vmem>> -> memref<80xf32, #tpu.memory_space<vmem>>
        %get3A_30 = arith.index_cast %mul3A_27 : i32 to index
        %get3A_31 = tpu.vector_load %get3A_29[%get3A_30] {strides = array<i32>} : memref<80xf32, #tpu.memory_space<vmem>>, vector<16xf32>,
        %get3A_32 = vector.shape_cast %get3A_31 : vector<16xf32> to vector<16xf32>
        %mul3A_33 = arith.constant 16 : i32
        %mul3A_34 = arith.muli %scan3A_25, %mul3A_33 : i32
        %slice3A = vector.extract_strided_slice %get3A_32 {offsets = [0], sizes = [1], strides = [1]} : vector<16xf32> to vector<1xf32>
        %squeeze3A = vector.extract %slice3A[0] : f32 from vector<1xf32>
        %add3A = arith.constant 0 : i32
        %add3A_35 = arith.addi %mul3A_34, %add3A : i32
        %get3A_36 = arith.index_cast %add3A_35 : i32 to index
        %get3A_37 = arith.constant 0 : index
        %get3A_38 = tpu.vector_load %arg12[%get3A_36, %get3A_37] {strides = array<i32>} : memref<80x64xf32, #tpu.memory_space<vmem>>, vector<1x16xf32>,
        %get3A_39 = vector.shape_cast %get3A_38 : vector<1x16xf32> to vector<16xf32>
        %mul3A_40 = vector.broadcast %squeeze3A : f32 to vector<16xf32>
        %mul3A_41 = arith.mulf %get3A_39, %mul3A_40 : vector<16xf32>
        %add3A_42 = arith.constant 0 : i32
        %add3A_43 = arith.addi %mul3A_34, %add3A_42 : i32
        %swap3A = arith.index_cast %add3A_43 : i32 to index
        %swap3A_44 = arith.constant 0 : index
        %swap3A_45 = tpu.vector_load %arg12[%swap3A, %swap3A_44] {strides = array<i32>} : memref<80x64xf32, #tpu.memory_space<vmem>>, vector<1x16xf32>,
        %swap3A_46 = vector.shape_cast %swap3A_45 : vector<1x16xf32> to vector<16xf32>
        %swap3A_47 = vector.shape_cast %mul3A_41 : vector<16xf32> to vector<1x16xf32>
        tpu.vector_store %arg12[%swap3A, %swap3A_44], %swap3A_47 {strides = array<i32>} : memref<80x64xf32, #tpu.memory_space<vmem>>, vector<1x16xf32>,
        %add3A_48 = arith.constant 0 : i32
        %add3A_49 = arith.addi %mul3A_34, %add3A_48 : i32
        %get3A_50 = arith.index_cast %add3A_49 : i32 to index
        %get3A_51 = arith.constant 16 : index
        %get3A_52 = tpu.vector_load %arg12[%get3A_50, %get3A_51] {strides = array<i32>} : memref<80x64xf32, #tpu.memory_space<vmem>>, vector<1x16xf32>,
        %get3A_53 = vector.shape_cast %get3A_52 : vector<1x16xf32> to vector<16xf32>
        %mul3A_54 = vector.broadcast %squeeze3A : f32 to vector<16xf32>
        %mul3A_55 = arith.mulf %get3A_53, %mul3A_54 : vector<16xf32>
        %add3A_56 = arith.constant 0 : i32
        %add3A_57 = arith.addi %mul3A_34, %add3A_56 : i32
        %swap3A_58 = arith.index_cast %add3A_57 : i32 to index
        %swap3A_59 = arith.constant 16 : index
        %swap3A_60 = tpu.vector_load %arg12[%swap3A_58, %swap3A_59] {strides = array<i32>} : memref<80x64xf32, #tpu.memory_space<vmem>>, vector<1x16xf32>,
        %swap3A_61 = vector.shape_cast %swap3A_60 : vector<1x16xf32> to vector<16xf32>
        %swap3A_62 = vector.shape_cast %mul3A_55 : vector<16xf32> to vector<1x16xf32>
        tpu.vector_store %arg12[%swap3A_58, %swap3A_59], %swap3A_62 {strides = array<i32>} : memref<80x64xf32, #tpu.memory_space<vmem>>, vector<1x16xf32>,
        %add3A_63 = arith.constant 0 : i32
        %add3A_64 = arith.addi %mul3A_34, %add3A_63 : i32
        %get3A_65 = arith.index_cast %add3A_64 : i32 to index
        %get3A_66 = arith.constant 32 : index
        %get3A_67 = tpu.vector_load %arg12[%get3A_65, %get3A_66] {strides = array<i32>} : memref<80x64xf32, #tpu.memory_space<vmem>>, vector<1x16xf32>,
        %get3A_68 = vector.shape_cast %get3A_67 : vector<1x16xf32> to vector<16xf32>
        %mul3A_69 = vector.broadcast %squeeze3A : f32 to vector<16xf32>
        %mul3A_70 = arith.mulf %get3A_68, %mul3A_69 : vector<16xf32>
        %add3A_71 = arith.constant 0 : i32
        %add3A_72 = arith.addi %mul3A_34, %add3A_71 : i32
        %swap3A_73 = arith.index_cast %add3A_72 : i32 to index
        %swap3A_74 = arith.constant 32 : index
        %swap3A_75 = tpu.vector_load %arg12[%swap3A_73, %swap3A_74] {strides = array<i32>} : memref<80x64xf32, #tpu.memory_space<vmem>>, vector<1x16xf32>,
        %swap3A_76 = vector.shape_cast %swap3A_75 : vector<1x16xf32> to vector<16xf32>
        %swap3A_77 = vector.shape_cast %mul3A_70 : vector<16xf32> to vector<1x16xf32>
        tpu.vector_store %arg12[%swap3A_73, %swap3A_74], %swap3A_77 {strides = array<i32>} : memref<80x64xf32, #tpu.memory_space<vmem>>, vector<1x16xf32>,
        %add3A_78 = arith.constant 0 : i32
        %add3A_79 = arith.addi %mul3A_34, %add3A_78 : i32
        %get3A_80 = arith.index_cast %add3A_79 : i32 to index
        %get3A_81 = arith.constant 48 : index
        %get3A_82 = tpu.vector_load %arg12[%get3A_80, %get3A_81] {strides = array<i32>} : memref<80x64xf32, #tpu.memory_space<vmem>>, vector<1x16xf32>,
        %get3A_83 = vector.shape_cast %get3A_82 : vector<1x16xf32> to vector<16xf32>
        %mul3A_84 = vector.broadcast %squeeze3A : f32 to vector<16xf32>
        %mul3A_85 = arith.mulf %get3A_83, %mul3A_84 : vector<16xf32>
        %add3A_86 = arith.constant 0 : i32
        %add3A_87 = arith.addi %mul3A_34, %add3A_86 : i32
        %swap3A_88 = arith.index_cast %add3A_87 : i32 to index
        %swap3A_89 = arith.constant 48 : index
        %swap3A_90 = tpu.vector_load %arg12[%swap3A_88, %swap3A_89] {strides = array<i32>} : memref<80x64xf32, #tpu.memory_space<vmem>>, vector<1x16xf32>,
        %swap3A_91 = vector.shape_cast %swap3A_90 : vector<1x16xf32> to vector<16xf32>
        %swap3A_92 = vector.shape_cast %mul3A_85 : vector<16xf32> to vector<1x16xf32>
        tpu.vector_store %arg12[%swap3A_88, %swap3A_89], %swap3A_92 {strides = array<i32>} : memref<80x64xf32, #tpu.memory_space<vmem>>, vector<1x16xf32>,
        %slice3A_93 = vector.extract_strided_slice %get3A_32 {offsets = [1], sizes = [1], strides = [1]} : vector<16xf32> to vector<1xf32>
        %squeeze3A_94 = vector.extract %slice3A_93[0] : f32 from vector<1xf32>
        %add3A_95 = arith.constant 1 : i32
        %add3A_96 = arith.addi %mul3A_34, %add3A_95 : i32
        %get3A_97 = arith.index_cast %add3A_96 : i32 to index
        %get3A_98 = arith.constant 0 : index
        %get3A_99 = tpu.vector_load %arg12[%get3A_97, %get3A_98] {strides = array<i32>} : memref<80x64xf32, #tpu.memory_space<vmem>>, vector<1x16xf32>,
        %get3A_100 = vector.shape_cast %get3A_99 : vector<1x16xf32> to vector<16xf32>
        %mul3A_101 = vector.broadcast %squeeze3A_94 : f32 to vector<16xf32>
        %mul3A_102 = arith.mulf %get3A_100, %mul3A_101 : vector<16xf32>
        %add3A_103 = arith.constant 1 : i32
        %add3A_104 = arith.addi %mul3A_34, %add3A_103 : i32
        %swap3A_105 = arith.index_cast %add3A_104 : i32 to index
        %swap3A_106 = arith.constant 0 : index
        %swap3A_107 = tpu.vector_load %arg12[%swap3A_105, %swap3A_106] {strides = array<i32>} : memref<80x64xf32, #tpu.memory_space<vmem>>, vector<1x16xf32>,
        %swap3A_108 = vector.shape_cast %swap3A_107 : vector<1x16xf32> to vector<16xf32>
        %swap3A_109 = vector.shape_cast %mul3A_102 : vector<16xf32> to vector<1x16xf32>
        tpu.vector_store %arg12[%swap3A_105, %swap3A_106], %swap3A_109 {strides = array<i32>} : memref<80x64xf32, #tpu.memory_space<vmem>>, vector<1x16xf32>,
        %add3A_110 = arith.constant 1 : i32
        %add3A_111 = arith.addi %mul3A_34, %add3A_110 : i32
        %get3A_112 = arith.index_cast %add3A_111 : i32 to index
        %get3A_113 = arith.constant 16 : index
        %get3A_114 = tpu.vector_load %arg12[%get3A_112, %get3A_113] {strides = array<i32>} : memref<80x64xf32, #tpu.memory_space<vmem>>, vector<1x16xf32>,
        %get3A_115 = vector.shape_cast %get3A_114 : vector<1x16xf32> to vector<16xf32>
        %mul3A_116 = vector.broadcast %squeeze3A_94 : f32 to vector<16xf32>
        %mul3A_117 = arith.mulf %get3A_115, %mul3A_116 : vector<16xf32>
        %add3A_118 = arith.constant 1 : i32
        %add3A_119 = arith.addi %mul3A_34, %add3A_118 : i32
        %swap3A_120 = arith.index_cast %add3A_119 : i32 to index
        %swap3A_121 = arith.constant 16 : index
        %swap3A_122 = tpu.vector_load %arg12[%swap3A_120, %swap3A_121] {strides = array<i32>} : memref<80x64xf32, #tpu.memory_space<vmem>>, vector<1x16xf32>,
        %swap3A_123 = vector.shape_cast %swap3A_122 : vector<1x16xf32> to vector<16xf32>
        %swap3A_124 = vector.shape_cast %mul3A_117 : vector<16xf32> to vector<1x16xf32>
        tpu.vector_store %arg12[%swap3A_120, %swap3A_121], %swap3A_124 {strides = array<i32>} : memref<80x64xf32, #tpu.memory_space<vmem>>, vector<1x16xf32>,
        %add3A_125 = arith.constant 1 : i32
        %add3A_126 = arith.addi %mul3A_34, %add3A_125 : i32
        %get3A_127 = arith.index_cast %add3A_126 : i32 to index
        %get3A_128 = arith.constant 32 : index
        %get3A_129 = tpu.vector_load %arg12[%get3A_127, %get3A_128] {strides = array<i32>} : memref<80x64xf32, #tpu.memory_space<vmem>>, vector<1x16xf32>,
        %get3A_130 = vector.shape_cast %get3A_129 : vector<1x16xf32> to vector<16xf32>
        %mul3A_131 = vector.broadcast %squeeze3A_94 : f32 to vector<16xf32>
        %mul3A_132 = arith.mulf %get3A_130, %mul3A_131 : vector<16xf32>
        %add3A_133 = arith.constant 1 : i32
        %add3A_134 = arith.addi %mul3A_34, %add3A_133 : i32
        %swap3A_135 = arith.index_cast %add3A_134 : i32 to index
        %swap3A_136 = arith.constant 32 : index
        %swap3A_137 = tpu.vector_load %arg12[%swap3A_135, %swap3A_136] {strides = array<i32>} : memref<80x64xf32, #tpu.memory_space<vmem>>, vector<1x16xf32>,
        %swap3A_138 = vector.shape_cast %swap3A_137 : vector<1x16xf32> to vector<16xf32>
        %swap3A_139 = vector.shape_cast %mul3A_132 : vector<16xf32> to vector<1x16xf32>
        tpu.vector_store %arg12[%swap3A_135, %swap3A_136], %swap3A_139 {strides = array<i32>} : memref<80x64xf32, #tpu.memory_space<vmem>>, vector<1x16xf32>,
        %add3A_140 = arith.constant 1 : i32
        %add3A_141 = arith.addi %mul3A_34, %add3A_140 : i32
        %get3A_142 = arith.index_cast %add3A_141 : i32 to index
        %get3A_143 = arith.constant 48 : index
        %get3A_144 = tpu.vector_load %arg12[%get3A_142, %get3A_143] {strides = array<i32>} : memref<80x64xf32, #tpu.memory_space<vmem>>, vector<1x16xf32>,
        %get3A_145 = vector.shape_cast %get3A_144 : vector<1x16xf32> to vector<16xf32>
        %mul3A_146 = vector.broadcast %squeeze3A_94 : f32 to vector<16xf32>
        %mul3A_147 = arith.mulf %get3A_145, %mul3A_146 : vector<16xf32>
        %add3A_148 = arith.constant 1 : i32
        %add3A_149 = arith.addi %mul3A_34, %add3A_148 : i32
        %swap3A_150 = arith.index_cast %add3A_149 : i32 to index
        %swap3A_151 = arith.constant 48 : index
        %swap3A_152 = tpu.vector_load %arg12[%swap3A_150, %swap3A_151] {strides = array<i32>} : memref<80x64xf32, #tpu.memory_space<vmem>>, vector<1x16xf32>,
        %swap3A_153 = vector.shape_cast %swap3A_152 : vector<1x16xf32> to vector<16xf32>
        %swap3A_154 = vector.shape_cast %mul3A_147 : vector<16xf32> to vector<1x16xf32>
        tpu.vector_store %arg12[%swap3A_150, %swap3A_151], %swap3A_154 {strides = array<i32>} : memref<80x64xf32, #tpu.memory_space<vmem>>, vector<1x16xf32>,
        %slice3A_155 = vector.extract_strided_slice %get3A_32 {offsets = [2], sizes = [1], strides = [1]} : vector<16xf32> to vector<1xf32>
        %squeeze3A_156 = vector.extract %slice3A_155[0] : f32 from vector<1xf32>
        %add3A_157 = arith.constant 2 : i32
        %add3A_158 = arith.addi %mul3A_34, %add3A_157 : i32
        %get3A_159 = arith.index_cast %add3A_158 : i32 to index
        %get3A_160 = arith.constant 0 : index
        %get3A_161 = tpu.vector_load %arg12[%get3A_159, %get3A_160] {strides = array<i32>} : memref<80x64xf32, #tpu.memory_space<vmem>>, vector<1x16xf32>,
        %get3A_162 = vector.shape_cast %get3A_161 : vector<1x16xf32> to vector<16xf32>
        %mul3A_163 = vector.broadcast %squeeze3A_156 : f32 to vector<16xf32>
        %mul3A_164 = arith.mulf %get3A_162, %mul3A_163 : vector<16xf32>
        %add3A_165 = arith.constant 2 : i32
        %add3A_166 = arith.addi %mul3A_34, %add3A_165 : i32
        %swap3A_167 = arith.index_cast %add3A_166 : i32 to index
        %swap3A_168 = arith.constant 0 : index
        %swap3A_169 = tpu.vector_load %arg12[%swap3A_167, %swap3A_168] {strides = array<i32>} : memref<80x64xf32, #tpu.memory_space<vmem>>, vector<1x16xf32>,
        %swap3A_170 = vector.shape_cast %swap3A_169 : vector<1x16xf32> to vector<16xf32>
        %swap3A_171 = vector.shape_cast %mul3A_164 : vector<16xf32> to vector<1x16xf32>
        tpu.vector_store %arg12[%swap3A_167, %swap3A_168], %swap3A_171 {strides = array<i32>} : memref<80x64xf32, #tpu.memory_space<vmem>>, vector<1x16xf32>,
        %add3A_172 = arith.constant 2 : i32
        %add3A_173 = arith.addi %mul3A_34, %add3A_172 : i32
        %get3A_174 = arith.index_cast %add3A_173 : i32 to index
        %get3A_175 = arith.constant 16 : index
        %get3A_176 = tpu.vector_load %arg12[%get3A_174, %get3A_175] {strides = array<i32>} : memref<80x64xf32, #tpu.memory_space<vmem>>, vector<1x16xf32>,
        %get3A_177 = vector.shape_cast %get3A_176 : vector<1x16xf32> to vector<16xf32>
        %mul3A_178 = vector.broadcast %squeeze3A_156 : f32 to vector<16xf32>
        %mul3A_179 = arith.mulf %get3A_177, %mul3A_178 : vector<16xf32>
        %add3A_180 = arith.constant 2 : i32
        %add3A_181 = arith.addi %mul3A_34, %add3A_180 : i32
        %swap3A_182 = arith.index_cast %add3A_181 : i32 to index
        %swap3A_183 = arith.constant 16 : index
        %swap3A_184 = tpu.vector_load %arg12[%swap3A_182, %swap3A_183] {strides = array<i32>} : memref<80x64xf32, #tpu.memory_space<vmem>>, vector<1x16xf32>,
        %swap3A_185 = vector.shape_cast %swap3A_184 : vector<1x16xf32> to vector<16xf32>
        %swap3A_186 = vector.shape_cast %mul3A_179 : vector<16xf32> to vector<1x16xf32>
        tpu.vector_store %arg12[%swap3A_182, %swap3A_183], %swap3A_186 {strides = array<i32>} : memref<80x64xf32, #tpu.memory_space<vmem>>, vector<1x16xf32>,
        %add3A_187 = arith.constant 2 : i32
        %add3A_188 = arith.addi %mul3A_34, %add3A_187 : i32
        %get3A_189 = arith.index_cast %add3A_188 : i32 to index
        %get3A_190 = arith.constant 32 : index
        %get3A_191 = tpu.vector_load %arg12[%get3A_189, %get3A_190] {strides = array<i32>} : memref<80x64xf32, #tpu.memory_space<vmem>>, vector<1x16xf32>,
        %get3A_192 = vector.shape_cast %get3A_191 : vector<1x16xf32> to vector<16xf32>
        %mul3A_193 = vector.broadcast %squeeze3A_156 : f32 to vector<16xf32>
        %mul3A_194 = arith.mulf %get3A_192, %mul3A_193 : vector<16xf32>
        %add3A_195 = arith.constant 2 : i32
        %add3A_196 = arith.addi %mul3A_34, %add3A_195 : i32
        %swap3A_197 = arith.index_cast %add3A_196 : i32 to index
        %swap3A_198 = arith.constant 32 : index
        %swap3A_199 = tpu.vector_load %arg12[%swap3A_197, %swap3A_198] {strides = array<i32>} : memref<80x64xf32, #tpu.memory_space<vmem>>, vector<1x16xf32>,
        %swap3A_200 = vector.shape_cast %swap3A_199 : vector<1x16xf32> to vector<16xf32>
        %swap3A_201 = vector.shape_cast %mul3A_194 : vector<16xf32> to vector<1x16xf32>
        tpu.vector_store %arg12[%swap3A_197, %swap3A_198], %swap3A_201 {strides = array<i32>} : memref<80x64xf32, #tpu.memory_space<vmem>>, vector<1x16xf32>,
        %add3A_202 = arith.constant 2 : i32
        %add3A_203 = arith.addi %mul3A_34, %add3A_202 : i32
        %get3A_204 = arith.index_cast %add3A_203 : i32 to index
        %get3A_205 = arith.constant 48 : index
        %get3A_206 = tpu.vector_load %arg12[%get3A_204, %get3A_205] {strides = array<i32>} : memref<80x64xf32, #tpu.memory_space<vmem>>, vector<1x16xf32>,
        %get3A_207 = vector.shape_cast %get3A_206 : vector<1x16xf32> to vector<16xf32>
        %mul3A_208 = vector.broadcast %squeeze3A_156 : f32 to vector<16xf32>
        %mul3A_209 = arith.mulf %get3A_207, %mul3A_208 : vector<16xf32>
        %add3A_210 = arith.constant 2 : i32
        %add3A_211 = arith.addi %mul3A_34, %add3A_210 : i32
        %swap3A_212 = arith.index_cast %add3A_211 : i32 to index
        %swap3A_213 = arith.constant 48 : index
        %swap3A_214 = tpu.vector_load %arg12[%swap3A_212, %swap3A_213] {strides = array<i32>} : memref<80x64xf32, #tpu.memory_space<vmem>>, vector<1x16xf32>,
        %swap3A_215 = vector.shape_cast %swap3A_214 : vector<1x16xf32> to vector<16xf32>
        %swap3A_216 = vector.shape_cast %mul3A_209 : vector<16xf32> to vector<1x16xf32>
        tpu.vector_store %arg12[%swap3A_212, %swap3A_213], %swap3A_216 {strides = array<i32>} : memref<80x64xf32, #tpu.memory_space<vmem>>, vector<1x16xf32>,
        %slice3A_217 = vector.extract_strided_slice %get3A_32 {offsets = [3], sizes = [1], strides = [1]} : vector<16xf32> to vector<1xf32>
        %squeeze3A_218 = vector.extract %slice3A_217[0] : f32 from vector<1xf32>
        %add3A_219 = arith.constant 3 : i32
        %add3A_220 = arith.addi %mul3A_34, %add3A_219 : i32
        %get3A_221 = arith.index_cast %add3A_220 : i32 to index
        %get3A_222 = arith.constant 0 : index
        %get3A_223 = tpu.vector_load %arg12[%get3A_221, %get3A_222] {strides = array<i32>} : memref<80x64xf32, #tpu.memory_space<vmem>>, vector<1x16xf32>,
        %get3A_224 = vector.shape_cast %get3A_223 : vector<1x16xf32> to vector<16xf32>
        %mul3A_225 = vector.broadcast %squeeze3A_218 : f32 to vector<16xf32>
        %mul3A_226 = arith.mulf %get3A_224, %mul3A_225 : vector<16xf32>
        %add3A_227 = arith.constant 3 : i32
        %add3A_228 = arith.addi %mul3A_34, %add3A_227 : i32
        %swap3A_229 = arith.index_cast %add3A_228 : i32 to index
        %swap3A_230 = arith.constant 0 : index
        %swap3A_231 = tpu.vector_load %arg12[%swap3A_229, %swap3A_230] {strides = array<i32>} : memref<80x64xf32, #tpu.memory_space<vmem>>, vector<1x16xf32>,
        %swap3A_232 = vector.shape_cast %swap3A_231 : vector<1x16xf32> to vector<16xf32>
        %swap3A_233 = vector.shape_cast %mul3A_226 : vector<16xf32> to vector<1x16xf32>
        tpu.vector_store %arg12[%swap3A_229, %swap3A_230], %swap3A_233 {strides = array<i32>} : memref<80x64xf32, #tpu.memory_space<vmem>>, vector<1x16xf32>,
        %add3A_234 = arith.constant 3 : i32
        %add3A_235 = arith.addi %mul3A_34, %add3A_234 : i32
        %get3A_236 = arith.index_cast %add3A_235 : i32 to index
        %get3A_237 = arith.constant 16 : index
        %get3A_238 = tpu.vector_load %arg12[%get3A_236, %get3A_237] {strides = array<i32>} : memref<80x64xf32, #tpu.memory_space<vmem>>, vector<1x16xf32>,
        %get3A_239 = vector.shape_cast %get3A_238 : vector<1x16xf32> to vector<16xf32>
        %mul3A_240 = vector.broadcast %squeeze3A_218 : f32 to vector<16xf32>
        %mul3A_241 = arith.mulf %get3A_239, %mul3A_240 : vector<16xf32>
        %add3A_242 = arith.constant 3 : i32
        %add3A_243 = arith.addi %mul3A_34, %add3A_242 : i32
        %swap3A_244 = arith.index_cast %add3A_243 : i32 to index
        %swap3A_245 = arith.constant 16 : index
        %swap3A_246 = tpu.vector_load %arg12[%swap3A_244, %swap3A_245] {strides = array<i32>} : memref<80x64xf32, #tpu.memory_space<vmem>>, vector<1x16xf32>,
        %swap3A_247 = vector.shape_cast %swap3A_246 : vector<1x16xf32> to vector<16xf32>
        %swap3A_248 = vector.shape_cast %mul3A_241 : vector<16xf32> to vector<1x16xf32>
        tpu.vector_store %arg12[%swap3A_244, %swap3A_245], %swap3A_248 {strides = array<i32>} : memref<80x64xf32, #tpu.memory_space<vmem>>, vector<1x16xf32>,
        %add3A_249 = arith.constant 3 : i32
        %add3A_250 = arith.addi %mul3A_34, %add3A_249 : i32
        %get3A_251 = arith.index_cast %add3A_250 : i32 to index
        %get3A_252 = arith.constant 32 : index
        %get3A_253 = tpu.vector_load %arg12[%get3A_251, %get3A_252] {strides = array<i32>} : memref<80x64xf32, #tpu.memory_space<vmem>>, vector<1x16xf32>,
        %get3A_254 = vector.shape_cast %get3A_253 : vector<1x16xf32> to vector<16xf32>
        %mul3A_255 = vector.broadcast %squeeze3A_218 : f32 to vector<16xf32>
        %mul3A_256 = arith.mulf %get3A_254, %mul3A_255 : vector<16xf32>
        %add3A_257 = arith.constant 3 : i32
        %add3A_258 = arith.addi %mul3A_34, %add3A_257 : i32
        %swap3A_259 = arith.index_cast %add3A_258 : i32 to index
        %swap3A_260 = arith.constant 32 : index
        %swap3A_261 = tpu.vector_load %arg12[%swap3A_259, %swap3A_260] {strides = array<i32>} : memref<80x64xf32, #tpu.memory_space<vmem>>, vector<1x16xf32>,
        %swap3A_262 = vector.shape_cast %swap3A_261 : vector<1x16xf32> to vector<16xf32>
        %swap3A_263 = vector.shape_cast %mul3A_256 : vector<16xf32> to vector<1x16xf32>
        tpu.vector_store %arg12[%swap3A_259, %swap3A_260], %swap3A_263 {strides = array<i32>} : memref<80x64xf32, #tpu.memory_space<vmem>>, vector<1x16xf32>,
        %add3A_264 = arith.constant 3 : i32
        %add3A_265 = arith.addi %mul3A_34, %add3A_264 : i32
        %get3A_266 = arith.index_cast %add3A_265 : i32 to index
        %get3A_267 = arith.constant 48 : index
        %get3A_268 = tpu.vector_load %arg12[%get3A_266, %get3A_267] {strides = array<i32>} : memref<80x64xf32, #tpu.memory_space<vmem>>, vector<1x16xf32>,
        %get3A_269 = vector.shape_cast %get3A_268 : vector<1x16xf32> to vector<16xf32>
        %mul3A_270 = vector.broadcast %squeeze3A_218 : f32 to vector<16xf32>
        %mul3A_271 = arith.mulf %get3A_269, %mul3A_270 : vector<16xf32>
        %add3A_272 = arith.constant 3 : i32
        %add3A_273 = arith.addi %mul3A_34, %add3A_272 : i32
        %swap3A_274 = arith.index_cast %add3A_273 : i32 to index
        %swap3A_275 = arith.constant 48 : index
        %swap3A_276 = tpu.vector_load %arg12[%swap3A_274, %swap3A_275] {strides = array<i32>} : memref<80x64xf32, #tpu.memory_space<vmem>>, vector<1x16xf32>,
        %swap3A_277 = vector.shape_cast %swap3A_276 : vector<1x16xf32> to vector<16xf32>
        %swap3A_278 = vector.shape_cast %mul3A_271 : vector<16xf32> to vector<1x16xf32>
        tpu.vector_store %arg12[%swap3A_274, %swap3A_275], %swap3A_278 {strides = array<i32>} : memref<80x64xf32, #tpu.memory_space<vmem>>, vector<1x16xf32>,
        %slice3A_279 = vector.extract_strided_slice %get3A_32 {offsets = [4], sizes = [1], strides = [1]} : vector<16xf32> to vector<1xf32>
        %squeeze3A_280 = vector.extract %slice3A_279[0] : f32 from vector<1xf32>
        %add3A_281 = arith.constant 4 : i32
        %add3A_282 = arith.addi %mul3A_34, %add3A_281 : i32
        %get3A_283 = arith.index_cast %add3A_282 : i32 to index
        %get3A_284 = arith.constant 0 : index
        %get3A_285 = tpu.vector_load %arg12[%get3A_283, %get3A_284] {strides = array<i32>} : memref<80x64xf32, #tpu.memory_space<vmem>>, vector<1x16xf32>,
        %get3A_286 = vector.shape_cast %get3A_285 : vector<1x16xf32> to vector<16xf32>
        %mul3A_287 = vector.broadcast %squeeze3A_280 : f32 to vector<16xf32>
        %mul3A_288 = arith.mulf %get3A_286, %mul3A_287 : vector<16xf32>
        %add3A_289 = arith.constant 4 : i32
        %add3A_290 = arith.addi %mul3A_34, %add3A_289 : i32
        %swap3A_291 = arith.index_cast %add3A_290 : i32 to index
        %swap3A_292 = arith.constant 0 : index
        %swap3A_293 = tpu.vector_load %arg12[%swap3A_291, %swap3A_292] {strides = array<i32>} : memref<80x64xf32, #tpu.memory_space<vmem>>, vector<1x16xf32>,
        %swap3A_294 = vector.shape_cast %swap3A_293 : vector<1x16xf32> to vector<16xf32>
        %swap3A_295 = vector.shape_cast %mul3A_288 : vector<16xf32> to vector<1x16xf32>
        tpu.vector_store %arg12[%swap3A_291, %swap3A_292], %swap3A_295 {strides = array<i32>} : memref<80x64xf32, #tpu.memory_space<vmem>>, vector<1x16xf32>,
        %add3A_296 = arith.constant 4 : i32
        %add3A_297 = arith.addi %mul3A_34, %add3A_296 : i32
        %get3A_298 = arith.index_cast %add3A_297 : i32 to index
        %get3A_299 = arith.constant 16 : index
        %get3A_300 = tpu.vector_load %arg12[%get3A_298, %get3A_299] {strides = array<i32>} : memref<80x64xf32, #tpu.memory_space<vmem>>, vector<1x16xf32>,
        %get3A_301 = vector.shape_cast %get3A_300 : vector<1x16xf32> to vector<16xf32>
        %mul3A_302 = vector.broadcast %squeeze3A_280 : f32 to vector<16xf32>
        %mul3A_303 = arith.mulf %get3A_301, %mul3A_302 : vector<16xf32>
        %add3A_304 = arith.constant 4 : i32
        %add3A_305 = arith.addi %mul3A_34, %add3A_304 : i32
        %swap3A_306 = arith.index_cast %add3A_305 : i32 to index
        %swap3A_307 = arith.constant 16 : index
        %swap3A_308 = tpu.vector_load %arg12[%swap3A_306, %swap3A_307] {strides = array<i32>} : memref<80x64xf32, #tpu.memory_space<vmem>>, vector<1x16xf32>,
        %swap3A_309 = vector.shape_cast %swap3A_308 : vector<1x16xf32> to vector<16xf32>
        %swap3A_310 = vector.shape_cast %mul3A_303 : vector<16xf32> to vector<1x16xf32>
        tpu.vector_store %arg12[%swap3A_306, %swap3A_307], %swap3A_310 {strides = array<i32>} : memref<80x64xf32, #tpu.memory_space<vmem>>, vector<1x16xf32>,
        %add3A_311 = arith.constant 4 : i32
        %add3A_312 = arith.addi %mul3A_34, %add3A_311 : i32
        %get3A_313 = arith.index_cast %add3A_312 : i32 to index
        %get3A_314 = arith.constant 32 : index
        %get3A_315 = tpu.vector_load %arg12[%get3A_313, %get3A_314] {strides = array<i32>} : memref<80x64xf32, #tpu.memory_space<vmem>>, vector<1x16xf32>,
        %get3A_316 = vector.shape_cast %get3A_315 : vector<1x16xf32> to vector<16xf32>
        %mul3A_317 = vector.broadcast %squeeze3A_280 : f32 to vector<16xf32>
        %mul3A_318 = arith.mulf %get3A_316, %mul3A_317 : vector<16xf32>
        %add3A_319 = arith.constant 4 : i32
        %add3A_320 = arith.addi %mul3A_34, %add3A_319 : i32
        %swap3A_321 = arith.index_cast %add3A_320 : i32 to index
        %swap3A_322 = arith.constant 32 : index
        %swap3A_323 = tpu.vector_load %arg12[%swap3A_321, %swap3A_322] {strides = array<i32>} : memref<80x64xf32, #tpu.memory_space<vmem>>, vector<1x16xf32>,
        %swap3A_324 = vector.shape_cast %swap3A_323 : vector<1x16xf32> to vector<16xf32>
        %swap3A_325 = vector.shape_cast %mul3A_318 : vector<16xf32> to vector<1x16xf32>
        tpu.vector_store %arg12[%swap3A_321, %swap3A_322], %swap3A_325 {strides = array<i32>} : memref<80x64xf32, #tpu.memory_space<vmem>>, vector<1x16xf32>,
        %add3A_326 = arith.constant 4 : i32
        %add3A_327 = arith.addi %mul3A_34, %add3A_326 : i32
        %get3A_328 = arith.index_cast %add3A_327 : i32 to index
        %get3A_329 = arith.constant 48 : index
        %get3A_330 = tpu.vector_load %arg12[%get3A_328, %get3A_329] {strides = array<i32>} : memref<80x64xf32, #tpu.memory_space<vmem>>, vector<1x16xf32>,
        %get3A_331 = vector.shape_cast %get3A_330 : vector<1x16xf32> to vector<16xf32>
        %mul3A_332 = vector.broadcast %squeeze3A_280 : f32 to vector<16xf32>
        %mul3A_333 = arith.mulf %get3A_331, %mul3A_332 : vector<16xf32>
        %add3A_334 = arith.constant 4 : i32
        %add3A_335 = arith.addi %mul3A_34, %add3A_334 : i32
        %swap3A_336 = arith.index_cast %add3A_335 : i32 to index
        %swap3A_337 = arith.constant 48 : index
        %swap3A_338 = tpu.vector_load %arg12[%swap3A_336, %swap3A_337] {strides = array<i32>} : memref<80x64xf32, #tpu.memory_space<vmem>>, vector<1x16xf32>,
        %swap3A_339 = vector.shape_cast %swap3A_338 : vector<1x16xf32> to vector<16xf32>
        %swap3A_340 = vector.shape_cast %mul3A_333 : vector<16xf32> to vector<1x16xf32>
        tpu.vector_store %arg12[%swap3A_336, %swap3A_337], %swap3A_340 {strides = array<i32>} : memref<80x64xf32, #tpu.memory_space<vmem>>, vector<1x16xf32>,
        %slice3A_341 = vector.extract_strided_slice %get3A_32 {offsets = [5], sizes = [1], strides = [1]} : vector<16xf32> to vector<1xf32>
        %squeeze3A_342 = vector.extract %slice3A_341[0] : f32 from vector<1xf32>
        %add3A_343 = arith.constant 5 : i32
        %add3A_344 = arith.addi %mul3A_34, %add3A_343 : i32
        %get3A_345 = arith.index_cast %add3A_344 : i32 to index
        %get3A_346 = arith.constant 0 : index
        %get3A_347 = tpu.vector_load %arg12[%get3A_345, %get3A_346] {strides = array<i32>} : memref<80x64xf32, #tpu.memory_space<vmem>>, vector<1x16xf32>,
        %get3A_348 = vector.shape_cast %get3A_347 : vector<1x16xf32> to vector<16xf32>
        %mul3A_349 = vector.broadcast %squeeze3A_342 : f32 to vector<16xf32>
        %mul3A_350 = arith.mulf %get3A_348, %mul3A_349 : vector<16xf32>
        %add3A_351 = arith.constant 5 : i32
        %add3A_352 = arith.addi %mul3A_34, %add3A_351 : i32
        %swap3A_353 = arith.index_cast %add3A_352 : i32 to index
        %swap3A_354 = arith.constant 0 : index
        %swap3A_355 = tpu.vector_load %arg12[%swap3A_353, %swap3A_354] {strides = array<i32>} : memref<80x64xf32, #tpu.memory_space<vmem>>, vector<1x16xf32>,
        %swap3A_356 = vector.shape_cast %swap3A_355 : vector<1x16xf32> to vector<16xf32>
        %swap3A_357 = vector.shape_cast %mul3A_350 : vector<16xf32> to vector<1x16xf32>
        tpu.vector_store %arg12[%swap3A_353, %swap3A_354], %swap3A_357 {strides = array<i32>} : memref<80x64xf32, #tpu.memory_space<vmem>>, vector<1x16xf32>,
        %add3A_358 = arith.constant 5 : i32
        %add3A_359 = arith.addi %mul3A_34, %add3A_358 : i32
        %get3A_360 = arith.index_cast %add3A_359 : i32 to index
        %get3A_361 = arith.constant 16 : index
        %get3A_362 = tpu.vector_load %arg12[%get3A_360, %get3A_361] {strides = array<i32>} : memref<80x64xf32, #tpu.memory_space<vmem>>, vector<1x16xf32>,
        %get3A_363 = vector.shape_cast %get3A_362 : vector<1x16xf32> to vector<16xf32>
        %mul3A_364 = vector.broadcast %squeeze3A_342 : f32 to vector<16xf32>
        %mul3A_365 = arith.mulf %get3A_363, %mul3A_364 : vector<16xf32>
        %add3A_366 = arith.constant 5 : i32
        %add3A_367 = arith.addi %mul3A_34, %add3A_366 : i32
        %swap3A_368 = arith.index_cast %add3A_367 : i32 to index
        %swap3A_369 = arith.constant 16 : index
        %swap3A_370 = tpu.vector_load %arg12[%swap3A_368, %swap3A_369] {strides = array<i32>} : memref<80x64xf32, #tpu.memory_space<vmem>>, vector<1x16xf32>,
        %swap3A_371 = vector.shape_cast %swap3A_370 : vector<1x16xf32> to vector<16xf32>
        %swap3A_372 = vector.shape_cast %mul3A_365 : vector<16xf32> to vector<1x16xf32>
        tpu.vector_store %arg12[%swap3A_368, %swap3A_369], %swap3A_372 {strides = array<i32>} : memref<80x64xf32, #tpu.memory_space<vmem>>, vector<1x16xf32>,
        %add3A_373 = arith.constant 5 : i32
        %add3A_374 = arith.addi %mul3A_34, %add3A_373 : i32
        %get3A_375 = arith.index_cast %add3A_374 : i32 to index
        %get3A_376 = arith.constant 32 : index
        %get3A_377 = tpu.vector_load %arg12[%get3A_375, %get3A_376] {strides = array<i32>} : memref<80x64xf32, #tpu.memory_space<vmem>>, vector<1x16xf32>,
        %get3A_378 = vector.shape_cast %get3A_377 : vector<1x16xf32> to vector<16xf32>
        %mul3A_379 = vector.broadcast %squeeze3A_342 : f32 to vector<16xf32>
        %mul3A_380 = arith.mulf %get3A_378, %mul3A_379 : vector<16xf32>
        %add3A_381 = arith.constant 5 : i32
        %add3A_382 = arith.addi %mul3A_34, %add3A_381 : i32
        %swap3A_383 = arith.index_cast %add3A_382 : i32 to index
        %swap3A_384 = arith.constant 32 : index
        %swap3A_385 = tpu.vector_load %arg12[%swap3A_383, %swap3A_384] {strides = array<i32>} : memref<80x64xf32, #tpu.memory_space<vmem>>, vector<1x16xf32>,
        %swap3A_386 = vector.shape_cast %swap3A_385 : vector<1x16xf32> to vector<16xf32>
        %swap3A_387 = vector.shape_cast %mul3A_380 : vector<16xf32> to vector<1x16xf32>
        tpu.vector_store %arg12[%swap3A_383, %swap3A_384], %swap3A_387 {strides = array<i32>} : memref<80x64xf32, #tpu.memory_space<vmem>>, vector<1x16xf32>,
        %add3A_388 = arith.constant 5 : i32
        %add3A_389 = arith.addi %mul3A_34, %add3A_388 : i32
        %get3A_390 = arith.index_cast %add3A_389 : i32 to index
        %get3A_391 = arith.constant 48 : index
        %get3A_392 = tpu.vector_load %arg12[%get3A_390, %get3A_391] {strides = array<i32>} : memref<80x64xf32, #tpu.memory_space<vmem>>, vector<1x16xf32>,
        %get3A_393 = vector.shape_cast %get3A_392 : vector<1x16xf32> to vector<16xf32>
        %mul3A_394 = vector.broadcast %squeeze3A_342 : f32 to vector<16xf32>
        %mul3A_395 = arith.mulf %get3A_393, %mul3A_394 : vector<16xf32>
        %add3A_396 = arith.constant 5 : i32
        %add3A_397 = arith.addi %mul3A_34, %add3A_396 : i32
        %swap3A_398 = arith.index_cast %add3A_397 : i32 to index
        %swap3A_399 = arith.constant 48 : index
        %swap3A_400 = tpu.vector_load %arg12[%swap3A_398, %swap3A_399] {strides = array<i32>} : memref<80x64xf32, #tpu.memory_space<vmem>>, vector<1x16xf32>,
        %swap3A_401 = vector.shape_cast %swap3A_400 : vector<1x16xf32> to vector<16xf32>
        %swap3A_402 = vector.shape_cast %mul3A_395 : vector<16xf32> to vector<1x16xf32>
        tpu.vector_store %arg12[%swap3A_398, %swap3A_399], %swap3A_402 {strides = array<i32>} : memref<80x64xf32, #tpu.memory_space<vmem>>, vector<1x16xf32>,
        %slice3A_403 = vector.extract_strided_slice %get3A_32 {offsets = [6], sizes = [1], strides = [1]} : vector<16xf32> to vector<1xf32>
        %squeeze3A_404 = vector.extract %slice3A_403[0] : f32 from vector<1xf32>
        %add3A_405 = arith.constant 6 : i32
        %add3A_406 = arith.addi %mul3A_34, %add3A_405 : i32
        %get3A_407 = arith.index_cast %add3A_406 : i32 to index
        %get3A_408 = arith.constant 0 : index
        %get3A_409 = tpu.vector_load %arg12[%get3A_407, %get3A_408] {strides = array<i32>} : memref<80x64xf32, #tpu.memory_space<vmem>>, vector<1x16xf32>,
        %get3A_410 = vector.shape_cast %get3A_409 : vector<1x16xf32> to vector<16xf32>
        %mul3A_411 = vector.broadcast %squeeze3A_404 : f32 to vector<16xf32>
        %mul3A_412 = arith.mulf %get3A_410, %mul3A_411 : vector<16xf32>
        %add3A_413 = arith.constant 6 : i32
        %add3A_414 = arith.addi %mul3A_34, %add3A_413 : i32
        %swap3A_415 = arith.index_cast %add3A_414 : i32 to index
        %swap3A_416 = arith.constant 0 : index
        %swap3A_417 = tpu.vector_load %arg12[%swap3A_415, %swap3A_416] {strides = array<i32>} : memref<80x64xf32, #tpu.memory_space<vmem>>, vector<1x16xf32>,
        %swap3A_418 = vector.shape_cast %swap3A_417 : vector<1x16xf32> to vector<16xf32>
        %swap3A_419 = vector.shape_cast %mul3A_412 : vector<16xf32> to vector<1x16xf32>
        tpu.vector_store %arg12[%swap3A_415, %swap3A_416], %swap3A_419 {strides = array<i32>} : memref<80x64xf32, #tpu.memory_space<vmem>>, vector<1x16xf32>,
        %add3A_420 = arith.constant 6 : i32
        %add3A_421 = arith.addi %mul3A_34, %add3A_420 : i32
        %get3A_422 = arith.index_cast %add3A_421 : i32 to index
        %get3A_423 = arith.constant 16 : index
        %get3A_424 = tpu.vector_load %arg12[%get3A_422, %get3A_423] {strides = array<i32>} : memref<80x64xf32, #tpu.memory_space<vmem>>, vector<1x16xf32>,
        %get3A_425 = vector.shape_cast %get3A_424 : vector<1x16xf32> to vector<16xf32>
        %mul3A_426 = vector.broadcast %squeeze3A_404 : f32 to vector<16xf32>
        %mul3A_427 = arith.mulf %get3A_425, %mul3A_426 : vector<16xf32>
        %add3A_428 = arith.constant 6 : i32
        %add3A_429 = arith.addi %mul3A_34, %add3A_428 : i32
        %swap3A_430 = arith.index_cast %add3A_429 : i32 to index
        %swap3A_431 = arith.constant 16 : index
        %swap3A_432 = tpu.vector_load %arg12[%swap3A_430, %swap3A_431] {strides = array<i32>} : memref<80x64xf32, #tpu.memory_space<vmem>>, vector<1x16xf32>,
        %swap3A_433 = vector.shape_cast %swap3A_432 : vector<1x16xf32> to vector<16xf32>
        %swap3A_434 = vector.shape_cast %mul3A_427 : vector<16xf32> to vector<1x16xf32>
        tpu.vector_store %arg12[%swap3A_430, %swap3A_431], %swap3A_434 {strides = array<i32>} : memref<80x64xf32, #tpu.memory_space<vmem>>, vector<1x16xf32>,
        %add3A_435 = arith.constant 6 : i32
        %add3A_436 = arith.addi %mul3A_34, %add3A_435 : i32
        %get3A_437 = arith.index_cast %add3A_436 : i32 to index
        %get3A_438 = arith.constant 32 : index
        %get3A_439 = tpu.vector_load %arg12[%get3A_437, %get3A_438] {strides = array<i32>} : memref<80x64xf32, #tpu.memory_space<vmem>>, vector<1x16xf32>,
        %get3A_440 = vector.shape_cast %get3A_439 : vector<1x16xf32> to vector<16xf32>
        %mul3A_441 = vector.broadcast %squeeze3A_404 : f32 to vector<16xf32>
        %mul3A_442 = arith.mulf %get3A_440, %mul3A_441 : vector<16xf32>
        %add3A_443 = arith.constant 6 : i32
        %add3A_444 = arith.addi %mul3A_34, %add3A_443 : i32
        %swap3A_445 = arith.index_cast %add3A_444 : i32 to index
        %swap3A_446 = arith.constant 32 : index
        %swap3A_447 = tpu.vector_load %arg12[%swap3A_445, %swap3A_446] {strides = array<i32>} : memref<80x64xf32, #tpu.memory_space<vmem>>, vector<1x16xf32>,
        %swap3A_448 = vector.shape_cast %swap3A_447 : vector<1x16xf32> to vector<16xf32>
        %swap3A_449 = vector.shape_cast %mul3A_442 : vector<16xf32> to vector<1x16xf32>
        tpu.vector_store %arg12[%swap3A_445, %swap3A_446], %swap3A_449 {strides = array<i32>} : memref<80x64xf32, #tpu.memory_space<vmem>>, vector<1x16xf32>,
        %add3A_450 = arith.constant 6 : i32
        %add3A_451 = arith.addi %mul3A_34, %add3A_450 : i32
        %get3A_452 = arith.index_cast %add3A_451 : i32 to index
        %get3A_453 = arith.constant 48 : index
        %get3A_454 = tpu.vector_load %arg12[%get3A_452, %get3A_453] {strides = array<i32>} : memref<80x64xf32, #tpu.memory_space<vmem>>, vector<1x16xf32>,
        %get3A_455 = vector.shape_cast %get3A_454 : vector<1x16xf32> to vector<16xf32>
        %mul3A_456 = vector.broadcast %squeeze3A_404 : f32 to vector<16xf32>
        %mul3A_457 = arith.mulf %get3A_455, %mul3A_456 : vector<16xf32>
        %add3A_458 = arith.constant 6 : i32
        %add3A_459 = arith.addi %mul3A_34, %add3A_458 : i32
        %swap3A_460 = arith.index_cast %add3A_459 : i32 to index
        %swap3A_461 = arith.constant 48 : index
        %swap3A_462 = tpu.vector_load %arg12[%swap3A_460, %swap3A_461] {strides = array<i32>} : memref<80x64xf32, #tpu.memory_space<vmem>>, vector<1x16xf32>,
        %swap3A_463 = vector.shape_cast %swap3A_462 : vector<1x16xf32> to vector<16xf32>
        %swap3A_464 = vector.shape_cast %mul3A_457 : vector<16xf32> to vector<1x16xf32>
        tpu.vector_store %arg12[%swap3A_460, %swap3A_461], %swap3A_464 {strides = array<i32>} : memref<80x64xf32, #tpu.memory_space<vmem>>, vector<1x16xf32>,
        %slice3A_465 = vector.extract_strided_slice %get3A_32 {offsets = [7], sizes = [1], strides = [1]} : vector<16xf32> to vector<1xf32>
        %squeeze3A_466 = vector.extract %slice3A_465[0] : f32 from vector<1xf32>
        %add3A_467 = arith.constant 7 : i32
        %add3A_468 = arith.addi %mul3A_34, %add3A_467 : i32
        %get3A_469 = arith.index_cast %add3A_468 : i32 to index
        %get3A_470 = arith.constant 0 : index
        %get3A_471 = tpu.vector_load %arg12[%get3A_469, %get3A_470] {strides = array<i32>} : memref<80x64xf32, #tpu.memory_space<vmem>>, vector<1x16xf32>,
        %get3A_472 = vector.shape_cast %get3A_471 : vector<1x16xf32> to vector<16xf32>
        %mul3A_473 = vector.broadcast %squeeze3A_466 : f32 to vector<16xf32>
        %mul3A_474 = arith.mulf %get3A_472, %mul3A_473 : vector<16xf32>
        %add3A_475 = arith.constant 7 : i32
        %add3A_476 = arith.addi %mul3A_34, %add3A_475 : i32
        %swap3A_477 = arith.index_cast %add3A_476 : i32 to index
        %swap3A_478 = arith.constant 0 : index
        %swap3A_479 = tpu.vector_load %arg12[%swap3A_477, %swap3A_478] {strides = array<i32>} : memref<80x64xf32, #tpu.memory_space<vmem>>, vector<1x16xf32>,
        %swap3A_480 = vector.shape_cast %swap3A_479 : vector<1x16xf32> to vector<16xf32>
        %swap3A_481 = vector.shape_cast %mul3A_474 : vector<16xf32> to vector<1x16xf32>
        tpu.vector_store %arg12[%swap3A_477, %swap3A_478], %swap3A_481 {strides = array<i32>} : memref<80x64xf32, #tpu.memory_space<vmem>>, vector<1x16xf32>,
        %add3A_482 = arith.constant 7 : i32
        %add3A_483 = arith.addi %mul3A_34, %add3A_482 : i32
        %get3A_484 = arith.index_cast %add3A_483 : i32 to index
        %get3A_485 = arith.constant 16 : index
        %get3A_486 = tpu.vector_load %arg12[%get3A_484, %get3A_485] {strides = array<i32>} : memref<80x64xf32, #tpu.memory_space<vmem>>, vector<1x16xf32>,
        %get3A_487 = vector.shape_cast %get3A_486 : vector<1x16xf32> to vector<16xf32>
        %mul3A_488 = vector.broadcast %squeeze3A_466 : f32 to vector<16xf32>
        %mul3A_489 = arith.mulf %get3A_487, %mul3A_488 : vector<16xf32>
        %add3A_490 = arith.constant 7 : i32
        %add3A_491 = arith.addi %mul3A_34, %add3A_490 : i32
        %swap3A_492 = arith.index_cast %add3A_491 : i32 to index
        %swap3A_493 = arith.constant 16 : index
        %swap3A_494 = tpu.vector_load %arg12[%swap3A_492, %swap3A_493] {strides = array<i32>} : memref<80x64xf32, #tpu.memory_space<vmem>>, vector<1x16xf32>,
        %swap3A_495 = vector.shape_cast %swap3A_494 : vector<1x16xf32> to vector<16xf32>
        %swap3A_496 = vector.shape_cast %mul3A_489 : vector<16xf32> to vector<1x16xf32>
        tpu.vector_store %arg12[%swap3A_492, %swap3A_493], %swap3A_496 {strides = array<i32>} : memref<80x64xf32, #tpu.memory_space<vmem>>, vector<1x16xf32>,
        %add3A_497 = arith.constant 7 : i32
        %add3A_498 = arith.addi %mul3A_34, %add3A_497 : i32
        %get3A_499 = arith.index_cast %add3A_498 : i32 to index
        %get3A_500 = arith.constant 32 : index
        %get3A_501 = tpu.vector_load %arg12[%get3A_499, %get3A_500] {strides = array<i32>} : memref<80x64xf32, #tpu.memory_space<vmem>>, vector<1x16xf32>,
        %get3A_502 = vector.shape_cast %get3A_501 : vector<1x16xf32> to vector<16xf32>
        %mul3A_503 = vector.broadcast %squeeze3A_466 : f32 to vector<16xf32>
        %mul3A_504 = arith.mulf %get3A_502, %mul3A_503 : vector<16xf32>
        %add3A_505 = arith.constant 7 : i32
        %add3A_506 = arith.addi %mul3A_34, %add3A_505 : i32
        %swap3A_507 = arith.index_cast %add3A_506 : i32 to index
        %swap3A_508 = arith.constant 32 : index
        %swap3A_509 = tpu.vector_load %arg12[%swap3A_507, %swap3A_508] {strides = array<i32>} : memref<80x64xf32, #tpu.memory_space<vmem>>, vector<1x16xf32>,
        %swap3A_510 = vector.shape_cast %swap3A_509 : vector<1x16xf32> to vector<16xf32>
        %swap3A_511 = vector.shape_cast %mul3A_504 : vector<16xf32> to vector<1x16xf32>
        tpu.vector_store %arg12[%swap3A_507, %swap3A_508], %swap3A_511 {strides = array<i32>} : memref<80x64xf32, #tpu.memory_space<vmem>>, vector<1x16xf32>,
        %add3A_512 = arith.constant 7 : i32
        %add3A_513 = arith.addi %mul3A_34, %add3A_512 : i32
        %get3A_514 = arith.index_cast %add3A_513 : i32 to index
        %get3A_515 = arith.constant 48 : index
        %get3A_516 = tpu.vector_load %arg12[%get3A_514, %get3A_515] {strides = array<i32>} : memref<80x64xf32, #tpu.memory_space<vmem>>, vector<1x16xf32>,
        %get3A_517 = vector.shape_cast %get3A_516 : vector<1x16xf32> to vector<16xf32>
        %mul3A_518 = vector.broadcast %squeeze3A_466 : f32 to vector<16xf32>
        %mul3A_519 = arith.mulf %get3A_517, %mul3A_518 : vector<16xf32>
        %add3A_520 = arith.constant 7 : i32
        %add3A_521 = arith.addi %mul3A_34, %add3A_520 : i32
        %swap3A_522 = arith.index_cast %add3A_521 : i32 to index
        %swap3A_523 = arith.constant 48 : index
        %swap3A_524 = tpu.vector_load %arg12[%swap3A_522, %swap3A_523] {strides = array<i32>} : memref<80x64xf32, #tpu.memory_space<vmem>>, vector<1x16xf32>,
        %swap3A_525 = vector.shape_cast %swap3A_524 : vector<1x16xf32> to vector<16xf32>
        %swap3A_526 = vector.shape_cast %mul3A_519 : vector<16xf32> to vector<1x16xf32>
        tpu.vector_store %arg12[%swap3A_522, %swap3A_523], %swap3A_526 {strides = array<i32>} : memref<80x64xf32, #tpu.memory_space<vmem>>, vector<1x16xf32>,
        %slice3A_527 = vector.extract_strided_slice %get3A_32 {offsets = [8], sizes = [1], strides = [1]} : vector<16xf32> to vector<1xf32>
        %squeeze3A_528 = vector.extract %slice3A_527[0] : f32 from vector<1xf32>
        %add3A_529 = arith.constant 8 : i32
        %add3A_530 = arith.addi %mul3A_34, %add3A_529 : i32
        %get3A_531 = arith.index_cast %add3A_530 : i32 to index
        %get3A_532 = arith.constant 0 : index
        %get3A_533 = tpu.vector_load %arg12[%get3A_531, %get3A_532] {strides = array<i32>} : memref<80x64xf32, #tpu.memory_space<vmem>>, vector<1x16xf32>,
        %get3A_534 = vector.shape_cast %get3A_533 : vector<1x16xf32> to vector<16xf32>
        %mul3A_535 = vector.broadcast %squeeze3A_528 : f32 to vector<16xf32>
        %mul3A_536 = arith.mulf %get3A_534, %mul3A_535 : vector<16xf32>
        %add3A_537 = arith.constant 8 : i32
        %add3A_538 = arith.addi %mul3A_34, %add3A_537 : i32
        %swap3A_539 = arith.index_cast %add3A_538 : i32 to index
        %swap3A_540 = arith.constant 0 : index
        %swap3A_541 = tpu.vector_load %arg12[%swap3A_539, %swap3A_540] {strides = array<i32>} : memref<80x64xf32, #tpu.memory_space<vmem>>, vector<1x16xf32>,
        %swap3A_542 = vector.shape_cast %swap3A_541 : vector<1x16xf32> to vector<16xf32>
        %swap3A_543 = vector.shape_cast %mul3A_536 : vector<16xf32> to vector<1x16xf32>
        tpu.vector_store %arg12[%swap3A_539, %swap3A_540], %swap3A_543 {strides = array<i32>} : memref<80x64xf32, #tpu.memory_space<vmem>>, vector<1x16xf32>,
        %add3A_544 = arith.constant 8 : i32
        %add3A_545 = arith.addi %mul3A_34, %add3A_544 : i32
        %get3A_546 = arith.index_cast %add3A_545 : i32 to index
        %get3A_547 = arith.constant 16 : index
        %get3A_548 = tpu.vector_load %arg12[%get3A_546, %get3A_547] {strides = array<i32>} : memref<80x64xf32, #tpu.memory_space<vmem>>, vector<1x16xf32>,
        %get3A_549 = vector.shape_cast %get3A_548 : vector<1x16xf32> to vector<16xf32>
        %mul3A_550 = vector.broadcast %squeeze3A_528 : f32 to vector<16xf32>
        %mul3A_551 = arith.mulf %get3A_549, %mul3A_550 : vector<16xf32>
        %add3A_552 = arith.constant 8 : i32
        %add3A_553 = arith.addi %mul3A_34, %add3A_552 : i32
        %swap3A_554 = arith.index_cast %add3A_553 : i32 to index
        %swap3A_555 = arith.constant 16 : index
        %swap3A_556 = tpu.vector_load %arg12[%swap3A_554, %swap3A_555] {strides = array<i32>} : memref<80x64xf32, #tpu.memory_space<vmem>>, vector<1x16xf32>,
        %swap3A_557 = vector.shape_cast %swap3A_556 : vector<1x16xf32> to vector<16xf32>
        %swap3A_558 = vector.shape_cast %mul3A_551 : vector<16xf32> to vector<1x16xf32>
        tpu.vector_store %arg12[%swap3A_554, %swap3A_555], %swap3A_558 {strides = array<i32>} : memref<80x64xf32, #tpu.memory_space<vmem>>, vector<1x16xf32>,
        %add3A_559 = arith.constant 8 : i32
        %add3A_560 = arith.addi %mul3A_34, %add3A_559 : i32
        %get3A_561 = arith.index_cast %add3A_560 : i32 to index
        %get3A_562 = arith.constant 32 : index
        %get3A_563 = tpu.vector_load %arg12[%get3A_561, %get3A_562] {strides = array<i32>} : memref<80x64xf32, #tpu.memory_space<vmem>>, vector<1x16xf32>,
        %get3A_564 = vector.shape_cast %get3A_563 : vector<1x16xf32> to vector<16xf32>
        %mul3A_565 = vector.broadcast %squeeze3A_528 : f32 to vector<16xf32>
        %mul3A_566 = arith.mulf %get3A_564, %mul3A_565 : vector<16xf32>
        %add3A_567 = arith.constant 8 : i32
        %add3A_568 = arith.addi %mul3A_34, %add3A_567 : i32
        %swap3A_569 = arith.index_cast %add3A_568 : i32 to index
        %swap3A_570 = arith.constant 32 : index
        %swap3A_571 = tpu.vector_load %arg12[%swap3A_569, %swap3A_570] {strides = array<i32>} : memref<80x64xf32, #tpu.memory_space<vmem>>, vector<1x16xf32>,
        %swap3A_572 = vector.shape_cast %swap3A_571 : vector<1x16xf32> to vector<16xf32>
        %swap3A_573 = vector.shape_cast %mul3A_566 : vector<16xf32> to vector<1x16xf32>
        tpu.vector_store %arg12[%swap3A_569, %swap3A_570], %swap3A_573 {strides = array<i32>} : memref<80x64xf32, #tpu.memory_space<vmem>>, vector<1x16xf32>,
        %add3A_574 = arith.constant 8 : i32
        %add3A_575 = arith.addi %mul3A_34, %add3A_574 : i32
        %get3A_576 = arith.index_cast %add3A_575 : i32 to index
        %get3A_577 = arith.constant 48 : index
        %get3A_578 = tpu.vector_load %arg12[%get3A_576, %get3A_577] {strides = array<i32>} : memref<80x64xf32, #tpu.memory_space<vmem>>, vector<1x16xf32>,
        %get3A_579 = vector.shape_cast %get3A_578 : vector<1x16xf32> to vector<16xf32>
        %mul3A_580 = vector.broadcast %squeeze3A_528 : f32 to vector<16xf32>
        %mul3A_581 = arith.mulf %get3A_579, %mul3A_580 : vector<16xf32>
        %add3A_582 = arith.constant 8 : i32
        %add3A_583 = arith.addi %mul3A_34, %add3A_582 : i32
        %swap3A_584 = arith.index_cast %add3A_583 : i32 to index
        %swap3A_585 = arith.constant 48 : index
        %swap3A_586 = tpu.vector_load %arg12[%swap3A_584, %swap3A_585] {strides = array<i32>} : memref<80x64xf32, #tpu.memory_space<vmem>>, vector<1x16xf32>,
        %swap3A_587 = vector.shape_cast %swap3A_586 : vector<1x16xf32> to vector<16xf32>
        %swap3A_588 = vector.shape_cast %mul3A_581 : vector<16xf32> to vector<1x16xf32>
        tpu.vector_store %arg12[%swap3A_584, %swap3A_585], %swap3A_588 {strides = array<i32>} : memref<80x64xf32, #tpu.memory_space<vmem>>, vector<1x16xf32>,
        %slice3A_589 = vector.extract_strided_slice %get3A_32 {offsets = [9], sizes = [1], strides = [1]} : vector<16xf32> to vector<1xf32>
        %squeeze3A_590 = vector.extract %slice3A_589[0] : f32 from vector<1xf32>
        %add3A_591 = arith.constant 9 : i32
        %add3A_592 = arith.addi %mul3A_34, %add3A_591 : i32
        %get3A_593 = arith.index_cast %add3A_592 : i32 to index
        %get3A_594 = arith.constant 0 : index
        %get3A_595 = tpu.vector_load %arg12[%get3A_593, %get3A_594] {strides = array<i32>} : memref<80x64xf32, #tpu.memory_space<vmem>>, vector<1x16xf32>,
        %get3A_596 = vector.shape_cast %get3A_595 : vector<1x16xf32> to vector<16xf32>
        %mul3A_597 = vector.broadcast %squeeze3A_590 : f32 to vector<16xf32>
        %mul3A_598 = arith.mulf %get3A_596, %mul3A_597 : vector<16xf32>
        %add3A_599 = arith.constant 9 : i32
        %add3A_600 = arith.addi %mul3A_34, %add3A_599 : i32
        %swap3A_601 = arith.index_cast %add3A_600 : i32 to index
        %swap3A_602 = arith.constant 0 : index
        %swap3A_603 = tpu.vector_load %arg12[%swap3A_601, %swap3A_602] {strides = array<i32>} : memref<80x64xf32, #tpu.memory_space<vmem>>, vector<1x16xf32>,
        %swap3A_604 = vector.shape_cast %swap3A_603 : vector<1x16xf32> to vector<16xf32>
        %swap3A_605 = vector.shape_cast %mul3A_598 : vector<16xf32> to vector<1x16xf32>
        tpu.vector_store %arg12[%swap3A_601, %swap3A_602], %swap3A_605 {strides = array<i32>} : memref<80x64xf32, #tpu.memory_space<vmem>>, vector<1x16xf32>,
        %add3A_606 = arith.constant 9 : i32
        %add3A_607 = arith.addi %mul3A_34, %add3A_606 : i32
        %get3A_608 = arith.index_cast %add3A_607 : i32 to index
        %get3A_609 = arith.constant 16 : index
        %get3A_610 = tpu.vector_load %arg12[%get3A_608, %get3A_609] {strides = array<i32>} : memref<80x64xf32, #tpu.memory_space<vmem>>, vector<1x16xf32>,
        %get3A_611 = vector.shape_cast %get3A_610 : vector<1x16xf32> to vector<16xf32>
        %mul3A_612 = vector.broadcast %squeeze3A_590 : f32 to vector<16xf32>
        %mul3A_613 = arith.mulf %get3A_611, %mul3A_612 : vector<16xf32>
        %add3A_614 = arith.constant 9 : i32
        %add3A_615 = arith.addi %mul3A_34, %add3A_614 : i32
        %swap3A_616 = arith.index_cast %add3A_615 : i32 to index
        %swap3A_617 = arith.constant 16 : index
        %swap3A_618 = tpu.vector_load %arg12[%swap3A_616, %swap3A_617] {strides = array<i32>} : memref<80x64xf32, #tpu.memory_space<vmem>>, vector<1x16xf32>,
        %swap3A_619 = vector.shape_cast %swap3A_618 : vector<1x16xf32> to vector<16xf32>
        %swap3A_620 = vector.shape_cast %mul3A_613 : vector<16xf32> to vector<1x16xf32>
        tpu.vector_store %arg12[%swap3A_616, %swap3A_617], %swap3A_620 {strides = array<i32>} : memref<80x64xf32, #tpu.memory_space<vmem>>, vector<1x16xf32>,
        %add3A_621 = arith.constant 9 : i32
        %add3A_622 = arith.addi %mul3A_34, %add3A_621 : i32
        %get3A_623 = arith.index_cast %add3A_622 : i32 to index
        %get3A_624 = arith.constant 32 : index
        %get3A_625 = tpu.vector_load %arg12[%get3A_623, %get3A_624] {strides = array<i32>} : memref<80x64xf32, #tpu.memory_space<vmem>>, vector<1x16xf32>,
        %get3A_626 = vector.shape_cast %get3A_625 : vector<1x16xf32> to vector<16xf32>
        %mul3A_627 = vector.broadcast %squeeze3A_590 : f32 to vector<16xf32>
        %mul3A_628 = arith.mulf %get3A_626, %mul3A_627 : vector<16xf32>
        %add3A_629 = arith.constant 9 : i32
        %add3A_630 = arith.addi %mul3A_34, %add3A_629 : i32
        %swap3A_631 = arith.index_cast %add3A_630 : i32 to index
        %swap3A_632 = arith.constant 32 : index
        %swap3A_633 = tpu.vector_load %arg12[%swap3A_631, %swap3A_632] {strides = array<i32>} : memref<80x64xf32, #tpu.memory_space<vmem>>, vector<1x16xf32>,
        %swap3A_634 = vector.shape_cast %swap3A_633 : vector<1x16xf32> to vector<16xf32>
        %swap3A_635 = vector.shape_cast %mul3A_628 : vector<16xf32> to vector<1x16xf32>
        tpu.vector_store %arg12[%swap3A_631, %swap3A_632], %swap3A_635 {strides = array<i32>} : memref<80x64xf32, #tpu.memory_space<vmem>>, vector<1x16xf32>,
        %add3A_636 = arith.constant 9 : i32
        %add3A_637 = arith.addi %mul3A_34, %add3A_636 : i32
        %get3A_638 = arith.index_cast %add3A_637 : i32 to index
        %get3A_639 = arith.constant 48 : index
        %get3A_640 = tpu.vector_load %arg12[%get3A_638, %get3A_639] {strides = array<i32>} : memref<80x64xf32, #tpu.memory_space<vmem>>, vector<1x16xf32>,
        %get3A_641 = vector.shape_cast %get3A_640 : vector<1x16xf32> to vector<16xf32>
        %mul3A_642 = vector.broadcast %squeeze3A_590 : f32 to vector<16xf32>
        %mul3A_643 = arith.mulf %get3A_641, %mul3A_642 : vector<16xf32>
        %add3A_644 = arith.constant 9 : i32
        %add3A_645 = arith.addi %mul3A_34, %add3A_644 : i32
        %swap3A_646 = arith.index_cast %add3A_645 : i32 to index
        %swap3A_647 = arith.constant 48 : index
        %swap3A_648 = tpu.vector_load %arg12[%swap3A_646, %swap3A_647] {strides = array<i32>} : memref<80x64xf32, #tpu.memory_space<vmem>>, vector<1x16xf32>,
        %swap3A_649 = vector.shape_cast %swap3A_648 : vector<1x16xf32> to vector<16xf32>
        %swap3A_650 = vector.shape_cast %mul3A_643 : vector<16xf32> to vector<1x16xf32>
        tpu.vector_store %arg12[%swap3A_646, %swap3A_647], %swap3A_650 {strides = array<i32>} : memref<80x64xf32, #tpu.memory_space<vmem>>, vector<1x16xf32>,
        %slice3A_651 = vector.extract_strided_slice %get3A_32 {offsets = [10], sizes = [1], strides = [1]} : vector<16xf32> to vector<1xf32>
        %squeeze3A_652 = vector.extract %slice3A_651[0] : f32 from vector<1xf32>
        %add3A_653 = arith.constant 10 : i32
        %add3A_654 = arith.addi %mul3A_34, %add3A_653 : i32
        %get3A_655 = arith.index_cast %add3A_654 : i32 to index
        %get3A_656 = arith.constant 0 : index
        %get3A_657 = tpu.vector_load %arg12[%get3A_655, %get3A_656] {strides = array<i32>} : memref<80x64xf32, #tpu.memory_space<vmem>>, vector<1x16xf32>,
        %get3A_658 = vector.shape_cast %get3A_657 : vector<1x16xf32> to vector<16xf32>
        %mul3A_659 = vector.broadcast %squeeze3A_652 : f32 to vector<16xf32>
        %mul3A_660 = arith.mulf %get3A_658, %mul3A_659 : vector<16xf32>
        %add3A_661 = arith.constant 10 : i32
        %add3A_662 = arith.addi %mul3A_34, %add3A_661 : i32
        %swap3A_663 = arith.index_cast %add3A_662 : i32 to index
        %swap3A_664 = arith.constant 0 : index
        %swap3A_665 = tpu.vector_load %arg12[%swap3A_663, %swap3A_664] {strides = array<i32>} : memref<80x64xf32, #tpu.memory_space<vmem>>, vector<1x16xf32>,
        %swap3A_666 = vector.shape_cast %swap3A_665 : vector<1x16xf32> to vector<16xf32>
        %swap3A_667 = vector.shape_cast %mul3A_660 : vector<16xf32> to vector<1x16xf32>
        tpu.vector_store %arg12[%swap3A_663, %swap3A_664], %swap3A_667 {strides = array<i32>} : memref<80x64xf32, #tpu.memory_space<vmem>>, vector<1x16xf32>,
        %add3A_668 = arith.constant 10 : i32
        %add3A_669 = arith.addi %mul3A_34, %add3A_668 : i32
        %get3A_670 = arith.index_cast %add3A_669 : i32 to index
        %get3A_671 = arith.constant 16 : index
        %get3A_672 = tpu.vector_load %arg12[%get3A_670, %get3A_671] {strides = array<i32>} : memref<80x64xf32, #tpu.memory_space<vmem>>, vector<1x16xf32>,
        %get3A_673 = vector.shape_cast %get3A_672 : vector<1x16xf32> to vector<16xf32>
        %mul3A_674 = vector.broadcast %squeeze3A_652 : f32 to vector<16xf32>
        %mul3A_675 = arith.mulf %get3A_673, %mul3A_674 : vector<16xf32>
        %add3A_676 = arith.constant 10 : i32
        %add3A_677 = arith.addi %mul3A_34, %add3A_676 : i32
        %swap3A_678 = arith.index_cast %add3A_677 : i32 to index
        %swap3A_679 = arith.constant 16 : index
        %swap3A_680 = tpu.vector_load %arg12[%swap3A_678, %swap3A_679] {strides = array<i32>} : memref<80x64xf32, #tpu.memory_space<vmem>>, vector<1x16xf32>,
        %swap3A_681 = vector.shape_cast %swap3A_680 : vector<1x16xf32> to vector<16xf32>
        %swap3A_682 = vector.shape_cast %mul3A_675 : vector<16xf32> to vector<1x16xf32>
        tpu.vector_store %arg12[%swap3A_678, %swap3A_679], %swap3A_682 {strides = array<i32>} : memref<80x64xf32, #tpu.memory_space<vmem>>, vector<1x16xf32>,
        %add3A_683 = arith.constant 10 : i32
        %add3A_684 = arith.addi %mul3A_34, %add3A_683 : i32
        %get3A_685 = arith.index_cast %add3A_684 : i32 to index
        %get3A_686 = arith.constant 32 : index
        %get3A_687 = tpu.vector_load %arg12[%get3A_685, %get3A_686] {strides = array<i32>} : memref<80x64xf32, #tpu.memory_space<vmem>>, vector<1x16xf32>,
        %get3A_688 = vector.shape_cast %get3A_687 : vector<1x16xf32> to vector<16xf32>
        %mul3A_689 = vector.broadcast %squeeze3A_652 : f32 to vector<16xf32>
        %mul3A_690 = arith.mulf %get3A_688, %mul3A_689 : vector<16xf32>
        %add3A_691 = arith.constant 10 : i32
        %add3A_692 = arith.addi %mul3A_34, %add3A_691 : i32
        %swap3A_693 = arith.index_cast %add3A_692 : i32 to index
        %swap3A_694 = arith.constant 32 : index
        %swap3A_695 = tpu.vector_load %arg12[%swap3A_693, %swap3A_694] {strides = array<i32>} : memref<80x64xf32, #tpu.memory_space<vmem>>, vector<1x16xf32>,
        %swap3A_696 = vector.shape_cast %swap3A_695 : vector<1x16xf32> to vector<16xf32>
        %swap3A_697 = vector.shape_cast %mul3A_690 : vector<16xf32> to vector<1x16xf32>
        tpu.vector_store %arg12[%swap3A_693, %swap3A_694], %swap3A_697 {strides = array<i32>} : memref<80x64xf32, #tpu.memory_space<vmem>>, vector<1x16xf32>,
        %add3A_698 = arith.constant 10 : i32
        %add3A_699 = arith.addi %mul3A_34, %add3A_698 : i32
        %get3A_700 = arith.index_cast %add3A_699 : i32 to index
        %get3A_701 = arith.constant 48 : index
        %get3A_702 = tpu.vector_load %arg12[%get3A_700, %get3A_701] {strides = array<i32>} : memref<80x64xf32, #tpu.memory_space<vmem>>, vector<1x16xf32>,
        %get3A_703 = vector.shape_cast %get3A_702 : vector<1x16xf32> to vector<16xf32>
        %mul3A_704 = vector.broadcast %squeeze3A_652 : f32 to vector<16xf32>
        %mul3A_705 = arith.mulf %get3A_703, %mul3A_704 : vector<16xf32>
        %add3A_706 = arith.constant 10 : i32
        %add3A_707 = arith.addi %mul3A_34, %add3A_706 : i32
        %swap3A_708 = arith.index_cast %add3A_707 : i32 to index
        %swap3A_709 = arith.constant 48 : index
        %swap3A_710 = tpu.vector_load %arg12[%swap3A_708, %swap3A_709] {strides = array<i32>} : memref<80x64xf32, #tpu.memory_space<vmem>>, vector<1x16xf32>,
        %swap3A_711 = vector.shape_cast %swap3A_710 : vector<1x16xf32> to vector<16xf32>
        %swap3A_712 = vector.shape_cast %mul3A_705 : vector<16xf32> to vector<1x16xf32>
        tpu.vector_store %arg12[%swap3A_708, %swap3A_709], %swap3A_712 {strides = array<i32>} : memref<80x64xf32, #tpu.memory_space<vmem>>, vector<1x16xf32>,
        %slice3A_713 = vector.extract_strided_slice %get3A_32 {offsets = [11], sizes = [1], strides = [1]} : vector<16xf32> to vector<1xf32>
        %squeeze3A_714 = vector.extract %slice3A_713[0] : f32 from vector<1xf32>
        %add3A_715 = arith.constant 11 : i32
        %add3A_716 = arith.addi %mul3A_34, %add3A_715 : i32
        %get3A_717 = arith.index_cast %add3A_716 : i32 to index
        %get3A_718 = arith.constant 0 : index
        %get3A_719 = tpu.vector_load %arg12[%get3A_717, %get3A_718] {strides = array<i32>} : memref<80x64xf32, #tpu.memory_space<vmem>>, vector<1x16xf32>,
        %get3A_720 = vector.shape_cast %get3A_719 : vector<1x16xf32> to vector<16xf32>
        %mul3A_721 = vector.broadcast %squeeze3A_714 : f32 to vector<16xf32>
        %mul3A_722 = arith.mulf %get3A_720, %mul3A_721 : vector<16xf32>
        %add3A_723 = arith.constant 11 : i32
        %add3A_724 = arith.addi %mul3A_34, %add3A_723 : i32
        %swap3A_725 = arith.index_cast %add3A_724 : i32 to index
        %swap3A_726 = arith.constant 0 : index
        %swap3A_727 = tpu.vector_load %arg12[%swap3A_725, %swap3A_726] {strides = array<i32>} : memref<80x64xf32, #tpu.memory_space<vmem>>, vector<1x16xf32>,
        %swap3A_728 = vector.shape_cast %swap3A_727 : vector<1x16xf32> to vector<16xf32>
        %swap3A_729 = vector.shape_cast %mul3A_722 : vector<16xf32> to vector<1x16xf32>
        tpu.vector_store %arg12[%swap3A_725, %swap3A_726], %swap3A_729 {strides = array<i32>} : memref<80x64xf32, #tpu.memory_space<vmem>>, vector<1x16xf32>,
        %add3A_730 = arith.constant 11 : i32
        %add3A_731 = arith.addi %mul3A_34, %add3A_730 : i32
        %get3A_732 = arith.index_cast %add3A_731 : i32 to index
        %get3A_733 = arith.constant 16 : index
        %get3A_734 = tpu.vector_load %arg12[%get3A_732, %get3A_733] {strides = array<i32>} : memref<80x64xf32, #tpu.memory_space<vmem>>, vector<1x16xf32>,
        %get3A_735 = vector.shape_cast %get3A_734 : vector<1x16xf32> to vector<16xf32>
        %mul3A_736 = vector.broadcast %squeeze3A_714 : f32 to vector<16xf32>
        %mul3A_737 = arith.mulf %get3A_735, %mul3A_736 : vector<16xf32>
        %add3A_738 = arith.constant 11 : i32
        %add3A_739 = arith.addi %mul3A_34, %add3A_738 : i32
        %swap3A_740 = arith.index_cast %add3A_739 : i32 to index
        %swap3A_741 = arith.constant 16 : index
        %swap3A_742 = tpu.vector_load %arg12[%swap3A_740, %swap3A_741] {strides = array<i32>} : memref<80x64xf32, #tpu.memory_space<vmem>>, vector<1x16xf32>,
        %swap3A_743 = vector.shape_cast %swap3A_742 : vector<1x16xf32> to vector<16xf32>
        %swap3A_744 = vector.shape_cast %mul3A_737 : vector<16xf32> to vector<1x16xf32>
        tpu.vector_store %arg12[%swap3A_740, %swap3A_741], %swap3A_744 {strides = array<i32>} : memref<80x64xf32, #tpu.memory_space<vmem>>, vector<1x16xf32>,
        %add3A_745 = arith.constant 11 : i32
        %add3A_746 = arith.addi %mul3A_34, %add3A_745 : i32
        %get3A_747 = arith.index_cast %add3A_746 : i32 to index
        %get3A_748 = arith.constant 32 : index
        %get3A_749 = tpu.vector_load %arg12[%get3A_747, %get3A_748] {strides = array<i32>} : memref<80x64xf32, #tpu.memory_space<vmem>>, vector<1x16xf32>,
        %get3A_750 = vector.shape_cast %get3A_749 : vector<1x16xf32> to vector<16xf32>
        %mul3A_751 = vector.broadcast %squeeze3A_714 : f32 to vector<16xf32>
        %mul3A_752 = arith.mulf %get3A_750, %mul3A_751 : vector<16xf32>
        %add3A_753 = arith.constant 11 : i32
        %add3A_754 = arith.addi %mul3A_34, %add3A_753 : i32
        %swap3A_755 = arith.index_cast %add3A_754 : i32 to index
        %swap3A_756 = arith.constant 32 : index
        %swap3A_757 = tpu.vector_load %arg12[%swap3A_755, %swap3A_756] {strides = array<i32>} : memref<80x64xf32, #tpu.memory_space<vmem>>, vector<1x16xf32>,
        %swap3A_758 = vector.shape_cast %swap3A_757 : vector<1x16xf32> to vector<16xf32>
        %swap3A_759 = vector.shape_cast %mul3A_752 : vector<16xf32> to vector<1x16xf32>
        tpu.vector_store %arg12[%swap3A_755, %swap3A_756], %swap3A_759 {strides = array<i32>} : memref<80x64xf32, #tpu.memory_space<vmem>>, vector<1x16xf32>,
        %add3A_760 = arith.constant 11 : i32
        %add3A_761 = arith.addi %mul3A_34, %add3A_760 : i32
        %get3A_762 = arith.index_cast %add3A_761 : i32 to index
        %get3A_763 = arith.constant 48 : index
        %get3A_764 = tpu.vector_load %arg12[%get3A_762, %get3A_763] {strides = array<i32>} : memref<80x64xf32, #tpu.memory_space<vmem>>, vector<1x16xf32>,
        %get3A_765 = vector.shape_cast %get3A_764 : vector<1x16xf32> to vector<16xf32>
        %mul3A_766 = vector.broadcast %squeeze3A_714 : f32 to vector<16xf32>
        %mul3A_767 = arith.mulf %get3A_765, %mul3A_766 : vector<16xf32>
        %add3A_768 = arith.constant 11 : i32
        %add3A_769 = arith.addi %mul3A_34, %add3A_768 : i32
        %swap3A_770 = arith.index_cast %add3A_769 : i32 to index
        %swap3A_771 = arith.constant 48 : index
        %swap3A_772 = tpu.vector_load %arg12[%swap3A_770, %swap3A_771] {strides = array<i32>} : memref<80x64xf32, #tpu.memory_space<vmem>>, vector<1x16xf32>,
        %swap3A_773 = vector.shape_cast %swap3A_772 : vector<1x16xf32> to vector<16xf32>
        %swap3A_774 = vector.shape_cast %mul3A_767 : vector<16xf32> to vector<1x16xf32>
        tpu.vector_store %arg12[%swap3A_770, %swap3A_771], %swap3A_774 {strides = array<i32>} : memref<80x64xf32, #tpu.memory_space<vmem>>, vector<1x16xf32>,
        %slice3A_775 = vector.extract_strided_slice %get3A_32 {offsets = [12], sizes = [1], strides = [1]} : vector<16xf32> to vector<1xf32>
        %squeeze3A_776 = vector.extract %slice3A_775[0] : f32 from vector<1xf32>
        %add3A_777 = arith.constant 12 : i32
        %add3A_778 = arith.addi %mul3A_34, %add3A_777 : i32
        %get3A_779 = arith.index_cast %add3A_778 : i32 to index
        %get3A_780 = arith.constant 0 : index
        %get3A_781 = tpu.vector_load %arg12[%get3A_779, %get3A_780] {strides = array<i32>} : memref<80x64xf32, #tpu.memory_space<vmem>>, vector<1x16xf32>,
        %get3A_782 = vector.shape_cast %get3A_781 : vector<1x16xf32> to vector<16xf32>
        %mul3A_783 = vector.broadcast %squeeze3A_776 : f32 to vector<16xf32>
        %mul3A_784 = arith.mulf %get3A_782, %mul3A_783 : vector<16xf32>
        %add3A_785 = arith.constant 12 : i32
        %add3A_786 = arith.addi %mul3A_34, %add3A_785 : i32
        %swap3A_787 = arith.index_cast %add3A_786 : i32 to index
        %swap3A_788 = arith.constant 0 : index
        %swap3A_789 = tpu.vector_load %arg12[%swap3A_787, %swap3A_788] {strides = array<i32>} : memref<80x64xf32, #tpu.memory_space<vmem>>, vector<1x16xf32>,
        %swap3A_790 = vector.shape_cast %swap3A_789 : vector<1x16xf32> to vector<16xf32>
        %swap3A_791 = vector.shape_cast %mul3A_784 : vector<16xf32> to vector<1x16xf32>
        tpu.vector_store %arg12[%swap3A_787, %swap3A_788], %swap3A_791 {strides = array<i32>} : memref<80x64xf32, #tpu.memory_space<vmem>>, vector<1x16xf32>,
        %add3A_792 = arith.constant 12 : i32
        %add3A_793 = arith.addi %mul3A_34, %add3A_792 : i32
        %get3A_794 = arith.index_cast %add3A_793 : i32 to index
        %get3A_795 = arith.constant 16 : index
        %get3A_796 = tpu.vector_load %arg12[%get3A_794, %get3A_795] {strides = array<i32>} : memref<80x64xf32, #tpu.memory_space<vmem>>, vector<1x16xf32>,
        %get3A_797 = vector.shape_cast %get3A_796 : vector<1x16xf32> to vector<16xf32>
        %mul3A_798 = vector.broadcast %squeeze3A_776 : f32 to vector<16xf32>
        %mul3A_799 = arith.mulf %get3A_797, %mul3A_798 : vector<16xf32>
        %add3A_800 = arith.constant 12 : i32
        %add3A_801 = arith.addi %mul3A_34, %add3A_800 : i32
        %swap3A_802 = arith.index_cast %add3A_801 : i32 to index
        %swap3A_803 = arith.constant 16 : index
        %swap3A_804 = tpu.vector_load %arg12[%swap3A_802, %swap3A_803] {strides = array<i32>} : memref<80x64xf32, #tpu.memory_space<vmem>>, vector<1x16xf32>,
        %swap3A_805 = vector.shape_cast %swap3A_804 : vector<1x16xf32> to vector<16xf32>
        %swap3A_806 = vector.shape_cast %mul3A_799 : vector<16xf32> to vector<1x16xf32>
        tpu.vector_store %arg12[%swap3A_802, %swap3A_803], %swap3A_806 {strides = array<i32>} : memref<80x64xf32, #tpu.memory_space<vmem>>, vector<1x16xf32>,
        %add3A_807 = arith.constant 12 : i32
        %add3A_808 = arith.addi %mul3A_34, %add3A_807 : i32
        %get3A_809 = arith.index_cast %add3A_808 : i32 to index
        %get3A_810 = arith.constant 32 : index
        %get3A_811 = tpu.vector_load %arg12[%get3A_809, %get3A_810] {strides = array<i32>} : memref<80x64xf32, #tpu.memory_space<vmem>>, vector<1x16xf32>,
        %get3A_812 = vector.shape_cast %get3A_811 : vector<1x16xf32> to vector<16xf32>
        %mul3A_813 = vector.broadcast %squeeze3A_776 : f32 to vector<16xf32>
        %mul3A_814 = arith.mulf %get3A_812, %mul3A_813 : vector<16xf32>
        %add3A_815 = arith.constant 12 : i32
        %add3A_816 = arith.addi %mul3A_34, %add3A_815 : i32
        %swap3A_817 = arith.index_cast %add3A_816 : i32 to index
        %swap3A_818 = arith.constant 32 : index
        %swap3A_819 = tpu.vector_load %arg12[%swap3A_817, %swap3A_818] {strides = array<i32>} : memref<80x64xf32, #tpu.memory_space<vmem>>, vector<1x16xf32>,
        %swap3A_820 = vector.shape_cast %swap3A_819 : vector<1x16xf32> to vector<16xf32>
        %swap3A_821 = vector.shape_cast %mul3A_814 : vector<16xf32> to vector<1x16xf32>
        tpu.vector_store %arg12[%swap3A_817, %swap3A_818], %swap3A_821 {strides = array<i32>} : memref<80x64xf32, #tpu.memory_space<vmem>>, vector<1x16xf32>,
        %add3A_822 = arith.constant 12 : i32
        %add3A_823 = arith.addi %mul3A_34, %add3A_822 : i32
        %get3A_824 = arith.index_cast %add3A_823 : i32 to index
        %get3A_825 = arith.constant 48 : index
        %get3A_826 = tpu.vector_load %arg12[%get3A_824, %get3A_825] {strides = array<i32>} : memref<80x64xf32, #tpu.memory_space<vmem>>, vector<1x16xf32>,
        %get3A_827 = vector.shape_cast %get3A_826 : vector<1x16xf32> to vector<16xf32>
        %mul3A_828 = vector.broadcast %squeeze3A_776 : f32 to vector<16xf32>
        %mul3A_829 = arith.mulf %get3A_827, %mul3A_828 : vector<16xf32>
        %add3A_830 = arith.constant 12 : i32
        %add3A_831 = arith.addi %mul3A_34, %add3A_830 : i32
        %swap3A_832 = arith.index_cast %add3A_831 : i32 to index
        %swap3A_833 = arith.constant 48 : index
        %swap3A_834 = tpu.vector_load %arg12[%swap3A_832, %swap3A_833] {strides = array<i32>} : memref<80x64xf32, #tpu.memory_space<vmem>>, vector<1x16xf32>,
        %swap3A_835 = vector.shape_cast %swap3A_834 : vector<1x16xf32> to vector<16xf32>
        %swap3A_836 = vector.shape_cast %mul3A_829 : vector<16xf32> to vector<1x16xf32>
        tpu.vector_store %arg12[%swap3A_832, %swap3A_833], %swap3A_836 {strides = array<i32>} : memref<80x64xf32, #tpu.memory_space<vmem>>, vector<1x16xf32>,
        %slice3A_837 = vector.extract_strided_slice %get3A_32 {offsets = [13], sizes = [1], strides = [1]} : vector<16xf32> to vector<1xf32>
        %squeeze3A_838 = vector.extract %slice3A_837[0] : f32 from vector<1xf32>
        %add3A_839 = arith.constant 13 : i32
        %add3A_840 = arith.addi %mul3A_34, %add3A_839 : i32
        %get3A_841 = arith.index_cast %add3A_840 : i32 to index
        %get3A_842 = arith.constant 0 : index
        %get3A_843 = tpu.vector_load %arg12[%get3A_841, %get3A_842] {strides = array<i32>} : memref<80x64xf32, #tpu.memory_space<vmem>>, vector<1x16xf32>,
        %get3A_844 = vector.shape_cast %get3A_843 : vector<1x16xf32> to vector<16xf32>
        %mul3A_845 = vector.broadcast %squeeze3A_838 : f32 to vector<16xf32>
        %mul3A_846 = arith.mulf %get3A_844, %mul3A_845 : vector<16xf32>
        %add3A_847 = arith.constant 13 : i32
        %add3A_848 = arith.addi %mul3A_34, %add3A_847 : i32
        %swap3A_849 = arith.index_cast %add3A_848 : i32 to index
        %swap3A_850 = arith.constant 0 : index
        %swap3A_851 = tpu.vector_load %arg12[%swap3A_849, %swap3A_850] {strides = array<i32>} : memref<80x64xf32, #tpu.memory_space<vmem>>, vector<1x16xf32>,
        %swap3A_852 = vector.shape_cast %swap3A_851 : vector<1x16xf32> to vector<16xf32>
        %swap3A_853 = vector.shape_cast %mul3A_846 : vector<16xf32> to vector<1x16xf32>
        tpu.vector_store %arg12[%swap3A_849, %swap3A_850], %swap3A_853 {strides = array<i32>} : memref<80x64xf32, #tpu.memory_space<vmem>>, vector<1x16xf32>,
        %add3A_854 = arith.constant 13 : i32
        %add3A_855 = arith.addi %mul3A_34, %add3A_854 : i32
        %get3A_856 = arith.index_cast %add3A_855 : i32 to index
        %get3A_857 = arith.constant 16 : index
        %get3A_858 = tpu.vector_load %arg12[%get3A_856, %get3A_857] {strides = array<i32>} : memref<80x64xf32, #tpu.memory_space<vmem>>, vector<1x16xf32>,
        %get3A_859 = vector.shape_cast %get3A_858 : vector<1x16xf32> to vector<16xf32>
        %mul3A_860 = vector.broadcast %squeeze3A_838 : f32 to vector<16xf32>
        %mul3A_861 = arith.mulf %get3A_859, %mul3A_860 : vector<16xf32>
        %add3A_862 = arith.constant 13 : i32
        %add3A_863 = arith.addi %mul3A_34, %add3A_862 : i32
        %swap3A_864 = arith.index_cast %add3A_863 : i32 to index
        %swap3A_865 = arith.constant 16 : index
        %swap3A_866 = tpu.vector_load %arg12[%swap3A_864, %swap3A_865] {strides = array<i32>} : memref<80x64xf32, #tpu.memory_space<vmem>>, vector<1x16xf32>,
        %swap3A_867 = vector.shape_cast %swap3A_866 : vector<1x16xf32> to vector<16xf32>
        %swap3A_868 = vector.shape_cast %mul3A_861 : vector<16xf32> to vector<1x16xf32>
        tpu.vector_store %arg12[%swap3A_864, %swap3A_865], %swap3A_868 {strides = array<i32>} : memref<80x64xf32, #tpu.memory_space<vmem>>, vector<1x16xf32>,
        %add3A_869 = arith.constant 13 : i32
        %add3A_870 = arith.addi %mul3A_34, %add3A_869 : i32
        %get3A_871 = arith.index_cast %add3A_870 : i32 to index
        %get3A_872 = arith.constant 32 : index
        %get3A_873 = tpu.vector_load %arg12[%get3A_871, %get3A_872] {strides = array<i32>} : memref<80x64xf32, #tpu.memory_space<vmem>>, vector<1x16xf32>,
        %get3A_874 = vector.shape_cast %get3A_873 : vector<1x16xf32> to vector<16xf32>
        %mul3A_875 = vector.broadcast %squeeze3A_838 : f32 to vector<16xf32>
        %mul3A_876 = arith.mulf %get3A_874, %mul3A_875 : vector<16xf32>
        %add3A_877 = arith.constant 13 : i32
        %add3A_878 = arith.addi %mul3A_34, %add3A_877 : i32
        %swap3A_879 = arith.index_cast %add3A_878 : i32 to index
        %swap3A_880 = arith.constant 32 : index
        %swap3A_881 = tpu.vector_load %arg12[%swap3A_879, %swap3A_880] {strides = array<i32>} : memref<80x64xf32, #tpu.memory_space<vmem>>, vector<1x16xf32>,
        %swap3A_882 = vector.shape_cast %swap3A_881 : vector<1x16xf32> to vector<16xf32>
        %swap3A_883 = vector.shape_cast %mul3A_876 : vector<16xf32> to vector<1x16xf32>
        tpu.vector_store %arg12[%swap3A_879, %swap3A_880], %swap3A_883 {strides = array<i32>} : memref<80x64xf32, #tpu.memory_space<vmem>>, vector<1x16xf32>,
        %add3A_884 = arith.constant 13 : i32
        %add3A_885 = arith.addi %mul3A_34, %add3A_884 : i32
        %get3A_886 = arith.index_cast %add3A_885 : i32 to index
        %get3A_887 = arith.constant 48 : index
        %get3A_888 = tpu.vector_load %arg12[%get3A_886, %get3A_887] {strides = array<i32>} : memref<80x64xf32, #tpu.memory_space<vmem>>, vector<1x16xf32>,
        %get3A_889 = vector.shape_cast %get3A_888 : vector<1x16xf32> to vector<16xf32>
        %mul3A_890 = vector.broadcast %squeeze3A_838 : f32 to vector<16xf32>
        %mul3A_891 = arith.mulf %get3A_889, %mul3A_890 : vector<16xf32>
        %add3A_892 = arith.constant 13 : i32
        %add3A_893 = arith.addi %mul3A_34, %add3A_892 : i32
        %swap3A_894 = arith.index_cast %add3A_893 : i32 to index
        %swap3A_895 = arith.constant 48 : index
        %swap3A_896 = tpu.vector_load %arg12[%swap3A_894, %swap3A_895] {strides = array<i32>} : memref<80x64xf32, #tpu.memory_space<vmem>>, vector<1x16xf32>,
        %swap3A_897 = vector.shape_cast %swap3A_896 : vector<1x16xf32> to vector<16xf32>
        %swap3A_898 = vector.shape_cast %mul3A_891 : vector<16xf32> to vector<1x16xf32>
        tpu.vector_store %arg12[%swap3A_894, %swap3A_895], %swap3A_898 {strides = array<i32>} : memref<80x64xf32, #tpu.memory_space<vmem>>, vector<1x16xf32>,
        %slice3A_899 = vector.extract_strided_slice %get3A_32 {offsets = [14], sizes = [1], strides = [1]} : vector<16xf32> to vector<1xf32>
        %squeeze3A_900 = vector.extract %slice3A_899[0] : f32 from vector<1xf32>
        %add3A_901 = arith.constant 14 : i32
        %add3A_902 = arith.addi %mul3A_34, %add3A_901 : i32
        %get3A_903 = arith.index_cast %add3A_902 : i32 to index
        %get3A_904 = arith.constant 0 : index
        %get3A_905 = tpu.vector_load %arg12[%get3A_903, %get3A_904] {strides = array<i32>} : memref<80x64xf32, #tpu.memory_space<vmem>>, vector<1x16xf32>,
        %get3A_906 = vector.shape_cast %get3A_905 : vector<1x16xf32> to vector<16xf32>
        %mul3A_907 = vector.broadcast %squeeze3A_900 : f32 to vector<16xf32>
        %mul3A_908 = arith.mulf %get3A_906, %mul3A_907 : vector<16xf32>
        %add3A_909 = arith.constant 14 : i32
        %add3A_910 = arith.addi %mul3A_34, %add3A_909 : i32
        %swap3A_911 = arith.index_cast %add3A_910 : i32 to index
        %swap3A_912 = arith.constant 0 : index
        %swap3A_913 = tpu.vector_load %arg12[%swap3A_911, %swap3A_912] {strides = array<i32>} : memref<80x64xf32, #tpu.memory_space<vmem>>, vector<1x16xf32>,
        %swap3A_914 = vector.shape_cast %swap3A_913 : vector<1x16xf32> to vector<16xf32>
        %swap3A_915 = vector.shape_cast %mul3A_908 : vector<16xf32> to vector<1x16xf32>
        tpu.vector_store %arg12[%swap3A_911, %swap3A_912], %swap3A_915 {strides = array<i32>} : memref<80x64xf32, #tpu.memory_space<vmem>>, vector<1x16xf32>,
        %add3A_916 = arith.constant 14 : i32
        %add3A_917 = arith.addi %mul3A_34, %add3A_916 : i32
        %get3A_918 = arith.index_cast %add3A_917 : i32 to index
        %get3A_919 = arith.constant 16 : index
        %get3A_920 = tpu.vector_load %arg12[%get3A_918, %get3A_919] {strides = array<i32>} : memref<80x64xf32, #tpu.memory_space<vmem>>, vector<1x16xf32>,
        %get3A_921 = vector.shape_cast %get3A_920 : vector<1x16xf32> to vector<16xf32>
        %mul3A_922 = vector.broadcast %squeeze3A_900 : f32 to vector<16xf32>
        %mul3A_923 = arith.mulf %get3A_921, %mul3A_922 : vector<16xf32>
        %add3A_924 = arith.constant 14 : i32
        %add3A_925 = arith.addi %mul3A_34, %add3A_924 : i32
        %swap3A_926 = arith.index_cast %add3A_925 : i32 to index
        %swap3A_927 = arith.constant 16 : index
        %swap3A_928 = tpu.vector_load %arg12[%swap3A_926, %swap3A_927] {strides = array<i32>} : memref<80x64xf32, #tpu.memory_space<vmem>>, vector<1x16xf32>,
        %swap3A_929 = vector.shape_cast %swap3A_928 : vector<1x16xf32> to vector<16xf32>
        %swap3A_930 = vector.shape_cast %mul3A_923 : vector<16xf32> to vector<1x16xf32>
        tpu.vector_store %arg12[%swap3A_926, %swap3A_927], %swap3A_930 {strides = array<i32>} : memref<80x64xf32, #tpu.memory_space<vmem>>, vector<1x16xf32>,
        %add3A_931 = arith.constant 14 : i32
        %add3A_932 = arith.addi %mul3A_34, %add3A_931 : i32
        %get3A_933 = arith.index_cast %add3A_932 : i32 to index
        %get3A_934 = arith.constant 32 : index
        %get3A_935 = tpu.vector_load %arg12[%get3A_933, %get3A_934] {strides = array<i32>} : memref<80x64xf32, #tpu.memory_space<vmem>>, vector<1x16xf32>,
        %get3A_936 = vector.shape_cast %get3A_935 : vector<1x16xf32> to vector<16xf32>
        %mul3A_937 = vector.broadcast %squeeze3A_900 : f32 to vector<16xf32>
        %mul3A_938 = arith.mulf %get3A_936, %mul3A_937 : vector<16xf32>
        %add3A_939 = arith.constant 14 : i32
        %add3A_940 = arith.addi %mul3A_34, %add3A_939 : i32
        %swap3A_941 = arith.index_cast %add3A_940 : i32 to index
        %swap3A_942 = arith.constant 32 : index
        %swap3A_943 = tpu.vector_load %arg12[%swap3A_941, %swap3A_942] {strides = array<i32>} : memref<80x64xf32, #tpu.memory_space<vmem>>, vector<1x16xf32>,
        %swap3A_944 = vector.shape_cast %swap3A_943 : vector<1x16xf32> to vector<16xf32>
        %swap3A_945 = vector.shape_cast %mul3A_938 : vector<16xf32> to vector<1x16xf32>
        tpu.vector_store %arg12[%swap3A_941, %swap3A_942], %swap3A_945 {strides = array<i32>} : memref<80x64xf32, #tpu.memory_space<vmem>>, vector<1x16xf32>,
        %add3A_946 = arith.constant 14 : i32
        %add3A_947 = arith.addi %mul3A_34, %add3A_946 : i32
        %get3A_948 = arith.index_cast %add3A_947 : i32 to index
        %get3A_949 = arith.constant 48 : index
        %get3A_950 = tpu.vector_load %arg12[%get3A_948, %get3A_949] {strides = array<i32>} : memref<80x64xf32, #tpu.memory_space<vmem>>, vector<1x16xf32>,
        %get3A_951 = vector.shape_cast %get3A_950 : vector<1x16xf32> to vector<16xf32>
        %mul3A_952 = vector.broadcast %squeeze3A_900 : f32 to vector<16xf32>
        %mul3A_953 = arith.mulf %get3A_951, %mul3A_952 : vector<16xf32>
        %add3A_954 = arith.constant 14 : i32
        %add3A_955 = arith.addi %mul3A_34, %add3A_954 : i32
        %swap3A_956 = arith.index_cast %add3A_955 : i32 to index
        %swap3A_957 = arith.constant 48 : index
        %swap3A_958 = tpu.vector_load %arg12[%swap3A_956, %swap3A_957] {strides = array<i32>} : memref<80x64xf32, #tpu.memory_space<vmem>>, vector<1x16xf32>,
        %swap3A_959 = vector.shape_cast %swap3A_958 : vector<1x16xf32> to vector<16xf32>
        %swap3A_960 = vector.shape_cast %mul3A_953 : vector<16xf32> to vector<1x16xf32>
        tpu.vector_store %arg12[%swap3A_956, %swap3A_957], %swap3A_960 {strides = array<i32>} : memref<80x64xf32, #tpu.memory_space<vmem>>, vector<1x16xf32>,
        %slice3A_961 = vector.extract_strided_slice %get3A_32 {offsets = [15], sizes = [1], strides = [1]} : vector<16xf32> to vector<1xf32>
        %squeeze3A_962 = vector.extract %slice3A_961[0] : f32 from vector<1xf32>
        %add3A_963 = arith.constant 15 : i32
        %add3A_964 = arith.addi %mul3A_34, %add3A_963 : i32
        %get3A_965 = arith.index_cast %add3A_964 : i32 to index
        %get3A_966 = arith.constant 0 : index
        %get3A_967 = tpu.vector_load %arg12[%get3A_965, %get3A_966] {strides = array<i32>} : memref<80x64xf32, #tpu.memory_space<vmem>>, vector<1x16xf32>,
        %get3A_968 = vector.shape_cast %get3A_967 : vector<1x16xf32> to vector<16xf32>
        %mul3A_969 = vector.broadcast %squeeze3A_962 : f32 to vector<16xf32>
        %mul3A_970 = arith.mulf %get3A_968, %mul3A_969 : vector<16xf32>
        %add3A_971 = arith.constant 15 : i32
        %add3A_972 = arith.addi %mul3A_34, %add3A_971 : i32
        %swap3A_973 = arith.index_cast %add3A_972 : i32 to index
        %swap3A_974 = arith.constant 0 : index
        %swap3A_975 = tpu.vector_load %arg12[%swap3A_973, %swap3A_974] {strides = array<i32>} : memref<80x64xf32, #tpu.memory_space<vmem>>, vector<1x16xf32>,
        %swap3A_976 = vector.shape_cast %swap3A_975 : vector<1x16xf32> to vector<16xf32>
        %swap3A_977 = vector.shape_cast %mul3A_970 : vector<16xf32> to vector<1x16xf32>
        tpu.vector_store %arg12[%swap3A_973, %swap3A_974], %swap3A_977 {strides = array<i32>} : memref<80x64xf32, #tpu.memory_space<vmem>>, vector<1x16xf32>,
        %add3A_978 = arith.constant 15 : i32
        %add3A_979 = arith.addi %mul3A_34, %add3A_978 : i32
        %get3A_980 = arith.index_cast %add3A_979 : i32 to index
        %get3A_981 = arith.constant 16 : index
        %get3A_982 = tpu.vector_load %arg12[%get3A_980, %get3A_981] {strides = array<i32>} : memref<80x64xf32, #tpu.memory_space<vmem>>, vector<1x16xf32>,
        %get3A_983 = vector.shape_cast %get3A_982 : vector<1x16xf32> to vector<16xf32>
        %mul3A_984 = vector.broadcast %squeeze3A_962 : f32 to vector<16xf32>
        %mul3A_985 = arith.mulf %get3A_983, %mul3A_984 : vector<16xf32>
        %add3A_986 = arith.constant 15 : i32
        %add3A_987 = arith.addi %mul3A_34, %add3A_986 : i32
        %swap3A_988 = arith.index_cast %add3A_987 : i32 to index
        %swap3A_989 = arith.constant 16 : index
        %swap3A_990 = tpu.vector_load %arg12[%swap3A_988, %swap3A_989] {strides = array<i32>} : memref<80x64xf32, #tpu.memory_space<vmem>>, vector<1x16xf32>,
        %swap3A_991 = vector.shape_cast %swap3A_990 : vector<1x16xf32> to vector<16xf32>
        %swap3A_992 = vector.shape_cast %mul3A_985 : vector<16xf32> to vector<1x16xf32>
        tpu.vector_store %arg12[%swap3A_988, %swap3A_989], %swap3A_992 {strides = array<i32>} : memref<80x64xf32, #tpu.memory_space<vmem>>, vector<1x16xf32>,
        %add3A_993 = arith.constant 15 : i32
        %add3A_994 = arith.addi %mul3A_34, %add3A_993 : i32
        %get3A_995 = arith.index_cast %add3A_994 : i32 to index
        %get3A_996 = arith.constant 32 : index
        %get3A_997 = tpu.vector_load %arg12[%get3A_995, %get3A_996] {strides = array<i32>} : memref<80x64xf32, #tpu.memory_space<vmem>>, vector<1x16xf32>,
        %get3A_998 = vector.shape_cast %get3A_997 : vector<1x16xf32> to vector<16xf32>
        %mul3A_999 = vector.broadcast %squeeze3A_962 : f32 to vector<16xf32>
        %mul3A_1000 = arith.mulf %get3A_998, %mul3A_999 : vector<16xf32>
        %add3A_1001 = arith.constant 15 : i32
        %add3A_1002 = arith.addi %mul3A_34, %add3A_1001 : i32
        %swap3A_1003 = arith.index_cast %add3A_1002 : i32 to index
        %swap3A_1004 = arith.constant 32 : index
        %swap3A_1005 = tpu.vector_load %arg12[%swap3A_1003, %swap3A_1004] {strides = array<i32>} : memref<80x64xf32, #tpu.memory_space<vmem>>, vector<1x16xf32>,
        %swap3A_1006 = vector.shape_cast %swap3A_1005 : vector<1x16xf32> to vector<16xf32>
        %swap3A_1007 = vector.shape_cast %mul3A_1000 : vector<16xf32> to vector<1x16xf32>
        tpu.vector_store %arg12[%swap3A_1003, %swap3A_1004], %swap3A_1007 {strides = array<i32>} : memref<80x64xf32, #tpu.memory_space<vmem>>, vector<1x16xf32>,
        %add3A_1008 = arith.constant 15 : i32
        %add3A_1009 = arith.addi %mul3A_34, %add3A_1008 : i32
        %get3A_1010 = arith.index_cast %add3A_1009 : i32 to index
        %get3A_1011 = arith.constant 48 : index
        %get3A_1012 = tpu.vector_load %arg12[%get3A_1010, %get3A_1011] {strides = array<i32>} : memref<80x64xf32, #tpu.memory_space<vmem>>, vector<1x16xf32>,
        %get3A_1013 = vector.shape_cast %get3A_1012 : vector<1x16xf32> to vector<16xf32>
        %mul3A_1014 = vector.broadcast %squeeze3A_962 : f32 to vector<16xf32>
        %mul3A_1015 = arith.mulf %get3A_1013, %mul3A_1014 : vector<16xf32>
        %add3A_1016 = arith.constant 15 : i32
        %add3A_1017 = arith.addi %mul3A_34, %add3A_1016 : i32
        %swap3A_1018 = arith.index_cast %add3A_1017 : i32 to index
        %swap3A_1019 = arith.constant 48 : index
        %swap3A_1020 = tpu.vector_load %arg12[%swap3A_1018, %swap3A_1019] {strides = array<i32>} : memref<80x64xf32, #tpu.memory_space<vmem>>, vector<1x16xf32>,
        %swap3A_1021 = vector.shape_cast %swap3A_1020 : vector<1x16xf32> to vector<16xf32>
        %swap3A_1022 = vector.shape_cast %mul3A_1015 : vector<16xf32> to vector<1x16xf32>
        tpu.vector_store %arg12[%swap3A_1018, %swap3A_1019], %swap3A_1022 {strides = array<i32>} : memref<80x64xf32, #tpu.memory_space<vmem>>, vector<1x16xf32>,
      }
      %scan3A_24 = arith.constant 5 : i32
      "tpu.region"() ({
        %run_scoped3A = tpu.sem_alloc : memref<!tpu.dma_semaphore, #tpu.memory_space<semaphore_mem>>
        %dma_start3A = arith.constant 0 : i32
        %dma_start3A_25 = tpu.memref_slice %arg10[%scan3A_11, %dma_start3A] : memref<250x80xi32, #tpu.memory_space<vmem>> -> memref<1x80xi32, #tpu.memory_space<vmem>>
        %dma_start3A_26 = tpu.memref_squeeze %dma_start3A_25 : memref<1x80xi32, #tpu.memory_space<vmem>> -> memref<80xi32, #tpu.memory_space<vmem>>
        %dma_start3A_27 = arith.constant 0 : i32
        %dma_start3A_28 = arith.constant 0 : i32
        %dma_start3A_29 = tpu.memref_slice %arg13[%dma_start3A_27, %dma_start3A_28] : memref<10240x64xf32, #tpu.memory_space<vmem_shared>> -> memref<10240x64xf32, #tpu.memory_space<vmem_shared>>
        tpu.enqueue_indirect_dma source(%arg12 : memref<80x64xf32, #tpu.memory_space<vmem>>) target(%dma_start3A_29 : memref<10240x64xf32, #tpu.memory_space<vmem_shared>>) offsets(%dma_start3A_26 : memref<80xi32, #tpu.memory_space<vmem>>) semaphore(%run_scoped3A : memref<!tpu.dma_semaphore, #tpu.memory_space<semaphore_mem>>) {add = true}
        %dma_wait3A = arith.constant 0 : i32
        %dma_wait3A_30 = tpu.memref_slice %arg10[%scan3A_11, %dma_wait3A] : memref<250x80xi32, #tpu.memory_space<vmem>> -> memref<1x80xi32, #tpu.memory_space<vmem>>
        %dma_wait3A_31 = tpu.memref_squeeze %dma_wait3A_30 : memref<1x80xi32, #tpu.memory_space<vmem>> -> memref<80xi32, #tpu.memory_space<vmem>>
        %dma_wait3A_32 = arith.constant 0 : i32
        %dma_wait3A_33 = arith.constant 0 : i32
        %dma_wait3A_34 = tpu.memref_slice %arg13[%dma_wait3A_32, %dma_wait3A_33] : memref<10240x64xf32, #tpu.memory_space<vmem_shared>> -> memref<10240x64xf32, #tpu.memory_space<vmem_shared>>
        tpu.wait_indirect_dma semaphore(%run_scoped3A : memref<!tpu.dma_semaphore, #tpu.memory_space<semaphore_mem>>) src(%arg12 : memref<80x64xf32, #tpu.memory_space<vmem>>) dst(%dma_wait3A_34 : memref<10240x64xf32, #tpu.memory_space<vmem_shared>>)
        tpu.yield
      }) : () -> ()
    }
    %scan3A_5 = arith.constant 250 : i32
    %barrier3A_6 = arith.constant 0 : index
    tpu.barrier barrier_id(%barrier3A_6)
    %mul3A_7 = arith.constant 640 : i32
    %mul3A_8 = arith.muli %arg1, %mul3A_7 : i32
    %mul3A_9 = arith.constant 640 : i32
    %mul3A_10 = arith.muli %arg1, %mul3A_9 : i32
    "tpu.region"() ({
      %run_scoped3A = tpu.sem_alloc : memref<!tpu.dma_semaphore, #tpu.memory_space<semaphore_mem>>
      %dma_start3A = arith.constant 0 : i32
      %dma_start3A_11 = tpu.memref_slice %arg8[%arg0, %mul3A_10, %dma_start3A] : memref<2x10240x64xf32, #tpu.memory_space<hbm>> -> memref<1x640x64xf32, #tpu.memory_space<hbm>>
      %dma_start3A_12 = tpu.memref_squeeze %dma_start3A_11 : memref<1x640x64xf32, #tpu.memory_space<hbm>> -> memref<640x64xf32, #tpu.memory_space<hbm>>
      %dma_start3A_13 = arith.constant 0 : i32
      %dma_start3A_14 = tpu.memref_slice %arg13[%mul3A_8, %dma_start3A_13] : memref<10240x64xf32, #tpu.memory_space<vmem_shared>> -> memref<640x64xf32, #tpu.memory_space<vmem_shared>>
      tpu.enqueue_dma source(%dma_start3A_14 : memref<640x64xf32, #tpu.memory_space<vmem_shared>>) target(%dma_start3A_12 : memref<640x64xf32, #tpu.memory_space<hbm>>) target_semaphore(%run_scoped3A : memref<!tpu.dma_semaphore, #tpu.memory_space<semaphore_mem>>)
      %dma_wait3A = arith.constant 0 : i32
      %dma_wait3A_15 = tpu.memref_slice %arg8[%arg0, %mul3A_10, %dma_wait3A] : memref<2x10240x64xf32, #tpu.memory_space<hbm>> -> memref<1x640x64xf32, #tpu.memory_space<hbm>>
      %dma_wait3A_16 = tpu.memref_squeeze %dma_wait3A_15 : memref<1x640x64xf32, #tpu.memory_space<hbm>> -> memref<640x64xf32, #tpu.memory_space<hbm>>
      %dma_wait3A_17 = arith.constant 0 : i32
      %dma_wait3A_18 = tpu.memref_slice %arg13[%mul3A_8, %dma_wait3A_17] : memref<10240x64xf32, #tpu.memory_space<vmem_shared>> -> memref<640x64xf32, #tpu.memory_space<vmem_shared>>
      tpu.wait_dma2 semaphore(%run_scoped3A : memref<!tpu.dma_semaphore, #tpu.memory_space<semaphore_mem>>) src(%dma_wait3A_18 : memref<640x64xf32, #tpu.memory_space<vmem_shared>>) dst(%dma_wait3A_16 : memref<640x64xf32, #tpu.memory_space<hbm>>)
      tpu.yield
    }) : () -> ()
    return
  }
}

module attributes {stable_mosaic.version = 14 : i64} {
  func.func @body(%arg0: i32, %arg1: memref<1280x128xf32, #tpu.memory_space<vmem>>, %arg2: memref<128x128xf32, #tpu.memory_space<vmem>>, %arg3: memref<1280x2xf32, #tpu.memory_space<vmem>>, %arg4: memref<1280x128xf32, #tpu.memory_space<vmem>>, %arg5: memref<1280x128xf32, #tpu.memory_space<vmem>>, %arg6: memref<1280x1xf32, #tpu.memory_space<vmem>>) attributes {dimension_semantics = [#tpu.dimension_semantics<arbitrary>], iteration_bounds = array<i64: 8>, scalar_prefetch = 0 : i64, scratch_operands = 0 : i64, tpu.core_type = #tpu.core_type<tc>, window_params = [{transform_indices = @transform_0, window_bounds = array<i64: 1280, 128>}, {pipeline_mode = #tpu.pipeline_mode<synchronous>, transform_indices = @transform_1, window_bounds = array<i64: 128, 128>}, {transform_indices = @transform_2, window_bounds = array<i64: 1280, 2>}, {transform_indices = @transform_3, window_bounds = array<i64: 1280, 128>}, {transform_indices = @transform_4, window_bounds = array<i64: 1280, 128>}, {transform_indices = @transform_5, window_bounds = array<i64: 1280, 1>}]} {
    %get3A = arith.constant 0 : index
    %get3A_0 = arith.constant 0 : index
    %get3A_1 = vector.load %arg3[%get3A, %get3A_0] : memref<1280x2xf32, #tpu.memory_space<vmem>>, vector<1280x2xf32>
    %slice3A = vector.extract_strided_slice %get3A_1 {offsets = [0, 0], sizes = [1280, 1], strides = [1, 1]} : vector<1280x2xf32> to vector<1280x1xf32>
    %slice3A_2 = vector.extract_strided_slice %get3A_1 {offsets = [0, 1], sizes = [1280, 1], strides = [1, 1]} : vector<1280x2xf32> to vector<1280x1xf32>
    %add3A = arith.addf %slice3A, %slice3A_2 : vector<1280x1xf32>
    %add3A_3 = arith.constant 1.000000e+00 : f32
    %add3A_4 = vector.broadcast %add3A_3 : f32 to vector<1280x1xf32>
    %add3A_5 = arith.addf %add3A, %add3A_4 : vector<1280x1xf32>
    %gt3A = arith.constant 0.000000e+00 : f32
    %gt3A_6 = vector.broadcast %gt3A : f32 to vector<1280x1xf32>
    %gt3A_7 = arith.cmpf ogt, %add3A_5, %gt3A_6 : vector<1280x1xf32>
    %rsqrt3A = math.rsqrt %add3A_5 : vector<1280x1xf32>
    %jit3A = arith.constant 0.000000e+00 : f32
    %broadcast_in_dim3A = vector.broadcast %jit3A : f32 to vector<1280x1xf32>
    %select_n3A = arith.select %gt3A_7, %rsqrt3A, %broadcast_in_dim3A : vector<1280x1xi1>, vector<1280x1xf32>
    %get3A_8 = arith.constant 0 : index
    %get3A_9 = arith.constant 0 : index
    %get3A_10 = vector.load %arg1[%get3A_8, %get3A_9] : memref<1280x128xf32, #tpu.memory_space<vmem>>, vector<1280x128xf32>
    %get3A_11 = arith.constant 0 : index
    %get3A_12 = arith.constant 0 : index
    %get3A_13 = vector.load %arg2[%get3A_11, %get3A_12] : memref<128x128xf32, #tpu.memory_space<vmem>>, vector<128x128xf32>
    %dot_general3A = arith.constant dense<0.000000e+00> : vector<1280x128xf32>
    %dot_general3A_14 = tpu.matmul %get3A_10, %get3A_13, %dot_general3A {dimension_numbers = #tpu.dot_dimension_numbers<[1], [0], [0], [1], [0, 0, 1, 1], [], []>, transpose_lhs_hint = false} : vector<1280x128xf32>, vector<128x128xf32>, vector<1280x128xf32> -> vector<1280x128xf32>
    %swap3A = arith.constant 0 : index
    %swap3A_15 = arith.constant 0 : index
    %swap3A_16 = vector.load %arg4[%swap3A, %swap3A_15] : memref<1280x128xf32, #tpu.memory_space<vmem>>, vector<1280x128xf32>
    tpu.vector_store %arg4[%swap3A, %swap3A_15], %dot_general3A_14 {strides = array<i32>} : memref<1280x128xf32, #tpu.memory_space<vmem>>, vector<1280x128xf32>,
    %mul3A = vector.broadcast %select_n3A : vector<1280x1xf32> to vector<1280x128xf32>
    %mul3A_17 = arith.mulf %dot_general3A_14, %mul3A : vector<1280x128xf32>
    %swap3A_18 = arith.constant 0 : index
    %swap3A_19 = arith.constant 0 : index
    %swap3A_20 = vector.load %arg5[%swap3A_18, %swap3A_19] : memref<1280x128xf32, #tpu.memory_space<vmem>>, vector<1280x128xf32>
    tpu.vector_store %arg5[%swap3A_18, %swap3A_19], %mul3A_17 {strides = array<i32>} : memref<1280x128xf32, #tpu.memory_space<vmem>>, vector<1280x128xf32>,
    %swap3A_21 = arith.constant 0 : index
    %swap3A_22 = arith.constant 0 : index
    %swap3A_23 = vector.load %arg6[%swap3A_21, %swap3A_22] : memref<1280x1xf32, #tpu.memory_space<vmem>>, vector<1280x1xf32>
    tpu.vector_store %arg6[%swap3A_21, %swap3A_22], %select_n3A {strides = array<i32>} : memref<1280x1xf32, #tpu.memory_space<vmem>>, vector<1280x1xf32>,
    return
  }
  func.func @transform_0(%arg0: i32) -> (i32, i32) {
    %c0_i32 = arith.constant 0 : i32
    %c0_i32_0 = arith.constant 0 : i32
    return %arg0, %c0_i32 : i32, i32
  }
  func.func @transform_1(%arg0: i32) -> (i32, i32) {
    %c0_i32 = arith.constant 0 : i32
    %c0_i32_0 = arith.constant 0 : i32
    %c0_i32_1 = arith.constant 0 : i32
    return %c0_i32, %c0_i32_0 : i32, i32
  }
  func.func @transform_2(%arg0: i32) -> (i32, i32) {
    %c0_i32 = arith.constant 0 : i32
    %c0_i32_0 = arith.constant 0 : i32
    return %arg0, %c0_i32 : i32, i32
  }
  func.func @transform_3(%arg0: i32) -> (i32, i32) {
    %c0_i32 = arith.constant 0 : i32
    %c0_i32_0 = arith.constant 0 : i32
    return %arg0, %c0_i32 : i32, i32
  }
  func.func @transform_4(%arg0: i32) -> (i32, i32) {
    %c0_i32 = arith.constant 0 : i32
    %c0_i32_0 = arith.constant 0 : i32
    return %arg0, %c0_i32 : i32, i32
  }
  func.func @transform_5(%arg0: i32) -> (i32, i32) {
    %c0_i32 = arith.constant 0 : i32
    %c0_i32_0 = arith.constant 0 : i32
    return %arg0, %c0_i32 : i32, i32
  }
}

module attributes {stable_mosaic.version = 14 : i64} {
  func.func @body(%arg0: i32, %arg1: memref<1280x128xf32, #tpu.memory_space<vmem>>, %arg2: memref<1280x128xf32, #tpu.memory_space<vmem>>, %arg3: memref<1280x1xf32, #tpu.memory_space<vmem>>, %arg4: memref<128x48xf32, #tpu.memory_space<vmem>>, %arg5: memref<1x128xf32, #tpu.memory_space<vmem>>, %arg6: memref<1280x48xf32, #tpu.memory_space<vmem>>, %arg7: memref<1280x48xf32, #tpu.memory_space<vmem>>) attributes {dimension_semantics = [#tpu.dimension_semantics<arbitrary>], iteration_bounds = array<i64: 8>, scalar_prefetch = 0 : i64, scratch_operands = 0 : i64, tpu.core_type = #tpu.core_type<tc>, window_params = [{transform_indices = @transform_0, window_bounds = array<i64: 1280, 128>}, {transform_indices = @transform_1, window_bounds = array<i64: 1280, 128>}, {transform_indices = @transform_2, window_bounds = array<i64: 1280, 1>}, {pipeline_mode = #tpu.pipeline_mode<synchronous>, transform_indices = @transform_3, window_bounds = array<i64: 128, 48>}, {pipeline_mode = #tpu.pipeline_mode<synchronous>, transform_indices = @transform_4, window_bounds = array<i64: 1, 128>}, {transform_indices = @transform_5, window_bounds = array<i64: 1280, 48>}, {transform_indices = @transform_6, window_bounds = array<i64: 1280, 48>}]} {
    %get3A = arith.constant 0 : index
    %get3A_0 = arith.constant 0 : index
    %get3A_1 = vector.load %arg3[%get3A, %get3A_0] : memref<1280x1xf32, #tpu.memory_space<vmem>>, vector<1280x1xf32>
    %get3A_2 = arith.constant 0 : index
    %get3A_3 = arith.constant 0 : index
    %get3A_4 = vector.load %arg1[%get3A_2, %get3A_3] : memref<1280x128xf32, #tpu.memory_space<vmem>>, vector<1280x128xf32>
    %mul3A = vector.broadcast %get3A_1 : vector<1280x1xf32> to vector<1280x128xf32>
    %mul3A_5 = arith.mulf %mul3A, %get3A_4 : vector<1280x128xf32>
    %mul3A_6 = arith.mulf %get3A_1, %get3A_1 : vector<1280x1xf32>
    %get3A_7 = arith.constant 0 : index
    %get3A_8 = arith.constant 0 : index
    %get3A_9 = vector.load %arg2[%get3A_7, %get3A_8] : memref<1280x128xf32, #tpu.memory_space<vmem>>, vector<1280x128xf32>
    %mul3A_10 = vector.broadcast %mul3A_6 : vector<1280x1xf32> to vector<1280x128xf32>
    %mul3A_11 = arith.mulf %mul3A_10, %get3A_9 : vector<1280x128xf32>
    %add3A = arith.addf %mul3A_5, %mul3A_11 : vector<1280x128xf32>
    %get3A_12 = arith.constant 0 : index
    %get3A_13 = arith.constant 0 : index
    %get3A_14 = vector.load %arg5[%get3A_12, %get3A_13] : memref<1x128xf32, #tpu.memory_space<vmem>>, vector<1x128xf32>
    %add3A_15 = vector.broadcast %get3A_14 : vector<1x128xf32> to vector<1280x128xf32>
    %add3A_16 = arith.addf %add3A, %add3A_15 : vector<1280x128xf32>
    %max3A = arith.constant 0.000000e+00 : f32
    %max3A_17 = vector.broadcast %max3A : f32 to vector<1280x128xf32>
    %max3A_18 = arith.maximumf %add3A_16, %max3A_17 : vector<1280x128xf32>
    %get3A_19 = arith.constant 0 : index
    %get3A_20 = arith.constant 0 : index
    %get3A_21 = vector.load %arg4[%get3A_19, %get3A_20] : memref<128x48xf32, #tpu.memory_space<vmem>>, vector<128x48xf32>
    %dot_general3A = arith.constant dense<0.000000e+00> : vector<1280x48xf32>
    %dot_general3A_22 = tpu.matmul %max3A_18, %get3A_21, %dot_general3A {dimension_numbers = #tpu.dot_dimension_numbers<[1], [0], [0], [1], [0, 0, 1, 1], [], []>, transpose_lhs_hint = false} : vector<1280x128xf32>, vector<128x48xf32>, vector<1280x48xf32> -> vector<1280x48xf32>
    %swap3A = arith.constant 0 : index
    %swap3A_23 = arith.constant 0 : index
    %swap3A_24 = vector.load %arg6[%swap3A, %swap3A_23] : memref<1280x48xf32, #tpu.memory_space<vmem>>, vector<1280x48xf32>
    tpu.vector_store %arg6[%swap3A, %swap3A_23], %dot_general3A_22 {strides = array<i32>} : memref<1280x48xf32, #tpu.memory_space<vmem>>, vector<1280x48xf32>,
    %mul3A_25 = vector.broadcast %get3A_1 : vector<1280x1xf32> to vector<1280x48xf32>
    %mul3A_26 = arith.mulf %mul3A_25, %dot_general3A_22 : vector<1280x48xf32>
    %swap3A_27 = arith.constant 0 : index
    %swap3A_28 = arith.constant 0 : index
    %swap3A_29 = vector.load %arg7[%swap3A_27, %swap3A_28] : memref<1280x48xf32, #tpu.memory_space<vmem>>, vector<1280x48xf32>
    tpu.vector_store %arg7[%swap3A_27, %swap3A_28], %mul3A_26 {strides = array<i32>} : memref<1280x48xf32, #tpu.memory_space<vmem>>, vector<1280x48xf32>,
    return
  }
  func.func @transform_0(%arg0: i32) -> (i32, i32) {
    %c0_i32 = arith.constant 0 : i32
    %c0_i32_0 = arith.constant 0 : i32
    return %arg0, %c0_i32 : i32, i32
  }
  func.func @transform_1(%arg0: i32) -> (i32, i32) {
    %c0_i32 = arith.constant 0 : i32
    %c0_i32_0 = arith.constant 0 : i32
    return %arg0, %c0_i32 : i32, i32
  }
  func.func @transform_2(%arg0: i32) -> (i32, i32) {
    %c0_i32 = arith.constant 0 : i32
    %c0_i32_0 = arith.constant 0 : i32
    return %arg0, %c0_i32 : i32, i32
  }
  func.func @transform_3(%arg0: i32) -> (i32, i32) {
    %c0_i32 = arith.constant 0 : i32
    %c0_i32_0 = arith.constant 0 : i32
    %c0_i32_1 = arith.constant 0 : i32
    return %c0_i32, %c0_i32_0 : i32, i32
  }
  func.func @transform_4(%arg0: i32) -> (i32, i32) {
    %c0_i32 = arith.constant 0 : i32
    %c0_i32_0 = arith.constant 0 : i32
    %c0_i32_1 = arith.constant 0 : i32
    return %c0_i32, %c0_i32_0 : i32, i32
  }
  func.func @transform_5(%arg0: i32) -> (i32, i32) {
    %c0_i32 = arith.constant 0 : i32
    %c0_i32_0 = arith.constant 0 : i32
    return %arg0, %c0_i32 : i32, i32
  }
  func.func @transform_6(%arg0: i32) -> (i32, i32) {
    %c0_i32 = arith.constant 0 : i32
    %c0_i32_0 = arith.constant 0 : i32
    return %arg0, %c0_i32 : i32, i32
  }
}

module attributes {stable_mosaic.version = 14 : i64} {
  func.func @body(%arg0: i32, %arg1: memref<2x1280x48xf32, #tpu.memory_space<vmem>>, %arg2: memref<1280x48xf32, #tpu.memory_space<vmem>>, %arg3: memref<1280x1xf32, #tpu.memory_space<vmem>>, %arg4: memref<1x48xf32, #tpu.memory_space<vmem>>, %arg5: memref<1280x48xf32, #tpu.memory_space<vmem>>) attributes {dimension_semantics = [#tpu.dimension_semantics<arbitrary>], iteration_bounds = array<i64: 8>, scalar_prefetch = 0 : i64, scratch_operands = 0 : i64, tpu.core_type = #tpu.core_type<tc>, window_params = [{transform_indices = @transform_0, window_bounds = array<i64: 2, 1280, 48>}, {transform_indices = @transform_1, window_bounds = array<i64: 1280, 48>}, {transform_indices = @transform_2, window_bounds = array<i64: 1280, 1>}, {pipeline_mode = #tpu.pipeline_mode<synchronous>, transform_indices = @transform_3, window_bounds = array<i64: 1, 48>}, {transform_indices = @transform_4, window_bounds = array<i64: 1280, 48>}]} {
    %get3A = arith.constant 0 : index
    %get3A_0 = arith.constant 0 : index
    %get3A_1 = vector.load %arg3[%get3A, %get3A_0] : memref<1280x1xf32, #tpu.memory_space<vmem>>, vector<1280x1xf32>
    %get3A_2 = arith.constant 0 : index
    %get3A_3 = arith.constant 0 : index
    %get3A_4 = arith.constant 0 : index
    %get3A_5 = vector.load %arg1[%get3A_2, %get3A_3, %get3A_4] : memref<2x1280x48xf32, #tpu.memory_space<vmem>>, vector<2x1280x48xf32>
    %slice3A = vector.extract_strided_slice %get3A_5 {offsets = [0, 0, 0], sizes = [1, 1280, 48], strides = [1, 1, 1]} : vector<2x1280x48xf32> to vector<1x1280x48xf32>
    %squeeze3A = vector.shape_cast %slice3A : vector<1x1280x48xf32> to vector<1280x48xf32>
    %slice3A_6 = vector.extract_strided_slice %get3A_5 {offsets = [1, 0, 0], sizes = [1, 1280, 48], strides = [1, 1, 1]} : vector<2x1280x48xf32> to vector<1x1280x48xf32>
    %squeeze3A_7 = vector.shape_cast %slice3A_6 : vector<1x1280x48xf32> to vector<1280x48xf32>
    %add3A = arith.addf %squeeze3A, %squeeze3A_7 : vector<1280x48xf32>
    %mul3A = vector.broadcast %get3A_1 : vector<1280x1xf32> to vector<1280x48xf32>
    %mul3A_8 = arith.mulf %mul3A, %add3A : vector<1280x48xf32>
    %mul3A_9 = arith.mulf %get3A_1, %get3A_1 : vector<1280x1xf32>
    %get3A_10 = arith.constant 0 : index
    %get3A_11 = arith.constant 0 : index
    %get3A_12 = vector.load %arg2[%get3A_10, %get3A_11] : memref<1280x48xf32, #tpu.memory_space<vmem>>, vector<1280x48xf32>
    %mul3A_13 = vector.broadcast %mul3A_9 : vector<1280x1xf32> to vector<1280x48xf32>
    %mul3A_14 = arith.mulf %mul3A_13, %get3A_12 : vector<1280x48xf32>
    %add3A_15 = arith.addf %mul3A_8, %mul3A_14 : vector<1280x48xf32>
    %get3A_16 = arith.constant 0 : index
    %get3A_17 = arith.constant 0 : index
    %get3A_18 = vector.load %arg4[%get3A_16, %get3A_17] : memref<1x48xf32, #tpu.memory_space<vmem>>, vector<1x48xf32>
    %add3A_19 = vector.broadcast %get3A_18 : vector<1x48xf32> to vector<1280x48xf32>
    %add3A_20 = arith.addf %add3A_15, %add3A_19 : vector<1280x48xf32>
    %iota3A = tpu.iota {dimensions = array<i32: 1>} : vector<1280x48xi32>
    %lt3A = arith.constant 40 : i32
    %lt3A_21 = vector.broadcast %lt3A : i32 to vector<1280x48xi32>
    %lt3A_22 = arith.cmpi slt, %iota3A, %lt3A_21 : vector<1280x48xi32>
    %jit3A = arith.constant -1.000000e+30 : f32
    %broadcast_in_dim3A = vector.broadcast %jit3A : f32 to vector<1280x48xf32>
    %select_n3A = arith.select %lt3A_22, %add3A_20, %broadcast_in_dim3A : vector<1280x48xi1>, vector<1280x48xf32>
    %reduce_max3A = arith.constant dense<0xFF800000> : vector<1280xf32>
    %reduce_max3A_23 = vector.multi_reduction <maximumf>, %select_n3A, %reduce_max3A [1] : vector<1280x48xf32> to vector<1280xf32>
    %broadcast_in_dim3A_24 = vector.shape_cast %reduce_max3A_23 : vector<1280xf32> to vector<1280x1xf32>
    %sub3A = vector.broadcast %broadcast_in_dim3A_24 : vector<1280x1xf32> to vector<1280x48xf32>
    %sub3A_25 = arith.subf %select_n3A, %sub3A : vector<1280x48xf32>
    %exp3A = math.exp %sub3A_25 : vector<1280x48xf32>
    %reduce_sum3A = arith.constant dense<0.000000e+00> : vector<1280xf32>
    %reduce_sum3A_26 = vector.multi_reduction <add>, %exp3A, %reduce_sum3A [1] : vector<1280x48xf32> to vector<1280xf32>
    %broadcast_in_dim3A_27 = vector.shape_cast %reduce_sum3A_26 : vector<1280xf32> to vector<1280x1xf32>
    %log3A = math.log %broadcast_in_dim3A_27 : vector<1280x1xf32>
    %sub3A_28 = vector.broadcast %broadcast_in_dim3A_24 : vector<1280x1xf32> to vector<1280x48xf32>
    %sub3A_29 = arith.subf %select_n3A, %sub3A_28 : vector<1280x48xf32>
    %sub3A_30 = vector.broadcast %log3A : vector<1280x1xf32> to vector<1280x48xf32>
    %sub3A_31 = arith.subf %sub3A_29, %sub3A_30 : vector<1280x48xf32>
    %swap3A = arith.constant 0 : index
    %swap3A_32 = arith.constant 0 : index
    %swap3A_33 = vector.load %arg5[%swap3A, %swap3A_32] : memref<1280x48xf32, #tpu.memory_space<vmem>>, vector<1280x48xf32>
    tpu.vector_store %arg5[%swap3A, %swap3A_32], %sub3A_31 {strides = array<i32>} : memref<1280x48xf32, #tpu.memory_space<vmem>>, vector<1280x48xf32>,
    return
  }
  func.func @transform_0(%arg0: i32) -> (i32, i32, i32) {
    %c0_i32 = arith.constant 0 : i32
    %c0_i32_0 = arith.constant 0 : i32
    %c0_i32_1 = arith.constant 0 : i32
    return %c0_i32, %arg0, %c0_i32_0 : i32, i32, i32
  }
  func.func @transform_1(%arg0: i32) -> (i32, i32) {
    %c0_i32 = arith.constant 0 : i32
    %c0_i32_0 = arith.constant 0 : i32
    return %arg0, %c0_i32 : i32, i32
  }
  func.func @transform_2(%arg0: i32) -> (i32, i32) {
    %c0_i32 = arith.constant 0 : i32
    %c0_i32_0 = arith.constant 0 : i32
    return %arg0, %c0_i32 : i32, i32
  }
  func.func @transform_3(%arg0: i32) -> (i32, i32) {
    %c0_i32 = arith.constant 0 : i32
    %c0_i32_0 = arith.constant 0 : i32
    %c0_i32_1 = arith.constant 0 : i32
    return %c0_i32, %c0_i32_0 : i32, i32
  }
  func.func @transform_4(%arg0: i32) -> (i32, i32) {
    %c0_i32 = arith.constant 0 : i32
    %c0_i32_0 = arith.constant 0 : i32
    return %arg0, %c0_i32 : i32, i32
  }
}

</mosaic_0001>

<sc_bundles>
// kernel: kernel.11.cloned.1.call-start
scs
__scs_entry_jumppad:
0x0: {  	(pc) =	sbr.rel $0x88, $3  }
0x1: {  	(tag) =	ssettag $0x0;
	lr =	simm.s32 $0x1  }
0x2: {  	[smem:$0x3F9A] =	sst lr;
	_ =	strace $0xD0000000  }
0x3: {  	_ = 	snop  }
0x4: {  	_ = 	snop  }
0x5: {  	_ = 	snop  }
0x6: {  	_ = 	snop  }
0x7: {  	_ = 	snop  }
__scs_overlays_trampoline_lowered:
0x8: {  	[smem:$0x3FA9] =	sst s0  }
0x9: {  	[smem:$0x3FAA] =	sst s1  }
0xa: {  	[smem:$0x3FAB] =	sst s2  }
0xb: {  	[smem:$0x3FAC] =	sst s3  }
0xc: {  	[smem:$0x3FAD] =	sst s4  }
0xd: {  	[smem:$0x3FAE] =	sst s5  }
0xe: {  	[smem:$0x3FAF] =	sst s6  }
0xf: {  	[smem:$0x3FB0] =	sst s7  }
0x10: {  	[smem:$0x3FB1] =	sst s8  }
0x11: {  	[smem:$0x3FB2] =	sst s9;
	s0 =	simm.s32 @!p0 $0x0  }
0x12: {  	s1 =	sld [smem:$0x3F98];
	s0 =	simm.s32 @p0 $0x1  }
0x13: {  	[smem:$0x3FB3] =	sst s0;
	s0 =	simm.s32 @!p1 $0x0  }
0x14: {  	s2 =	sld [smem:$0x3F97];
	s0 =	simm.s32 @p1 $0x1  }
0x15: {  	[smem:$0x3FB4] =	sst s0;
	s0 =	simm.s32 @!p2 $0x0  }
0x16: {  	s3 =	sld [smem:$0x3FDB];
	s0 =	simm.s32 @p2 $0x1  }
0x17: {  	s4 =	simm.s32 $0x1BF5;
	[smem:$0x3FB6] =	sst s0  }
0x18: {  	s0 =	sld [smem:$0x3F99];
	_ =	swait.ge [sflag:s4], $0x0  }
0x19: {  	s7 =	sld [smem:$0x3F9A]  }
0x1a: {  	s8 =	sadd.s32 $0xFFFFE003, lr  }
0x1b: {  	s9 =	sadd.s32 $0xFFFFFEF7, lr;
	s5 =	simm.s32 $0xFFFFFFFF;
	p2 =	slt.u32 s8, $0xFFFFF086  }
0x1c: {  	p1 =	slt.u32 s9, $0xF7A;
	s5 =	simm.s32 @!p2 $0x0  }
0x1d: {  	s5 =	simm.s32 @p1 $0x1;
	p0 =	seq.s32 s7, s2  }
0x1e: {  	s7 =	smul.u32 @!p0 $0xF7A, s2;
	p2 =	seq.s32 @!p0 s5, $0x0  }
0x1f: {  	s9 =	smul.u32 $0xF7A, s1;
	s8 =	simm.s32 @!p0 $0x1BF5;
	p2 =	por !p2, p0  }
0x20: {  	[sflag:s8] =	ssyncset.s32 @!p0 $0xFFFFF086;
	s6 =	sadd.s32 @!p0 s3, s7;
	s7 =	simm.s32 @!p0 $0x108  }
0x21: {  	s3 =	sadd.s32 s3, s9;
	s6 =	sadd.s32 @!p0 $0x88, s6;
	s7 =	simm.s32 @p2 $0x1082  }
0x22: {  	[simem:s7], [sflag:s8] =	dma.local @!p0 [hbm:s6], $0xF7A  }
0x23: {  	s9 =	sor.u32 $0xD0000000, s2;
	s6 =	simm.s32 $0x108;
	_ =	swait.ge @!p0 [sflag:s8], $0x0  }
0x24: {  	s3 =	sadd.s32 $0x88, s3;
	s6 =	simm.s32 @!p1 $0x1082;
	[sflag:s4] =	ssyncset.s32 $0xFFFFF086  }
0x25: {  	[simem:s6], [sflag:s4] =	dma.local [hbm:s3], $0xF7A  }
0x26: {  	[smem:$0x3F9A] =	sst s1;
	(tag) =	ssettag s2;
	_ =	strace s9  }
0x27: {  	s1 =	sld [smem:$0x3FAA]  }
0x28: {  	s2 =	sld [smem:$0x3FAB]  }
0x29: {  	s4 =	sld [smem:$0x3FAD]  }
0x2a: {  	p0 =	seq.s32 s5, $0x0;
	s5 =	sld [smem:$0x3FAE]  }
0x2b: {  	s6 =	sld [smem:$0x3FAF]  }
0x2c: {  	s7 =	sld [smem:$0x3FB0]  }
0x2d: {  	s3 =	simm.s32 $0x108;
	s8 =	sld [smem:$0x3FB1]  }
0x2e: {  	s3 =	simm.s32 @!p0 $0x1082;
	s9 =	sld [smem:$0x3FB2]  }
0x2f: {  	lr =	sadd.s32 s0, s3;
	s0 =	sld [smem:$0x3FA9]  }
0x30: {  	s3 =	sld [smem:$0x3FAC]  }
0x31: {  	[smem:$0x3FB5] =	sst s10  }
0x32: {  	s10 =	sld [smem:$0x3FB3];
	_ =	sdelay $0x3  }
0x33: {  	p0 =	seq.s32 s10, $0x1;
	s10 =	sld [smem:$0x3FB5];
	_ =	sdelay $0x3  }
0x34: {  	[smem:$0x3FB5] =	sst s10  }
0x35: {  	s10 =	sld [smem:$0x3FB4];
	_ =	sdelay $0x3  }
0x36: {  	p1 =	seq.s32 s10, $0x1;
	s10 =	sld [smem:$0x3FB5];
	_ =	sdelay $0x3  }
0x37: {  	[smem:$0x3FB5] =	sst s10  }
0x38: {  	s10 =	sld [smem:$0x3FB6]  }
0x39: {  	_ = 	snop;
	(pc) =	sbr.ind lr, $3  }
0x3a: {  	_ = 	snop  }
0x3b: {  	_ = 	snop  }
0x3c: {  	p2 =	seq.s32 s10, $0x1;
	s10 =	sld [smem:$0x3FB5]  }
0x3d: {  	_ =	shalt  }
0x3e: {  	_ =	shalt  }
0x3f: {  	_ =	shalt  }
0x40: {  	_ =	shalt  }
0x41: {  	_ =	shalt  }
0x42: {  	_ =	shalt  }
0x43: {  	_ =	shalt  }
0x44: {  	_ =	shalt  }
0x45: {  	_ =	shalt  }
0x46: {  	_ =	shalt  }
0x47: {  	_ =	shalt  }
0x48: {  	_ =	shalt  }
0x49: {  	_ =	shalt  }
0x4a: {  	_ =	shalt  }
0x4b: {  	_ =	shalt  }
0x4c: {  	_ =	shalt  }
0x4d: {  	_ =	shalt  }
0x4e: {  	_ =	shalt  }
0x4f: {  	_ =	shalt  }
0x50: {  	_ =	shalt  }
0x51: {  	_ =	shalt  }
0x52: {  	_ =	shalt  }
0x53: {  	_ =	shalt  }
0x54: {  	_ =	shalt  }
0x55: {  	_ =	shalt  }
0x56: {  	_ =	shalt  }
0x57: {  	_ =	shalt  }
0x58: {  	_ =	shalt  }
0x59: {  	_ =	shalt  }
0x5a: {  	_ =	shalt  }
0x5b: {  	_ =	shalt  }
0x5c: {  	_ =	shalt  }
0x5d: {  	_ =	shalt  }
0x5e: {  	_ =	shalt  }
0x5f: {  	_ =	shalt  }
0x60: {  	_ =	shalt  }
0x61: {  	_ =	shalt  }
0x62: {  	_ =	shalt  }
0x63: {  	_ =	shalt  }
0x64: {  	_ =	shalt  }
0x65: {  	_ =	shalt  }
0x66: {  	_ =	shalt  }
0x67: {  	_ =	shalt  }
0x68: {  	_ =	shalt  }
0x69: {  	_ =	shalt  }
0x6a: {  	_ =	shalt  }
0x6b: {  	_ =	shalt  }
0x6c: {  	_ =	shalt  }
0x6d: {  	_ =	shalt  }
0x6e: {  	_ =	shalt  }
0x6f: {  	_ =	shalt  }
0x70: {  	_ =	shalt  }
0x71: {  	_ =	shalt  }
0x72: {  	_ =	shalt  }
0x73: {  	_ =	shalt  }
0x74: {  	_ =	shalt  }
0x75: {  	_ =	shalt  }
0x76: {  	_ =	shalt  }
0x77: {  	_ =	shalt  }
0x78: {  	_ =	shalt  }
0x79: {  	_ =	shalt  }
0x7a: {  	_ =	shalt  }
0x7b: {  	_ =	shalt  }
0x7c: {  	_ =	shalt  }
0x7d: {  	_ =	shalt  }
0x7e: {  	_ =	shalt  }
0x7f: {  	_ =	shalt  }
0x80: {  	_ =	shalt  }
0x81: {  	_ =	shalt  }
0x82: {  	_ =	shalt  }
0x83: {  	_ =	shalt  }
0x84: {  	_ =	shalt  }
0x85: {  	_ =	shalt  }
0x86: {  	_ =	shalt  }
0x87: {  	_ =	shalt  }
.Lfunc_end0:
.L_simem_size_0:
called_computation.1_lowered:
.L_overlay_start_0:
0x88: {  	s2 =	sld [smem:$0x3FD9]  }
0x89: {  	s3 =	sld [smem:$0x3FFE];
	_ =	sdelay $0x1  }
0x8a: {  	s1 =	srdreg.scid  }
0x8b: {  	s0 =	sand.u32 $0x1, s1  }
0x8c: {  	s17 =	sshll.u32 s0, $0xA;
	s2 =	sadd.s32 s3, s2  }
0x8d: {  	s2 =	sadd.s32 s2, s17  }
0x8e: {  	[smem:$0x3FC1] =	sst s2  }
0x8f: {  	_ = 	snop  }
0x90: {  	s2 =	sld [smem:$0x3FC7]  }
0x91: {  	s18 =	sld [smem:$0x3FD0];
	(tm) =	ssettm $0x1  }
0x92: {  	s4 =	sld [smem:$0x3FFB];
	_ =	sdelay $0x3  }
0x93: {  	_ =	strace s4  }
0x94: {  	s4 =	sld [smem:$0x3FFC];
	_ =	sdelay $0x3  }
0x95: {  	_ =	strace s4  }
0x96: {  	s4 =	sld [smem:$0x3FFD];
	_ =	sdelay $0x3  }
0x97: {  	_ =	strace s4  }
0x98: {  	_ =	strace $0x8FFFFFFF  }
0x99: {  	s19 =	sld [smem:$0x3FDB];
	_ =	sdelay $0x1  }
0x9a: {  	s5 =	simm.s32 $_scs_section_size  }
0x9b: {  	s6 =	simm.s32 $_size__tile_overlayer_lowered;
	s7 =	simm.s32 $_tile_overlayer_lowered  }
0x9c: {  	s22 =	simm.s32 $0x1BFF;
	s21 =	sshll.u32 s7, $0x1;
	s4 =	sadd.s32 s5, s19  }
0x9d: {  	s8 =	simm.s32 $0x0;
	s20 =	sshll.u32 s6, $0x1;
	s6 =	sadd.s32 s21, s4  }
0x9e: {  	[timem:s8], [sflag:s22] =	dma.local [hbm:s6], s20  }
0x9f: {  	_ =	swait.ge [sflag:s22], s20  }
0xa0: {  	s5 =	ssub.s32 $0x0, s20;
	[sflag:s22] =	ssyncset.done $0x0  }
0xa1: {  	[sflag:s22] =	ssyncadd.s32 s5;
	_ =	sdelay $0x1  }
0xa2: {  	s23 =	simm.s32 $0x1B8B  }
0xa3: {  	_ =	swait.ge [sflag:s23], $0x1  }
0xa4: {  	[sflag:s23] =	ssyncset.done $0x0  }
0xa5: {  	s25 =	simm.s32 $0x1B8E;
	s24 =	sld [smem:$0x3FFE];
	[sflag:s23] =	ssyncadd.s32 $0xFFFFFFFF  }
0xa6: {  	s26 =	simm.s32 $execute0_lowered;
	[smem:$0x3FD2] =	sst s25  }
0xa7: {  	s6 =	sshll.u32 s26, $0x1;
	_ =	strace $0x80000049;
	[dreg:$0x1] =	wrdreg $0xFFFFFFFF  }
0xa8: {  	s28 =	simm.s32 $_size_execute0_lowered;
	s4 =	sadd.s32 s4, s6;
	[dreg:$0x0] =	wrdreg $0x0  }
0xa9: {  	s6 =	sshll.u32 s28, $0x1;
	[dreg:$0x2] =	wrdreg s4  }
0xaa: {  	[dreg:$0x3] =	wrdreg s6  }
0xab: {  	[dreg:$0x4] =	wrdreg $0xC0  }
0xac: {  	_ =	task [dreg:s8], $0x5FFFF  }
0xad: {  	[dreg:$0x1] =	wrdreg $0xFFFFFFFF  }
0xae: {  	[dreg:$0x0] =	wrdreg $0x60  }
0xaf: {  	[dreg:$0x2] =	wrdreg s24  }
0xb0: {  	[dreg:$0x3] =	wrdreg s18  }
0xb1: {  	[dreg:$0x4] =	wrdreg s2  }
0xb2: {  	[dreg:$0x5] =	wrdreg $0xFE600  }
0xb3: {  	[dreg:$0x6] =	wrdreg $0x9  }
0xb4: {  	_ =	task.clear_ibuf [dreg:s8], $0x7FFFF;
	_ =	strace $0x90000049  }
0xb5: {  	s29 =	simm.s32 $0x9;
	_ =	strace $0x8000004B  }
0xb6: {  	_ =	swait.ge [sflag:s29], $0x1  }
0xb7: {  	[sflag:s29] =	ssyncadd.s32 $0xFFFFFFFF  }
0xb8: {  	_ =	strace $0x9000004B  }
0xb9: {  	_ =	sfence  }
0xba: {  	s30 =	sld [smem:$0x0];
	_ =	sdelay $0x2  }
0xbb: {  	s31 =	sshll.u32 s1, $0xD;
	s1 =	sshrl.u32 s1, $0x2  }
0xbc: {  	s3 =	sand.u32 $0x4000, s31;
	s1 =	sadd.s32 s1, s30  }
0xbd: {  	s0 =	sor.u32 s3, s0;
	s1 =	sshll.u32 s1, $0x11  }
0xbe: {  	s0 =	sor.u32 s1, s0  }
0xbf: {  	s0 =	sadd.s32 $0x8F2B, s0  }
0xc0: {  	[sflag:s0] =	ssyncadd.remote.s32 $0x1  }
0xc1: {  	_ =	sfence.sel $0xFFFF  }
0xc2: {  	[dreg:$0x0] =	wrdreg $0xFFFFFFFF;
	(pc) =	sbr.abs _section_cstart, $3  }
0xc3: {  	[dreg:$0x1] =	wrdreg $0xFFFFFFFF  }
0xc4: {  	_ =	task.clear_ibuf [dreg:s8], $0x2FFFF;
	_ =	strace $0x9FFFFFFF  }
0xc5: {  	(tm) =	ssettm $0x7FFFFFFF  }
tec
execute0_lowered:
.L_overlay_start_1:
0x0: {  	(tag) =	ssettag $0x1  }
0x1: {  	s11 =	rddreg [dreg:$0x0]  }
0x2: {  	s6 =	rddreg [dreg:$0x1]  }
0x3: {  	s8 =	rddreg [dreg:$0x2]  }
0x4: {  	s2 =	rddreg [dreg:$0x3]  }
0x5: {  	s0 =	rddreg [dreg:$0x4]  }
0x6: {  	s1 =	stileid.u32;
	s4 =	srdreg.scid;
	s3 =	simm.s32 $0x0  }
0x7: {  	s16 =	simm.s32 $0xEA60;
	s17 =	simm.s32 $0x1;
	s9 =	smul.u32 $0x9C4, s1  }
0x8: {  	s18 =	simm.s32 $0x0;
	s10 =	sand.u32 $0x1, s4;
	s5 =	smul.u32 $0xA000, s1  }
0x9: {  	[smem:$0x7FF] =	sst s3;
	s31 =	sshll.u32 s1, $0x6;
	s4 =	smul.u32 $0xA0000, s10  }
0xa: {  	_ =	strace $0x8000004A;
	s13 =	ssub.s32 $0x2, s10;
	p0 =	seq.s32 s10, $0x1  }
0xb: {  	s7 =	sadd.s32 s9, s11;
	s14 =	sshrl.u32 s13, $0x1;
	s15 =	sadd.s32 s5, s2  }
0xc: {  	s6 =	sadd.s32 s6, s9;
	s8 =	sadd.s32 s8, s9;
	s12 =	sadd.s32 s5, s4  }
0xd: {  	s4 =	sadd.s32 $0x5C400, s11;
	s13 =	ssub.s32 s13, s14;
	s5 =	sor.u32 $0x1C02, s31  }
0xe: {  	s7 =	sadd.s32 $0x2600, s7;
	s14 =	simm.s32 $0x34400;
	s12 =	sshrl.u32 s12, $0x3  }
0xf: {  	s14 =	simm.s32 @!p0 $0x48400;
	s10 =	smax.u32 s13, $0x1;
	s13 =	simm.s32 $0x2  }
0x10: {  	s12 =	sadd.s32 s12, s11;
	s11 =	sadd.s32 s14, s11;
	s14 =	simm.s32 $0x4E20  }
0x11: {  	s9 =	sadd.s32 $0x5D800, s12;
	s12 =	sshrl.u32 s15, $0x3;
	s15 =	simm.s32 $0x50  }
.LBB2_1:
0x12: {  	[spmem:s12], [sflag:s5] =	dma.local [hbm:s4], $0x1400  }
0x13: {  	_ =	swait.ge [sflag:s13], $0x1400  }
0x14: {  	[sflag:s13] =	ssyncset.done $0x0  }
0x15: {  	[sflag:s13] =	ssyncadd.s32 $0xFFFFEC00  }
0x16: {  	[bflag:$0x0] =	sbarrier.arrive $0xFFFF  }
0x17: {  	[tilespmem:s3], [sflag:$0x2] =	stream.linear.gather [hbm4b:s6+s3], $0x4E20, $0x38;
	[tilespmem:$0x19E60] =	vst v63  }
0x18: {  	_ =	swait.ge [sflag:s13], $0x4E20  }
0x19: {  	[sflag:s13] =	ssyncset.done $0x0  }
0x1a: {  	[sflag:s13] =	ssyncadd.s32 $0xFFFFB1E0  }
0x1b: {  	[tilespmem:s14], [sflag:$0x2] =	stream.linear.gather [hbm4b:s7+s3], $0x4E20, $0x38;
	[tilespmem:$0x19E60] =	vst v63  }
0x1c: {  	_ =	swait.ge [sflag:s13], $0x4E20  }
0x1d: {  	[sflag:s13] =	ssyncset.done $0x0  }
0x1e: {  	s19 =	simm.s32 $0x9C40;
	[sflag:s13] =	ssyncadd.s32 $0xFFFFB1E0  }
0x1f: {  	[tilespmem:s19], [sflag:$0x2] =	stream.linear.gather [hbm4b:s8+s3], $0x4E20, $0x38;
	[tilespmem:$0x19E60] =	vst v63  }
0x20: {  	_ =	swait.ge [sflag:s13], $0x4E20  }
0x21: {  	[sflag:s13] =	ssyncset.done $0x0  }
0x22: {  	s20 =	simm.s32 $0x0;
	[sflag:s13] =	ssyncadd.s32 $0xFFFFB1E0  }
.LBB2_2:
0x23: {  	s21 =	smul.u32 $0x140, s20;
	_ =	sdelay $0x1  }
0x24: {  	s21 =	sshra.s32 s21, $0x2  }
0x25: {  	v0 =	vmov s19;
	[tilespmem:s16], [sflag:$0x1] =	stream.indirect.gather [hbm4b:s11+s15], $0x40, s21, s15, $0xb8;
	[tilespmem:$0x19E60] =	vst v63  }
0x26: {  	_ =	swait.ge [sflag:s17], $0x1400  }
0x27: {  	[sflag:s17] =	ssyncset.done $0x0  }
0x28: {  	s22 =	simm.s32 $0x0;
	s23 =	simm.s32 $0xEC60;
	[sflag:s17] =	ssyncadd.s32 $0xFFFFEC00  }
.LBB2_3:
0x29: {  	s24 =	sshra.s32 s22, $0x2  }
0x2a: {  	v1 =	vld.idx.msk [tilespmem:v0+s24+$0x0 ss:$0x1], $0xffff;
	_ =	sdelay $0x1  }
0x2b: {  	v2 =	vld [tilespmem:s23+$0xFFFFFE00];
	_ =	sdelay $0x2  }
0x2c: {  	v3 =	vbroadcast v1, $0x0;
	_ =	sdelay $0x1  }
0x2d: {  	v2 =	vmul.f32 v3, v2;
	_ =	sdelay $0x1  }
0x2e: {  	[tilespmem:s23+$0xFFFFFE00] =	vst v2;
	v2 =	vld [tilespmem:s23+$0xFFFFFE10];
	_ =	sdelay $0x4  }
0x2f: {  	v2 =	vmul.f32 v2, v3;
	_ =	sdelay $0x1  }
0x30: {  	[tilespmem:s23+$0xFFFFFE10] =	vst v2;
	v2 =	vld [tilespmem:s23+$0xFFFFFE20];
	_ =	sdelay $0x4  }
0x31: {  	v2 =	vmul.f32 v2, v3;
	_ =	sdelay $0x1  }
0x32: {  	[tilespmem:s23+$0xFFFFFE20] =	vst v2;
	v2 =	vld [tilespmem:s23+$0xFFFFFE30];
	_ =	sdelay $0x4  }
0x33: {  	v2 =	vmul.f32 v2, v3;
	_ =	sdelay $0x1  }
0x34: {  	[tilespmem:s23+$0xFFFFFE30] =	vst v2;
	v2 =	vld [tilespmem:s23+$0xFFFFFE40];
	_ =	sdelay $0x2  }
0x35: {  	v3 =	vbroadcast v1, $0x1;
	_ =	sdelay $0x1  }
0x36: {  	v2 =	vmul.f32 v2, v3;
	_ =	sdelay $0x1  }
0x37: {  	[tilespmem:s23+$0xFFFFFE40] =	vst v2;
	v2 =	vld [tilespmem:s23+$0xFFFFFE50];
	_ =	sdelay $0x4  }
0x38: {  	v2 =	vmul.f32 v2, v3;
	_ =	sdelay $0x1  }
0x39: {  	[tilespmem:s23+$0xFFFFFE50] =	vst v2;
	v2 =	vld [tilespmem:s23+$0xFFFFFE60];
	_ =	sdelay $0x4  }
0x3a: {  	v2 =	vmul.f32 v2, v3;
	_ =	sdelay $0x1  }
0x3b: {  	[tilespmem:s23+$0xFFFFFE60] =	vst v2;
	v2 =	vld [tilespmem:s23+$0xFFFFFE70];
	_ =	sdelay $0x4  }
0x3c: {  	v2 =	vmul.f32 v2, v3;
	_ =	sdelay $0x1  }
0x3d: {  	[tilespmem:s23+$0xFFFFFE70] =	vst v2;
	v2 =	vld [tilespmem:s23+$0xFFFFFE80];
	_ =	sdelay $0x2  }
0x3e: {  	v3 =	vbroadcast v1, $0x2;
	_ =	sdelay $0x1  }
0x3f: {  	v2 =	vmul.f32 v2, v3;
	_ =	sdelay $0x1  }
0x40: {  	[tilespmem:s23+$0xFFFFFE80] =	vst v2;
	v2 =	vld [tilespmem:s23+$0xFFFFFE90];
	_ =	sdelay $0x4  }
0x41: {  	v2 =	vmul.f32 v2, v3;
	_ =	sdelay $0x1  }
0x42: {  	[tilespmem:s23+$0xFFFFFE90] =	vst v2;
	v2 =	vld [tilespmem:s23+$0xFFFFFEA0];
	_ =	sdelay $0x4  }
0x43: {  	v2 =	vmul.f32 v2, v3;
	_ =	sdelay $0x1  }
0x44: {  	[tilespmem:s23+$0xFFFFFEA0] =	vst v2;
	v2 =	vld [tilespmem:s23+$0xFFFFFEB0];
	_ =	sdelay $0x4  }
0x45: {  	v2 =	vmul.f32 v2, v3;
	_ =	sdelay $0x1  }
0x46: {  	[tilespmem:s23+$0xFFFFFEB0] =	vst v2;
	v2 =	vld [tilespmem:s23+$0xFFFFFEC0];
	_ =	sdelay $0x2  }
0x47: {  	v3 =	vbroadcast v1, $0x3;
	_ =	sdelay $0x1  }
0x48: {  	v2 =	vmul.f32 v2, v3;
	_ =	sdelay $0x1  }
0x49: {  	[tilespmem:s23+$0xFFFFFEC0] =	vst v2;
	v2 =	vld [tilespmem:s23+$0xFFFFFED0];
	_ =	sdelay $0x4  }
0x4a: {  	v2 =	vmul.f32 v2, v3;
	_ =	sdelay $0x1  }
0x4b: {  	[tilespmem:s23+$0xFFFFFED0] =	vst v2;
	v2 =	vld [tilespmem:s23+$0xFFFFFEE0];
	_ =	sdelay $0x4  }
0x4c: {  	v2 =	vmul.f32 v2, v3;
	_ =	sdelay $0x1  }
0x4d: {  	[tilespmem:s23+$0xFFFFFEE0] =	vst v2;
	v2 =	vld [tilespmem:s23+$0xFFFFFEF0];
	_ =	sdelay $0x4  }
0x4e: {  	v2 =	vmul.f32 v2, v3;
	_ =	sdelay $0x1  }
0x4f: {  	[tilespmem:s23+$0xFFFFFEF0] =	vst v2;
	v2 =	vld [tilespmem:s23+$0xFFFFFF00];
	_ =	sdelay $0x2  }
0x50: {  	v3 =	vbroadcast v1, $0x4;
	_ =	sdelay $0x1  }
0x51: {  	v2 =	vmul.f32 v2, v3;
	_ =	sdelay $0x1  }
0x52: {  	[tilespmem:s23+$0xFFFFFF00] =	vst v2;
	v2 =	vld [tilespmem:s23+$0xFFFFFF10];
	_ =	sdelay $0x4  }
0x53: {  	v2 =	vmul.f32 v2, v3;
	_ =	sdelay $0x1  }
0x54: {  	[tilespmem:s23+$0xFFFFFF10] =	vst v2;
	v2 =	vld [tilespmem:s23+$0xFFFFFF20];
	_ =	sdelay $0x4  }
0x55: {  	v2 =	vmul.f32 v2, v3;
	_ =	sdelay $0x1  }
0x56: {  	[tilespmem:s23+$0xFFFFFF20] =	vst v2;
	v2 =	vld [tilespmem:s23+$0xFFFFFF30];
	_ =	sdelay $0x4  }
0x57: {  	v2 =	vmul.f32 v2, v3;
	_ =	sdelay $0x1  }
0x58: {  	[tilespmem:s23+$0xFFFFFF30] =	vst v2;
	v2 =	vld [tilespmem:s23+$0xFFFFFF40];
	_ =	sdelay $0x2  }
0x59: {  	v3 =	vbroadcast v1, $0x5;
	_ =	sdelay $0x1  }
0x5a: {  	v2 =	vmul.f32 v2, v3;
	_ =	sdelay $0x1  }
0x5b: {  	[tilespmem:s23+$0xFFFFFF40] =	vst v2;
	v2 =	vld [tilespmem:s23+$0xFFFFFF50];
	_ =	sdelay $0x4  }
0x5c: {  	v2 =	vmul.f32 v2, v3;
	_ =	sdelay $0x1  }
0x5d: {  	[tilespmem:s23+$0xFFFFFF50] =	vst v2;
	v2 =	vld [tilespmem:s23+$0xFFFFFF60];
	_ =	sdelay $0x4  }
0x5e: {  	v2 =	vmul.f32 v2, v3;
	_ =	sdelay $0x1  }
0x5f: {  	[tilespmem:s23+$0xFFFFFF60] =	vst v2;
	v2 =	vld [tilespmem:s23+$0xFFFFFF70];
	_ =	sdelay $0x4  }
0x60: {  	v2 =	vmul.f32 v2, v3;
	_ =	sdelay $0x1  }
0x61: {  	[tilespmem:s23+$0xFFFFFF70] =	vst v2;
	v2 =	vld [tilespmem:s23+$0xFFFFFF80];
	_ =	sdelay $0x2  }
0x62: {  	v3 =	vbroadcast v1, $0x6;
	_ =	sdelay $0x1  }
0x63: {  	v2 =	vmul.f32 v2, v3;
	_ =	sdelay $0x1  }
0x64: {  	[tilespmem:s23+$0xFFFFFF80] =	vst v2;
	v2 =	vld [tilespmem:s23+$0xFFFFFF90];
	_ =	sdelay $0x4  }
0x65: {  	v2 =	vmul.f32 v2, v3;
	_ =	sdelay $0x1  }
0x66: {  	[tilespmem:s23+$0xFFFFFF90] =	vst v2;
	v2 =	vld [tilespmem:s23+$0xFFFFFFA0];
	_ =	sdelay $0x4  }
0x67: {  	v2 =	vmul.f32 v2, v3;
	_ =	sdelay $0x1  }
0x68: {  	[tilespmem:s23+$0xFFFFFFA0] =	vst v2;
	v2 =	vld [tilespmem:s23+$0xFFFFFFB0];
	_ =	sdelay $0x4  }
0x69: {  	v2 =	vmul.f32 v2, v3;
	_ =	sdelay $0x1  }
0x6a: {  	[tilespmem:s23+$0xFFFFFFB0] =	vst v2;
	v2 =	vld [tilespmem:s23+$0xFFFFFFC0];
	_ =	sdelay $0x2  }
0x6b: {  	v3 =	vbroadcast v1, $0x7;
	_ =	sdelay $0x1  }
0x6c: {  	v2 =	vmul.f32 v2, v3;
	_ =	sdelay $0x1  }
0x6d: {  	[tilespmem:s23+$0xFFFFFFC0] =	vst v2;
	v2 =	vld [tilespmem:s23+$0xFFFFFFD0];
	_ =	sdelay $0x4  }
0x6e: {  	v2 =	vmul.f32 v2, v3;
	_ =	sdelay $0x1  }
0x6f: {  	[tilespmem:s23+$0xFFFFFFD0] =	vst v2;
	v2 =	vld [tilespmem:s23+$0xFFFFFFE0];
	_ =	sdelay $0x4  }
0x70: {  	v2 =	vmul.f32 v2, v3;
	_ =	sdelay $0x1  }
0x71: {  	[tilespmem:s23+$0xFFFFFFE0] =	vst v2;
	v2 =	vld [tilespmem:s23+$0xFFFFFFF0];
	_ =	sdelay $0x4  }
0x72: {  	v2 =	vmul.f32 v2, v3;
	_ =	sdelay $0x1  }
0x73: {  	[tilespmem:s23+$0xFFFFFFF0] =	vst v2;
	v2 =	vld [tilespmem:s23+$0x0];
	_ =	sdelay $0x2  }
0x74: {  	v3 =	vbroadcast v1, $0x8;
	_ =	sdelay $0x1  }
0x75: {  	v2 =	vmul.f32 v2, v3;
	_ =	sdelay $0x1  }
0x76: {  	[tilespmem:s23+$0x0] =	vst v2;
	v2 =	vld [tilespmem:s23+$0x10];
	_ =	sdelay $0x4  }
0x77: {  	v2 =	vmul.f32 v2, v3;
	_ =	sdelay $0x1  }
0x78: {  	[tilespmem:s23+$0x10] =	vst v2;
	v2 =	vld [tilespmem:s23+$0x20];
	_ =	sdelay $0x4  }
0x79: {  	v2 =	vmul.f32 v2, v3;
	_ =	sdelay $0x1  }
0x7a: {  	[tilespmem:s23+$0x20] =	vst v2;
	v2 =	vld [tilespmem:s23+$0x30];
	_ =	sdelay $0x4  }
0x7b: {  	v2 =	vmul.f32 v2, v3;
	_ =	sdelay $0x1  }
0x7c: {  	[tilespmem:s23+$0x30] =	vst v2;
	v2 =	vld [tilespmem:s23+$0x40];
	_ =	sdelay $0x2  }
0x7d: {  	v3 =	vbroadcast v1, $0x9;
	_ =	sdelay $0x1  }
0x7e: {  	v2 =	vmul.f32 v2, v3;
	_ =	sdelay $0x1  }
0x7f: {  	[tilespmem:s23+$0x40] =	vst v2;
	v2 =	vld [tilespmem:s23+$0x50];
	_ =	sdelay $0x4  }
0x80: {  	v2 =	vmul.f32 v2, v3;
	_ =	sdelay $0x1  }
0x81: {  	[tilespmem:s23+$0x50] =	vst v2;
	v2 =	vld [tilespmem:s23+$0x60];
	_ =	sdelay $0x4  }
0x82: {  	v2 =	vmul.f32 v2, v3;
	_ =	sdelay $0x1  }
0x83: {  	[tilespmem:s23+$0x60] =	vst v2;
	v2 =	vld [tilespmem:s23+$0x70];
	_ =	sdelay $0x4  }
0x84: {  	v2 =	vmul.f32 v2, v3;
	_ =	sdelay $0x1  }
0x85: {  	[tilespmem:s23+$0x70] =	vst v2;
	v2 =	vld [tilespmem:s23+$0x80];
	_ =	sdelay $0x2  }
0x86: {  	v3 =	vbroadcast v1, $0xA;
	_ =	sdelay $0x1  }
0x87: {  	v2 =	vmul.f32 v2, v3;
	_ =	sdelay $0x1  }
0x88: {  	[tilespmem:s23+$0x80] =	vst v2;
	v2 =	vld [tilespmem:s23+$0x90];
	_ =	sdelay $0x4  }
0x89: {  	v2 =	vmul.f32 v2, v3;
	_ =	sdelay $0x1  }
0x8a: {  	[tilespmem:s23+$0x90] =	vst v2;
	v2 =	vld [tilespmem:s23+$0xA0];
	_ =	sdelay $0x4  }
0x8b: {  	v2 =	vmul.f32 v2, v3;
	_ =	sdelay $0x1  }
0x8c: {  	[tilespmem:s23+$0xA0] =	vst v2;
	v2 =	vld [tilespmem:s23+$0xB0];
	_ =	sdelay $0x4  }
0x8d: {  	v2 =	vmul.f32 v2, v3;
	_ =	sdelay $0x1  }
0x8e: {  	[tilespmem:s23+$0xB0] =	vst v2;
	v2 =	vld [tilespmem:s23+$0xC0];
	_ =	sdelay $0x2  }
0x8f: {  	v3 =	vbroadcast v1, $0xB;
	_ =	sdelay $0x1  }
0x90: {  	v2 =	vmul.f32 v2, v3;
	_ =	sdelay $0x1  }
0x91: {  	[tilespmem:s23+$0xC0] =	vst v2;
	v2 =	vld [tilespmem:s23+$0xD0];
	_ =	sdelay $0x4  }
0x92: {  	v2 =	vmul.f32 v2, v3;
	_ =	sdelay $0x1  }
0x93: {  	[tilespmem:s23+$0xD0] =	vst v2;
	v2 =	vld [tilespmem:s23+$0xE0];
	_ =	sdelay $0x4  }
0x94: {  	v2 =	vmul.f32 v2, v3;
	_ =	sdelay $0x1  }
0x95: {  	[tilespmem:s23+$0xE0] =	vst v2;
	v2 =	vld [tilespmem:s23+$0xF0];
	_ =	sdelay $0x4  }
0x96: {  	v2 =	vmul.f32 v2, v3;
	_ =	sdelay $0x1  }
0x97: {  	[tilespmem:s23+$0xF0] =	vst v2;
	v2 =	vld [tilespmem:s23+$0x100];
	_ =	sdelay $0x2  }
0x98: {  	v3 =	vbroadcast v1, $0xC;
	_ =	sdelay $0x1  }
0x99: {  	v2 =	vmul.f32 v2, v3;
	_ =	sdelay $0x1  }
0x9a: {  	[tilespmem:s23+$0x100] =	vst v2;
	v2 =	vld [tilespmem:s23+$0x110];
	_ =	sdelay $0x4  }
0x9b: {  	v2 =	vmul.f32 v2, v3;
	_ =	sdelay $0x1  }
0x9c: {  	[tilespmem:s23+$0x110] =	vst v2;
	v2 =	vld [tilespmem:s23+$0x120];
	_ =	sdelay $0x4  }
0x9d: {  	v2 =	vmul.f32 v2, v3;
	_ =	sdelay $0x1  }
0x9e: {  	[tilespmem:s23+$0x120] =	vst v2;
	v2 =	vld [tilespmem:s23+$0x130];
	_ =	sdelay $0x4  }
0x9f: {  	v2 =	vmul.f32 v2, v3;
	_ =	sdelay $0x1  }
0xa0: {  	[tilespmem:s23+$0x130] =	vst v2;
	v2 =	vld [tilespmem:s23+$0x140];
	_ =	sdelay $0x2  }
0xa1: {  	v3 =	vbroadcast v1, $0xD;
	_ =	sdelay $0x1  }
0xa2: {  	v2 =	vmul.f32 v2, v3;
	_ =	sdelay $0x1  }
0xa3: {  	[tilespmem:s23+$0x140] =	vst v2;
	v2 =	vld [tilespmem:s23+$0x150];
	_ =	sdelay $0x4  }
0xa4: {  	v2 =	vmul.f32 v2, v3;
	_ =	sdelay $0x1  }
0xa5: {  	[tilespmem:s23+$0x150] =	vst v2;
	v2 =	vld [tilespmem:s23+$0x160];
	_ =	sdelay $0x4  }
0xa6: {  	v2 =	vmul.f32 v2, v3;
	_ =	sdelay $0x1  }
0xa7: {  	[tilespmem:s23+$0x160] =	vst v2;
	v2 =	vld [tilespmem:s23+$0x170];
	_ =	sdelay $0x4  }
0xa8: {  	v2 =	vmul.f32 v2, v3;
	_ =	sdelay $0x1  }
0xa9: {  	[tilespmem:s23+$0x170] =	vst v2;
	v2 =	vld [tilespmem:s23+$0x180];
	_ =	sdelay $0x2  }
0xaa: {  	v3 =	vbroadcast v1, $0xE;
	_ =	sdelay $0x1  }
0xab: {  	v2 =	vmul.f32 v2, v3;
	_ =	sdelay $0x1  }
0xac: {  	[tilespmem:s23+$0x180] =	vst v2;
	v2 =	vld [tilespmem:s23+$0x190];
	_ =	sdelay $0x4  }
0xad: {  	v2 =	vmul.f32 v2, v3;
	_ =	sdelay $0x1  }
0xae: {  	[tilespmem:s23+$0x190] =	vst v2;
	v2 =	vld [tilespmem:s23+$0x1A0];
	_ =	sdelay $0x4  }
0xaf: {  	v2 =	vmul.f32 v2, v3;
	_ =	sdelay $0x1  }
0xb0: {  	[tilespmem:s23+$0x1A0] =	vst v2;
	v2 =	vld [tilespmem:s23+$0x1B0];
	_ =	sdelay $0x4  }
0xb1: {  	v2 =	vmul.f32 v2, v3;
	_ =	sdelay $0x1  }
0xb2: {  	[tilespmem:s23+$0x1B0] =	vst v2;
	v2 =	vld [tilespmem:s23+$0x1C0];
	_ =	sdelay $0x2  }
0xb3: {  	v1 =	vbroadcast v1, $0xF;
	_ =	sdelay $0x1  }
0xb4: {  	v2 =	vmul.f32 v2, v1;
	_ =	sdelay $0x1  }
0xb5: {  	[tilespmem:s23+$0x1C0] =	vst v2;
	v2 =	vld [tilespmem:s23+$0x1D0];
	_ =	sdelay $0x4  }
0xb6: {  	v2 =	vmul.f32 v2, v1;
	_ =	sdelay $0x1  }
0xb7: {  	[tilespmem:s23+$0x1D0] =	vst v2;
	v2 =	vld [tilespmem:s23+$0x1E0];
	_ =	sdelay $0x4  }
0xb8: {  	v2 =	vmul.f32 v2, v1;
	_ =	sdelay $0x1  }
0xb9: {  	[tilespmem:s23+$0x1E0] =	vst v2;
	v2 =	vld [tilespmem:s23+$0x1F0];
	_ =	sdelay $0x1  }
0xba: {  	p0 =	sne.s32 s22, $0x100  }
.Ltmp0:
0xbb: {  	_ = 	snop;
	(pc) =	sbr.rel @p0 .LBB2_3-.Ltmp0, $3  }
0xbc: {  	_ = 	snop  }
0xbd: {  	v1 =	vmul.f32 v2, v1;
	_ =	sdelay $0x1  }
0xbe: {  	s22 =	sadd.s32 $0x40, s22;
	[tilespmem:s23+$0x1F0] =	vst v1;
	s23 =	sadd.s32 $0x400, s23  }
0xbf: {  	s20 =	sadd.s32 $0x1, s20  }
0xc0: {  	p0 =	sne.s32 s20, $0xFA  }
.Ltmp1:
0xc1: {  	s21 =	sadd.s32 $0x4E20, s21;
	(pc) =	sbr.rel @p0 .LBB2_2-.Ltmp1, $4  }
0xc2: {  	[spmem:s2] =	stream.indirect.scatter.add.f32 [tilespmem:s16], [sflag:$0x2], $0x40, s21, s15, $0xb8;
	[tilespmem:$0x19E60] =	vst v63  }
0xc3: {  	_ =	swait.ge [sflag:s13], $0x1400  }
0xc4: {  	[sflag:s13] =	ssyncset.done $0x0  }
0xc5: {  	s19 =	sadd.s32 $0x50, s19;
	[sflag:s13] =	ssyncadd.s32 $0xFFFFEC00  }
0xc6: {  	s18 =	sadd.s32 $0x1, s18  }
0xc7: {  	p0 =	sne.s32 s18, s10  }
.Ltmp2:
0xc8: {  	[bflag:$0x0] =	sbarrier.arrive $0xFFFF;
	(pc) =	sbr.rel @p0 .LBB2_1-.Ltmp2, $4  }
0xc9: {  	[hbm:s9], [sflag:s5] =	dma.local [spmem:s12], $0x1400  }
0xca: {  	_ =	swait.ge [sflag:s13], $0x1400  }
0xcb: {  	[sflag:s13] =	ssyncset.done $0x0  }
0xcc: {  	[sflag:s13] =	ssyncadd.s32 $0xFFFFEC00  }
0xcd: {  	_ =	sfence.sel $0x180000  }
0xce: {  	[bflag:$0x0] =	sbarrier.arrive $0xFFFF  }
0xcf: {  	p0 =	sne.s32 s1, $0x0;
	_ =	strace $0x9000004A  }
0xd0: {  	s0 =	sadd.s32 @!p0 $0x100000, s0;
	[bflag:$0x2] =	sbarrier.arrive $0xFFFF  }
0xd1: {  	[sflag:s0] =	ssyncadd.tile.s32 @!p0 $0x1;
	_ =	shalt  }
.Lfunc_end2:
_tile_overlayer_lowered:
.L_overlay_start_2:
0xd2: {  	(tag) =	ssettag $0x2  }
0xd3: {  	s0 =	rddreg [dreg:$0x0];
	s2 =	stileid.u32  }
0xd4: {  	s1 =	rddreg [dreg:$0x1];
	p0 =	sne.s32 s2, $0x0  }
0xd5: {  	s3 =	rddreg [dreg:$0x2];
	[bflag:$0x3] =	sbarrier.arrive $0xFFFF;
	s2 =	simm.s32 @!p0 $0x1C02  }
0xd6: {  	[timem:s3], [sflag:s2] =	dma.local @!p0 [hbm:s0], s1  }
0xd7: {  	s0 =	simm.s32 @!p0 $0x2  }
0xd8: {  	_ =	swait.ge @!p0 [sflag:s0], s1  }
0xd9: {  	s1 =	ssub.s32 @!p0 $0x0, s1;
	[sflag:s0] =	ssyncset.done @!p0 $0x0  }
0xda: {  	[sflag:s0] =	ssyncadd.s32 @!p0 s1  }
0xdb: {  	[bflag:$0x3] =	sbarrier.arrive $0xFFFF  }
0xdc: {  	_ =	shalt  }

// kernel: kernel.14.cloned.1.call-start
scs
__scs_entry_jumppad:
0x0: {  	(pc) =	sbr.rel $0x88, $3  }
0x1: {  	(tag) =	ssettag $0x0;
	lr =	simm.s32 $0x1  }
0x2: {  	[smem:$0x3F9A] =	sst lr;
	_ =	strace $0xD0000000  }
0x3: {  	_ = 	snop  }
0x4: {  	_ = 	snop  }
0x5: {  	_ = 	snop  }
0x6: {  	_ = 	snop  }
0x7: {  	_ = 	snop  }
__scs_overlays_trampoline_lowered:
0x8: {  	[smem:$0x3FA9] =	sst s0  }
0x9: {  	[smem:$0x3FAA] =	sst s1  }
0xa: {  	[smem:$0x3FAB] =	sst s2  }
0xb: {  	[smem:$0x3FAC] =	sst s3  }
0xc: {  	[smem:$0x3FAD] =	sst s4  }
0xd: {  	[smem:$0x3FAE] =	sst s5  }
0xe: {  	[smem:$0x3FAF] =	sst s6  }
0xf: {  	[smem:$0x3FB0] =	sst s7  }
0x10: {  	[smem:$0x3FB1] =	sst s8  }
0x11: {  	[smem:$0x3FB2] =	sst s9;
	s0 =	simm.s32 @!p0 $0x0  }
0x12: {  	s1 =	sld [smem:$0x3F98];
	s0 =	simm.s32 @p0 $0x1  }
0x13: {  	[smem:$0x3FB3] =	sst s0;
	s0 =	simm.s32 @!p1 $0x0  }
0x14: {  	s2 =	sld [smem:$0x3F97];
	s0 =	simm.s32 @p1 $0x1  }
0x15: {  	[smem:$0x3FB4] =	sst s0;
	s0 =	simm.s32 @!p2 $0x0  }
0x16: {  	s3 =	sld [smem:$0x3FDB];
	s0 =	simm.s32 @p2 $0x1  }
0x17: {  	s4 =	simm.s32 $0x1BF5;
	[smem:$0x3FB6] =	sst s0  }
0x18: {  	s0 =	sld [smem:$0x3F99];
	_ =	swait.ge [sflag:s4], $0x0  }
0x19: {  	s7 =	sld [smem:$0x3F9A]  }
0x1a: {  	s8 =	sadd.s32 $0xFFFFE003, lr  }
0x1b: {  	s9 =	sadd.s32 $0xFFFFFEF7, lr;
	s5 =	simm.s32 $0xFFFFFFFF;
	p2 =	slt.u32 s8, $0xFFFFF086  }
0x1c: {  	p1 =	slt.u32 s9, $0xF7A;
	s5 =	simm.s32 @!p2 $0x0  }
0x1d: {  	s5 =	simm.s32 @p1 $0x1;
	p0 =	seq.s32 s7, s2  }
0x1e: {  	s7 =	smul.u32 @!p0 $0xF7A, s2;
	p2 =	seq.s32 @!p0 s5, $0x0  }
0x1f: {  	s9 =	smul.u32 $0xF7A, s1;
	s8 =	simm.s32 @!p0 $0x1BF5;
	p2 =	por !p2, p0  }
0x20: {  	[sflag:s8] =	ssyncset.s32 @!p0 $0xFFFFF086;
	s6 =	sadd.s32 @!p0 s3, s7;
	s7 =	simm.s32 @!p0 $0x108  }
0x21: {  	s3 =	sadd.s32 s3, s9;
	s6 =	sadd.s32 @!p0 $0x88, s6;
	s7 =	simm.s32 @p2 $0x1082  }
0x22: {  	[simem:s7], [sflag:s8] =	dma.local @!p0 [hbm:s6], $0xF7A  }
0x23: {  	s9 =	sor.u32 $0xD0000000, s2;
	s6 =	simm.s32 $0x108;
	_ =	swait.ge @!p0 [sflag:s8], $0x0  }
0x24: {  	s3 =	sadd.s32 $0x88, s3;
	s6 =	simm.s32 @!p1 $0x1082;
	[sflag:s4] =	ssyncset.s32 $0xFFFFF086  }
0x25: {  	[simem:s6], [sflag:s4] =	dma.local [hbm:s3], $0xF7A  }
0x26: {  	[smem:$0x3F9A] =	sst s1;
	(tag) =	ssettag s2;
	_ =	strace s9  }
0x27: {  	s1 =	sld [smem:$0x3FAA]  }
0x28: {  	s2 =	sld [smem:$0x3FAB]  }
0x29: {  	s4 =	sld [smem:$0x3FAD]  }
0x2a: {  	p0 =	seq.s32 s5, $0x0;
	s5 =	sld [smem:$0x3FAE]  }
0x2b: {  	s6 =	sld [smem:$0x3FAF]  }
0x2c: {  	s7 =	sld [smem:$0x3FB0]  }
0x2d: {  	s3 =	simm.s32 $0x108;
	s8 =	sld [smem:$0x3FB1]  }
0x2e: {  	s3 =	simm.s32 @!p0 $0x1082;
	s9 =	sld [smem:$0x3FB2]  }
0x2f: {  	lr =	sadd.s32 s0, s3;
	s0 =	sld [smem:$0x3FA9]  }
0x30: {  	s3 =	sld [smem:$0x3FAC]  }
0x31: {  	[smem:$0x3FB5] =	sst s10  }
0x32: {  	s10 =	sld [smem:$0x3FB3];
	_ =	sdelay $0x3  }
0x33: {  	p0 =	seq.s32 s10, $0x1;
	s10 =	sld [smem:$0x3FB5];
	_ =	sdelay $0x3  }
0x34: {  	[smem:$0x3FB5] =	sst s10  }
0x35: {  	s10 =	sld [smem:$0x3FB4];
	_ =	sdelay $0x3  }
0x36: {  	p1 =	seq.s32 s10, $0x1;
	s10 =	sld [smem:$0x3FB5];
	_ =	sdelay $0x3  }
0x37: {  	[smem:$0x3FB5] =	sst s10  }
0x38: {  	s10 =	sld [smem:$0x3FB6]  }
0x39: {  	_ = 	snop;
	(pc) =	sbr.ind lr, $3  }
0x3a: {  	_ = 	snop  }
0x3b: {  	_ = 	snop  }
0x3c: {  	p2 =	seq.s32 s10, $0x1;
	s10 =	sld [smem:$0x3FB5]  }
0x3d: {  	_ =	shalt  }
0x3e: {  	_ =	shalt  }
0x3f: {  	_ =	shalt  }
0x40: {  	_ =	shalt  }
0x41: {  	_ =	shalt  }
0x42: {  	_ =	shalt  }
0x43: {  	_ =	shalt  }
0x44: {  	_ =	shalt  }
0x45: {  	_ =	shalt  }
0x46: {  	_ =	shalt  }
0x47: {  	_ =	shalt  }
0x48: {  	_ =	shalt  }
0x49: {  	_ =	shalt  }
0x4a: {  	_ =	shalt  }
0x4b: {  	_ =	shalt  }
0x4c: {  	_ =	shalt  }
0x4d: {  	_ =	shalt  }
0x4e: {  	_ =	shalt  }
0x4f: {  	_ =	shalt  }
0x50: {  	_ =	shalt  }
0x51: {  	_ =	shalt  }
0x52: {  	_ =	shalt  }
0x53: {  	_ =	shalt  }
0x54: {  	_ =	shalt  }
0x55: {  	_ =	shalt  }
0x56: {  	_ =	shalt  }
0x57: {  	_ =	shalt  }
0x58: {  	_ =	shalt  }
0x59: {  	_ =	shalt  }
0x5a: {  	_ =	shalt  }
0x5b: {  	_ =	shalt  }
0x5c: {  	_ =	shalt  }
0x5d: {  	_ =	shalt  }
0x5e: {  	_ =	shalt  }
0x5f: {  	_ =	shalt  }
0x60: {  	_ =	shalt  }
0x61: {  	_ =	shalt  }
0x62: {  	_ =	shalt  }
0x63: {  	_ =	shalt  }
0x64: {  	_ =	shalt  }
0x65: {  	_ =	shalt  }
0x66: {  	_ =	shalt  }
0x67: {  	_ =	shalt  }
0x68: {  	_ =	shalt  }
0x69: {  	_ =	shalt  }
0x6a: {  	_ =	shalt  }
0x6b: {  	_ =	shalt  }
0x6c: {  	_ =	shalt  }
0x6d: {  	_ =	shalt  }
0x6e: {  	_ =	shalt  }
0x6f: {  	_ =	shalt  }
0x70: {  	_ =	shalt  }
0x71: {  	_ =	shalt  }
0x72: {  	_ =	shalt  }
0x73: {  	_ =	shalt  }
0x74: {  	_ =	shalt  }
0x75: {  	_ =	shalt  }
0x76: {  	_ =	shalt  }
0x77: {  	_ =	shalt  }
0x78: {  	_ =	shalt  }
0x79: {  	_ =	shalt  }
0x7a: {  	_ =	shalt  }
0x7b: {  	_ =	shalt  }
0x7c: {  	_ =	shalt  }
0x7d: {  	_ =	shalt  }
0x7e: {  	_ =	shalt  }
0x7f: {  	_ =	shalt  }
0x80: {  	_ =	shalt  }
0x81: {  	_ =	shalt  }
0x82: {  	_ =	shalt  }
0x83: {  	_ =	shalt  }
0x84: {  	_ =	shalt  }
0x85: {  	_ =	shalt  }
0x86: {  	_ =	shalt  }
0x87: {  	_ =	shalt  }
.Lfunc_end0:
.L_simem_size_0:
called_computation.2_lowered:
.L_overlay_start_0:
0x88: {  	s2 =	sld [smem:$0x3FD9]  }
0x89: {  	s3 =	sld [smem:$0x3FFE];
	_ =	sdelay $0x1  }
0x8a: {  	s1 =	srdreg.scid  }
0x8b: {  	s0 =	sand.u32 $0x1, s1  }
0x8c: {  	s17 =	sshll.u32 s0, $0xA;
	s2 =	sadd.s32 s3, s2  }
0x8d: {  	s2 =	sadd.s32 s2, s17  }
0x8e: {  	[smem:$0x3FC1] =	sst s2  }
0x8f: {  	_ = 	snop  }
0x90: {  	s2 =	sld [smem:$0x3FC7]  }
0x91: {  	s18 =	sld [smem:$0x3FD0];
	(tm) =	ssettm $0x1  }
0x92: {  	s4 =	sld [smem:$0x3FFB];
	_ =	sdelay $0x3  }
0x93: {  	_ =	strace s4  }
0x94: {  	s4 =	sld [smem:$0x3FFC];
	_ =	sdelay $0x3  }
0x95: {  	_ =	strace s4  }
0x96: {  	s4 =	sld [smem:$0x3FFD];
	_ =	sdelay $0x3  }
0x97: {  	_ =	strace s4  }
0x98: {  	_ =	strace $0x8FFFFFFF  }
0x99: {  	s19 =	sld [smem:$0x3FDB];
	_ =	sdelay $0x1  }
0x9a: {  	s5 =	simm.s32 $_scs_section_size  }
0x9b: {  	s6 =	simm.s32 $_size__tile_overlayer_lowered;
	s7 =	simm.s32 $_tile_overlayer_lowered  }
0x9c: {  	s22 =	simm.s32 $0x1BFF;
	s21 =	sshll.u32 s7, $0x1;
	s4 =	sadd.s32 s5, s19  }
0x9d: {  	s8 =	simm.s32 $0x0;
	s20 =	sshll.u32 s6, $0x1;
	s6 =	sadd.s32 s21, s4  }
0x9e: {  	[timem:s8], [sflag:s22] =	dma.local [hbm:s6], s20  }
0x9f: {  	_ =	swait.ge [sflag:s22], s20  }
0xa0: {  	s5 =	ssub.s32 $0x0, s20;
	[sflag:s22] =	ssyncset.done $0x0  }
0xa1: {  	[sflag:s22] =	ssyncadd.s32 s5;
	_ =	sdelay $0x1  }
0xa2: {  	s23 =	simm.s32 $0x1B8B  }
0xa3: {  	_ =	swait.ge [sflag:s23], $0x1  }
0xa4: {  	[sflag:s23] =	ssyncset.done $0x0  }
0xa5: {  	s25 =	simm.s32 $0x1B8E;
	s24 =	sld [smem:$0x3FFE];
	[sflag:s23] =	ssyncadd.s32 $0xFFFFFFFF  }
0xa6: {  	s26 =	simm.s32 $execute0_lowered;
	[smem:$0x3FD2] =	sst s25  }
0xa7: {  	s6 =	sshll.u32 s26, $0x1;
	_ =	strace $0x8000004C;
	[dreg:$0x1] =	wrdreg $0xFFFFFFFF  }
0xa8: {  	s28 =	simm.s32 $_size_execute0_lowered;
	s4 =	sadd.s32 s4, s6;
	[dreg:$0x0] =	wrdreg $0x0  }
0xa9: {  	s6 =	sshll.u32 s28, $0x1;
	[dreg:$0x2] =	wrdreg s4  }
0xaa: {  	[dreg:$0x3] =	wrdreg s6  }
0xab: {  	[dreg:$0x4] =	wrdreg $0xC0  }
0xac: {  	_ =	task [dreg:s8], $0x5FFFF  }
0xad: {  	[dreg:$0x1] =	wrdreg $0xFFFFFFFF  }
0xae: {  	[dreg:$0x0] =	wrdreg $0x60  }
0xaf: {  	[dreg:$0x2] =	wrdreg s24  }
0xb0: {  	[dreg:$0x3] =	wrdreg s18  }
0xb1: {  	[dreg:$0x4] =	wrdreg s2  }
0xb2: {  	[dreg:$0x5] =	wrdreg $0x84300  }
0xb3: {  	[dreg:$0x6] =	wrdreg $0x9  }
0xb4: {  	_ =	task.clear_ibuf [dreg:s8], $0x7FFFF;
	_ =	strace $0x9000004C  }
0xb5: {  	s29 =	simm.s32 $0x9;
	_ =	strace $0x8000004E  }
0xb6: {  	_ =	swait.ge [sflag:s29], $0x1  }
0xb7: {  	[sflag:s29] =	ssyncadd.s32 $0xFFFFFFFF  }
0xb8: {  	_ =	strace $0x9000004E  }
0xb9: {  	_ =	sfence  }
0xba: {  	s30 =	sld [smem:$0x0];
	_ =	sdelay $0x2  }
0xbb: {  	s31 =	sshll.u32 s1, $0xD;
	s1 =	sshrl.u32 s1, $0x2  }
0xbc: {  	s3 =	sand.u32 $0x4000, s31;
	s1 =	sadd.s32 s1, s30  }
0xbd: {  	s0 =	sor.u32 s3, s0;
	s1 =	sshll.u32 s1, $0x11  }
0xbe: {  	s0 =	sor.u32 s1, s0  }
0xbf: {  	s0 =	sadd.s32 $0x8F2B, s0  }
0xc0: {  	[sflag:s0] =	ssyncadd.remote.s32 $0x1  }
0xc1: {  	_ =	sfence.sel $0xFFFF  }
0xc2: {  	[dreg:$0x0] =	wrdreg $0xFFFFFFFF;
	(pc) =	sbr.abs _section_cstart, $3  }
0xc3: {  	[dreg:$0x1] =	wrdreg $0xFFFFFFFF  }
0xc4: {  	_ =	task.clear_ibuf [dreg:s8], $0x2FFFF;
	_ =	strace $0x9FFFFFFF  }
0xc5: {  	(tm) =	ssettm $0x7FFFFFFF  }
tec
execute0_lowered:
.L_overlay_start_1:
0x0: {  	(tag) =	ssettag $0x1  }
0x1: {  	s6 =	rddreg [dreg:$0x0]  }
0x2: {  	s7 =	rddreg [dreg:$0x1]  }
0x3: {  	s1 =	srdreg.scid;
	s9 =	rddreg [dreg:$0x2]  }
0x4: {  	s0 =	stileid.u32;
	s2 =	rddreg [dreg:$0x3];
	s3 =	simm.s32 $0x0  }
0x5: {  	s17 =	simm.s32 $0x1;
	s18 =	simm.s32 $0x0;
	s8 =	sand.u32 $0x1, s1  }
0x6: {  	s30 =	sshll.u32 s0, $0x1;
	s11 =	smul.u32 $0x7800, s0;
	[smem:$0x7FF] =	sst s3  }
0x7: {  	s4 =	sadd.s32 $0x34400, s6;
	s1 =	sor.u32 s8, s30;
	s5 =	smul.u32 $0x78000, s8  }
0x8: {  	s14 =	sshll.u32 s0, $0x6;
	s8 =	ssub.s32 $0x2, s8;
	s10 =	smul.u32 $0x4E2, s1  }
0x9: {  	s1 =	rddreg [dreg:$0x4];
	_ =	strace $0x8000004D;
	s31 =	sshrl.u32 s8, $0x1  }
0xa: {  	s16 =	sadd.s32 s11, s2;
	s13 =	sadd.s32 s11, s5;
	s5 =	sadd.s32 $0x43400, s6  }
0xb: {  	s15 =	ssub.s32 s8, s31;
	s12 =	sadd.s32 s10, s6;
	s13 =	sshrl.u32 s13, $0x3  }
0xc: {  	s7 =	sadd.s32 s7, s10;
	s9 =	sadd.s32 s9, s10;
	s11 =	smax.u32 s15, $0x1  }
0xd: {  	s15 =	simm.s32 $0x50;
	s13 =	sadd.s32 s13, s6;
	s6 =	sor.u32 $0x1C02, s14  }
0xe: {  	s8 =	sadd.s32 $0x2600, s12;
	s12 =	sshrl.u32 s16, $0x3;
	s14 =	simm.s32 $0x2710  }
0xf: {  	s16 =	simm.s32 $0x7530;
	s10 =	sadd.s32 $0x44400, s13;
	s13 =	simm.s32 $0x2  }
.LBB2_1:
0x10: {  	[spmem:s12], [sflag:s6] =	dma.local [hbm:s5], $0xF00  }
0x11: {  	_ =	swait.ge [sflag:s13], $0xF00  }
0x12: {  	[sflag:s13] =	ssyncset.done $0x0  }
0x13: {  	[sflag:s13] =	ssyncadd.s32 $0xFFFFF100  }
0x14: {  	[bflag:$0x0] =	sbarrier.arrive $0xFFFF  }
0x15: {  	[tilespmem:s3], [sflag:$0x2] =	stream.linear.gather [hbm4b:s7+s3], $0x2710, $0x38;
	[tilespmem:$0xFC30] =	vst v63  }
0x16: {  	_ =	swait.ge [sflag:s13], $0x2710  }
0x17: {  	[sflag:s13] =	ssyncset.done $0x0  }
0x18: {  	[sflag:s13] =	ssyncadd.s32 $0xFFFFD8F0  }
0x19: {  	[tilespmem:s14], [sflag:$0x2] =	stream.linear.gather [hbm4b:s8+s3], $0x2710, $0x38;
	[tilespmem:$0xFC30] =	vst v63  }
0x1a: {  	_ =	swait.ge [sflag:s13], $0x2710  }
0x1b: {  	[sflag:s13] =	ssyncset.done $0x0  }
0x1c: {  	s19 =	simm.s32 $0x4E20;
	[sflag:s13] =	ssyncadd.s32 $0xFFFFD8F0  }
0x1d: {  	[tilespmem:s19], [sflag:$0x2] =	stream.linear.gather [hbm4b:s9+s3], $0x2710, $0x38;
	[tilespmem:$0xFC30] =	vst v63  }
0x1e: {  	_ =	swait.ge [sflag:s13], $0x2710  }
0x1f: {  	[sflag:s13] =	ssyncset.done $0x0  }
0x20: {  	s20 =	simm.s32 $0x0;
	[sflag:s13] =	ssyncadd.s32 $0xFFFFD8F0  }
.LBB2_2:
0x21: {  	s21 =	smul.u32 $0x50, s20;
	_ =	sdelay $0x1  }
0x22: {  	[tilespmem:s16], [sflag:$0x1] =	stream.indirect.gather [hbm4b:s4+s15], $0x30, s21, s15, $0xb8;
	[tilespmem:$0xFC30] =	vst v63  }
0x23: {  	_ =	swait.ge [sflag:s17], $0xF00  }
0x24: {  	[sflag:s17] =	ssyncset.done $0x0  }
0x25: {  	s22 =	simm.s32 $0x76B0;
	[sflag:s17] =	ssyncadd.s32 $0xFFFFF100  }
0x26: {  	v11 =	vld [tilespmem:s22+$0x160]  }
0x27: {  	v0 =	vld [tilespmem:s22+$0xFFFFFFF0]  }
0x28: {  	v1 =	vld [tilespmem:s22+$0xFFFFFEA0]  }
0x29: {  	v2 =	vld [tilespmem:s22+$0xFFFFFFA0]  }
0x2a: {  	v15 =	vld [tilespmem:s22+$0xFFFFFE90]  }
0x2b: {  	v19 =	vld [tilespmem:s22+$0x90]  }
0x2c: {  	v17 =	vld [tilespmem:s22+$0xFFFFFEE0]  }
0x2d: {  	v26 =	vld [tilespmem:s22+$0x150]  }
0x2e: {  	v4 =	vld [tilespmem:s22+$0x0]  }
0x2f: {  	v12 =	vld [tilespmem:s22+$0xB0]  }
0x30: {  	v16 =	vld [tilespmem:s22+$0xFFFFFFB0]  }
0x31: {  	v20 =	vld [tilespmem:s22+$0xFFFFFEF0]  }
0x32: {  	v6 =	vmov s19;
	v21 =	vld [tilespmem:s22+$0x120]  }
0x33: {  	v25 =	vld [tilespmem:s22+$0x170]  }
0x34: {  	v18 =	vld [tilespmem:s22+$0x70]  }
0x35: {  	v27 =	vld [tilespmem:s22+$0xFFFFFF00]  }
0x36: {  	s23 =	simm.s32 $0x0;
	v7 =	vld [tilespmem:s22+$0xFFFFFFC0]  }
0x37: {  	v13 =	vld.idx.msk [tilespmem:v6+s23+$0x0 ss:$0x1], $0xffff  }
0x38: {  	v23 =	vld [tilespmem:s22+$0x140]  }
0x39: {  	v3 =	vld [tilespmem:s22+$0x60]  }
0x3a: {  	v9 =	vld [tilespmem:s22+$0xFFFFFE80]  }
0x3b: {  	v10 =	vld [tilespmem:s22+$0x10]  }
0x3c: {  	v14 =	vld [tilespmem:s22+$0xFFFFFF90]  }
0x3d: {  	v29 =	vld [tilespmem:s22+$0x100];
	v5 =	vbroadcast v13, $0x0;
	v22 =	vbroadcast v13, $0xF  }
0x3e: {  	v28 =	vld [tilespmem:s22+$0x110];
	v24 =	vbroadcast v13, $0x2;
	v8 =	vbroadcast v13, $0xE  }
0x3f: {  	v32 =	vmul.f32 v5, v9;
	v9 =	vld [tilespmem:s22+$0xFFFFFF20];
	v31 =	vmul.f32 v26, v22  }
0x40: {  	s24 =	simm.s32 $0x76B0;
	s23 =	simm.s32 $0x40;
	v30 =	vmul.f32 v17, v24;
	v17 =	vld [tilespmem:s22+$0xFFFFFF40];
	v26 =	vbroadcast v13, $0xD  }
.LBB2_3:
0x41: {  	p0 =	sne.s32 s23, $0x100  }
0x42: {  	[tilespmem:s22+$0xFFFFFE80] =	vst v32;
	v27 =	vmul.f32 v27, v24;
	v32 =	vld [tilespmem:s22+$0xFFFFFF50];
	v25 =	vmul.f32 v25, v22;
	s24 =	sadd.s32 $0x300, s24;
	s25 =	smov.u32 s23;
	s23 =	sadd.s32 $0x40, s23  }
0x43: {  	v33 =	vbroadcast v13, $0xB;
	v34 =	vld [tilespmem:s22+$0xF0];
	v29 =	vmul.f32 v29, v26;
	[tilespmem:s22+$0x150] =	vst v31  }
0x44: {  	v31 =	vld [tilespmem:s22+$0xFFFFFEC0];
	[tilespmem:s22+$0xFFFFFEE0] =	vst v30;
	v30 =	vbroadcast v13, $0x6;
	v28 =	vmul.f32 v28, v26  }
0x45: {  	v21 =	vmul.f32 v21, v8;
	v23 =	vmul.f32 v23, v8;
	v35 =	vld [tilespmem:s22+$0x80];
	[tilespmem:s22+$0x100] =	vst v29  }
0x46: {  	v36 =	vbroadcast v13, $0xA;
	v19 =	vmul.f32 v19, v33;
	v29 =	vld [tilespmem:s22+$0xFFFFFED0];
	[tilespmem:s22+$0x170] =	vst v25  }
0x47: {  	v11 =	vmul.f32 v11, v22;
	v25 =	vbroadcast v13, $0x1;
	[tilespmem:s22+$0xFFFFFF00] =	vst v27;
	v27 =	vld [tilespmem:s22+$0xC0]  }
0x48: {  	v20 =	vmul.f32 v20, v24;
	[tilespmem:s22+$0x90] =	vst v19;
	v19 =	vmul.f32 v34, v26;
	v22 =	vld [tilespmem:s22+$0x130]  }
0x49: {  	v26 =	vbroadcast v13, $0x5;
	v24 =	vmul.f32 v31, v25;
	v31 =	vld [tilespmem:s22+$0xD0];
	[tilespmem:s22+$0x120] =	vst v21  }
0x4a: {  	v15 =	vmul.f32 v15, v5;
	v21 =	vld [tilespmem:s22+$0x30];
	v34 =	vmul.f32 v35, v36;
	[tilespmem:s22+$0x110] =	vst v28  }
0x4b: {  	v28 =	vmul.f32 v29, v25;
	v29 =	vbroadcast v13, $0x3;
	v35 =	vld [tilespmem:s22+$0xE0];
	[tilespmem:s22+$0x140] =	vst v23  }
0x4c: {  	v18 =	vmul.f32 v18, v36;
	v23 =	vbroadcast v13, $0xC;
	[tilespmem:s22+$0xFFFFFEF0] =	vst v20;
	v20 =	vld [tilespmem:s22+$0xFFFFFF70]  }
0x4d: {  	v37 =	vbroadcast v13, $0x8;
	v16 =	vmul.f32 v16, v30;
	[tilespmem:s22+$0xFFFFFE90] =	vst v15;
	v15 =	vld [tilespmem:s22+$0xFFFFFF60]  }
0x4e: {  	v39 =	vbroadcast v13, $0x7;
	v38 =	vld [tilespmem:s22+$0xFFFFFEB0];
	[tilespmem:s22+$0x70] =	vst v18;
	v18 =	vmul.f32 v27, v23  }
0x4f: {  	v27 =	vbroadcast v13, $0x9;
	v31 =	vmul.f32 v31, v23;
	[tilespmem:s22+$0xFFFFFFB0] =	vst v16;
	v16 =	vld [tilespmem:s22+$0xFFFFFFD0]  }
0x50: {  	v13 =	vbroadcast v13, $0x4;
	v40 =	vld [tilespmem:s22+$0xFFFFFF80];
	v23 =	vmul.f32 v35, v23;
	[tilespmem:s22+$0xF0] =	vst v19  }
0x51: {  	v12 =	vmul.f32 v12, v33;
	v19 =	vmul.f32 v21, v27;
	v21 =	vld [tilespmem:s22+$0xA0];
	[tilespmem:s22+$0x160] =	vst v11  }
0x52: {  	v17 =	vmul.f32 v17, v13;
	v11 =	vmul.f32 v32, v13;
	v32 =	vld [tilespmem:s22+$0x50];
	[tilespmem:s22+$0xC0] =	vst v18  }
0x53: {  	v13 =	vmul.f32 v15, v13;
	v35 =	vmul.f32 v38, v25;
	[tilespmem:s22+$0x30] =	vst v19;
	v15 =	vld [tilespmem:s22+$0x40]  }
0x54: {  	v18 =	vmul.f32 v20, v26;
	v16 =	vmul.f32 v16, v39;
	v19 =	vld [tilespmem:s22+$0x20];
	[tilespmem:s22+$0x80] =	vst v34  }
0x55: {  	v14 =	vmul.f32 v14, v26;
	v20 =	vld [tilespmem:s22+$0xFFFFFF10];
	v34 =	vmul.f32 v40, v26;
	[tilespmem:s22+$0xB0] =	vst v12  }
0x56: {  	v4 =	vmul.f32 v4, v37;
	[tilespmem:s22+$0xFFFFFF50] =	vst v11;
	v12 =	vld [tilespmem:s22+$0xFFFFFFE0];
	v21 =	vmul.f32 v21, v33  }
0x57: {  	v10 =	vmul.f32 v10, v37;
	v7 =	vmul.f32 v7, v30;
	v11 =	vld [tilespmem:s24+$0x160];
	[tilespmem:s22+$0xFFFFFEC0] =	vst v24  }
0x58: {  	v26 =	vmul.f32 v32, v27;
	v24 =	vld [tilespmem:s22+$0xFFFFFF30];
	[tilespmem:s22+$0xFFFFFF40] =	vst v17;
	v17 =	vmul.f32 v15, v27  }
0x59: {  	v8 =	vmul.f32 v22, v8;
	[tilespmem:s22+$0xFFFFFED0] =	vst v28;
	v25 =	vmul.f32 v19, v37  }
0x5a: {  	v9 =	vmul.f32 v9, v29;
	v20 =	vmul.f32 v20, v29;
	[tilespmem:s22+$0x0] =	vst v4  }
0x5b: {  	v4 =	vmul.f32 v0, v39;
	v22 =	vmul.f32 v12, v39;
	[tilespmem:s22+$0xD0] =	vst v31  }
0x5c: {  	v0 =	vmul.f32 v2, v30;
	v2 =	vmul.f32 v3, v36;
	[tilespmem:s22+$0xFFFFFF90] =	vst v14  }
0x5d: {  	v1 =	vmul.f32 v1, v5;
	v3 =	vmul.f32 v24, v29;
	[tilespmem:s22+$0xFFFFFFC0] =	vst v7  }
0x5e: {  	[tilespmem:s22+$0x10] =	vst v10  }
0x5f: {  	[tilespmem:s22+$0xFFFFFFA0] =	vst v0  }
0x60: {  	[tilespmem:s22+$0xFFFFFEA0] =	vst v1  }
0x61: {  	[tilespmem:s22+$0xFFFFFF30] =	vst v3  }
0x62: {  	v0 =	vld [tilespmem:s24+$0xFFFFFFF0];
	[tilespmem:s22+$0xFFFFFF20] =	vst v9  }
0x63: {  	v1 =	vld [tilespmem:s24+$0xFFFFFEA0];
	[tilespmem:s22+$0x60] =	vst v2  }
0x64: {  	v2 =	vld [tilespmem:s24+$0xFFFFFFA0];
	[tilespmem:s22+$0xFFFFFFF0] =	vst v4  }
0x65: {  	v15 =	vld [tilespmem:s24+$0xFFFFFE90];
	[tilespmem:s22+$0x130] =	vst v8  }
0x66: {  	v19 =	vld [tilespmem:s24+$0x90];
	[tilespmem:s22+$0xA0] =	vst v21  }
0x67: {  	v30 =	vld [tilespmem:s24+$0xFFFFFEE0];
	[tilespmem:s22+$0xFFFFFF70] =	vst v18  }
0x68: {  	v31 =	vld [tilespmem:s24+$0x150];
	[tilespmem:s22+$0xE0] =	vst v23  }
0x69: {  	v4 =	vld [tilespmem:s24+$0x0];
	[tilespmem:s22+$0xFFFFFF10] =	vst v20  }
0x6a: {  	v12 =	vld [tilespmem:s24+$0xB0];
	[tilespmem:s22+$0xFFFFFFD0] =	vst v16  }
0x6b: {  	v16 =	vld [tilespmem:s24+$0xFFFFFFB0];
	[tilespmem:s22+$0xFFFFFFE0] =	vst v22  }
0x6c: {  	v20 =	vld [tilespmem:s24+$0xFFFFFEF0];
	[tilespmem:s22+$0x20] =	vst v25  }
0x6d: {  	v21 =	vld [tilespmem:s24+$0x120];
	[tilespmem:s22+$0xFFFFFF60] =	vst v13  }
0x6e: {  	v25 =	vld [tilespmem:s24+$0x170];
	[tilespmem:s22+$0x50] =	vst v26  }
0x6f: {  	v18 =	vld [tilespmem:s24+$0x70];
	[tilespmem:s22+$0xFFFFFEB0] =	vst v35  }
0x70: {  	v27 =	vld [tilespmem:s24+$0xFFFFFF00];
	[tilespmem:s22+$0xFFFFFF80] =	vst v34  }
0x71: {  	s25 =	sshra.s32 s25, $0x2;
	v7 =	vld [tilespmem:s24+$0xFFFFFFC0];
	[tilespmem:s22+$0x40] =	vst v17;
	s22 =	smov.u32 s24  }
0x72: {  	v13 =	vld.idx.msk [tilespmem:v6+s25+$0x0 ss:$0x1], $0xffff  }
0x73: {  	v23 =	vld [tilespmem:s24+$0x140]  }
0x74: {  	v3 =	vld [tilespmem:s24+$0x60]  }
0x75: {  	v9 =	vld [tilespmem:s24+$0xFFFFFE80]  }
0x76: {  	v10 =	vld [tilespmem:s24+$0x10]  }
.Ltmp0:
0x77: {  	v14 =	vld [tilespmem:s24+$0xFFFFFF90];
	(pc) =	sbr.rel @p0 .LBB2_3-.Ltmp0, $4  }
0x78: {  	v5 =	vbroadcast v13, $0x0;
	v22 =	vbroadcast v13, $0xF;
	v29 =	vld [tilespmem:s24+$0x100]  }
0x79: {  	v24 =	vbroadcast v13, $0x2;
	v8 =	vbroadcast v13, $0xE;
	v28 =	vld [tilespmem:s24+$0x110]  }
0x7a: {  	v31 =	vmul.f32 v31, v22;
	v32 =	vmul.f32 v5, v9;
	v9 =	vld [tilespmem:s24+$0xFFFFFF20]  }
0x7b: {  	v26 =	vbroadcast v13, $0xD;
	v30 =	vmul.f32 v30, v24;
	v17 =	vld [tilespmem:s24+$0xFFFFFF40]  }
0x7c: {  	[tilespmem:s22+$0xFFFFFE80] =	vst v32  }
0x7d: {  	[tilespmem:s22+$0x150] =	vst v31;
	v25 =	vmul.f32 v25, v22  }
0x7e: {  	v27 =	vmul.f32 v27, v24;
	[tilespmem:s22+$0xFFFFFEE0] =	vst v30  }
0x7f: {  	v21 =	vmul.f32 v21, v8;
	[tilespmem:s22+$0x170] =	vst v25  }
0x80: {  	v23 =	vmul.f32 v23, v8;
	[tilespmem:s22+$0xFFFFFF00] =	vst v27  }
0x81: {  	v20 =	vmul.f32 v20, v24;
	[tilespmem:s22+$0x120] =	vst v21  }
0x82: {  	v15 =	vmul.f32 v15, v5;
	[tilespmem:s22+$0x140] =	vst v23  }
0x83: {  	v11 =	vmul.f32 v11, v22;
	[tilespmem:s22+$0xFFFFFEF0] =	vst v20  }
0x84: {  	v31 =	vbroadcast v13, $0xB;
	v1 =	vmul.f32 v1, v5;
	[tilespmem:s22+$0xFFFFFE90] =	vst v15  }
0x85: {  	v6 =	vmul.f32 v29, v26;
	[tilespmem:s22+$0x160] =	vst v11  }
0x86: {  	v50 =	vbroadcast v13, $0x6;
	v19 =	vmul.f32 v19, v31;
	[tilespmem:s22+$0xFFFFFEA0] =	vst v1  }
0x87: {  	v48 =	vmul.f32 v28, v26;
	[tilespmem:s22+$0x100] =	vst v6  }
0x88: {  	v38 =	vbroadcast v13, $0x8;
	v53 =	vmul.f32 v16, v50;
	[tilespmem:s22+$0x90] =	vst v19  }
0x89: {  	v44 =	vld [tilespmem:s22+$0xF0];
	v12 =	vmul.f32 v12, v31;
	[tilespmem:s22+$0x110] =	vst v48  }
0x8a: {  	v47 =	vld [tilespmem:s22+$0xC0];
	v21 =	vbroadcast v13, $0xA;
	v4 =	vmul.f32 v4, v38;
	[tilespmem:s22+$0xFFFFFFB0] =	vst v53  }
0x8b: {  	v51 =	vld [tilespmem:s22+$0x30];
	v60 =	vbroadcast v13, $0x4;
	v2 =	vmul.f32 v2, v50;
	[tilespmem:s22+$0xB0] =	vst v12  }
0x8c: {  	v45 =	vld [tilespmem:s22+$0x80];
	v18 =	vmul.f32 v18, v21;
	[tilespmem:s22+$0x0] =	vst v4  }
0x8d: {  	v49 =	vld [tilespmem:s22+$0xFFFFFF50];
	v55 =	vbroadcast v13, $0xC;
	v17 =	vmul.f32 v17, v60;
	[tilespmem:s22+$0xFFFFFFA0] =	vst v2  }
0x8e: {  	v43 =	vld [tilespmem:s22+$0xFFFFFEC0];
	v15 =	vbroadcast v13, $0x9;
	v54 =	vmul.f32 v44, v26;
	[tilespmem:s22+$0x70] =	vst v18  }
0x8f: {  	v46 =	vld [tilespmem:s22+$0xFFFFFED0];
	v25 =	vmul.f32 v47, v55;
	[tilespmem:s22+$0xFFFFFF40] =	vst v17  }
0x90: {  	v52 =	vld [tilespmem:s22+$0xD0];
	v57 =	vmul.f32 v51, v15;
	[tilespmem:s22+$0xF0] =	vst v54  }
0x91: {  	v62 =	vbroadcast v13, $0x1;
	v59 =	vmul.f32 v45, v21;
	[tilespmem:s22+$0xC0] =	vst v25  }
0x92: {  	v24 =	vmul.f32 v49, v60;
	[tilespmem:s22+$0x30] =	vst v57  }
0x93: {  	v36 =	vmul.f32 v43, v62;
	[tilespmem:s22+$0x80] =	vst v59  }
0x94: {  	v40 =	vbroadcast v13, $0x5;
	v6 =	vmul.f32 v46, v62;
	[tilespmem:s22+$0xFFFFFF50] =	vst v24  }
0x95: {  	v58 =	vld [tilespmem:s22+$0xA0];
	v41 =	vmul.f32 v52, v55;
	[tilespmem:s22+$0xFFFFFEC0] =	vst v36  }
0x96: {  	v35 =	vld [tilespmem:s22+$0x20];
	v43 =	vmul.f32 v14, v40;
	[tilespmem:s22+$0xFFFFFED0] =	vst v6  }
0x97: {  	v39 =	vld [tilespmem:s22+$0xFFFFFF30];
	v44 =	vmul.f32 v7, v50;
	[tilespmem:s22+$0xD0] =	vst v41  }
0x98: {  	v45 =	vmul.f32 v10, v38;
	[tilespmem:s22+$0xFFFFFF90] =	vst v43  }
0x99: {  	v51 =	vmul.f32 v3, v21;
	[tilespmem:s22+$0xFFFFFFC0] =	vst v44  }
0x9a: {  	v56 =	vld [tilespmem:s22+$0xFFFFFF70];
	v46 =	vbroadcast v13, $0x3;
	v53 =	vmul.f32 v58, v31;
	[tilespmem:s22+$0x10] =	vst v45  }
0x9b: {  	v34 =	vld [tilespmem:s22+$0xFFFFFF10];
	v58 =	vmul.f32 v35, v38;
	[tilespmem:s22+$0x60] =	vst v51  }
0x9c: {  	v63 =	vld [tilespmem:s22+$0xFFFFFFD0];
	v49 =	vbroadcast v13, $0x7;
	v48 =	vmul.f32 v39, v46;
	[tilespmem:s22+$0xA0] =	vst v53  }
0x9d: {  	v42 =	vld [tilespmem:s22+$0xFFFFFFE0];
	v50 =	vmul.f32 v9, v46;
	[tilespmem:s22+$0x20] =	vst v58  }
0x9e: {  	v22 =	vld [tilespmem:s22+$0xFFFFFF60];
	v0 =	vmul.f32 v0, v49;
	[tilespmem:s22+$0xFFFFFF30] =	vst v48  }
0x9f: {  	v61 =	vld [tilespmem:s22+$0x50];
	v54 =	vmul.f32 v56, v40;
	[tilespmem:s22+$0xFFFFFF20] =	vst v50  }
0xa0: {  	v33 =	vld [tilespmem:s22+$0xFFFFFEB0];
	v56 =	vmul.f32 v34, v46;
	[tilespmem:s22+$0xFFFFFFF0] =	vst v0  }
0xa1: {  	v37 =	vld [tilespmem:s22+$0xFFFFFF80];
	v57 =	vmul.f32 v63, v49;
	[tilespmem:s22+$0xFFFFFF70] =	vst v54  }
0xa2: {  	v19 =	vld [tilespmem:s22+$0x130];
	v2 =	vmul.f32 v42, v49;
	[tilespmem:s22+$0xFFFFFF10] =	vst v56  }
0xa3: {  	v26 =	vld [tilespmem:s22+$0xE0];
	v59 =	vmul.f32 v22, v60;
	[tilespmem:s22+$0xFFFFFFD0] =	vst v57  }
0xa4: {  	v47 =	vld [tilespmem:s22+$0x40];
	v60 =	vmul.f32 v61, v15;
	[tilespmem:s22+$0xFFFFFFE0] =	vst v2  }
0xa5: {  	v61 =	vmul.f32 v33, v62;
	[tilespmem:s22+$0xFFFFFF60] =	vst v59  }
0xa6: {  	v62 =	vmul.f32 v37, v40;
	[tilespmem:s22+$0x50] =	vst v60  }
0xa7: {  	v52 =	vmul.f32 v19, v8;
	[tilespmem:s22+$0xFFFFFEB0] =	vst v61  }
0xa8: {  	[tilespmem:s22+$0xFFFFFF80] =	vst v62;
	v55 =	vmul.f32 v26, v55  }
0xa9: {  	s20 =	sadd.s32 $0x1, s20;
	v63 =	vmul.f32 v47, v15;
	[tilespmem:s22+$0x130] =	vst v52  }
0xaa: {  	p0 =	sne.s32 s20, $0x7D;
	[tilespmem:s22+$0xE0] =	vst v55  }
.Ltmp1:
0xab: {  	s21 =	sadd.s32 $0x2710, s21;
	[tilespmem:s22+$0x40] =	vst v63;
	(pc) =	sbr.rel @p0 .LBB2_2-.Ltmp1, $4  }
0xac: {  	[spmem:s2] =	stream.indirect.scatter.add.f32 [tilespmem:s16], [sflag:$0x2], $0x30, s21, s15, $0xb8;
	[tilespmem:$0xFC30] =	vst v63  }
0xad: {  	_ =	swait.ge [sflag:s13], $0xF00  }
0xae: {  	[sflag:s13] =	ssyncset.done $0x0  }
0xaf: {  	s19 =	sadd.s32 $0x50, s19;
	[sflag:s13] =	ssyncadd.s32 $0xFFFFF100  }
0xb0: {  	s18 =	sadd.s32 $0x1, s18  }
0xb1: {  	p0 =	sne.s32 s18, s11  }
.Ltmp2:
0xb2: {  	[bflag:$0x0] =	sbarrier.arrive $0xFFFF;
	(pc) =	sbr.rel @p0 .LBB2_1-.Ltmp2, $4  }
0xb3: {  	[hbm:s10], [sflag:s6] =	dma.local [spmem:s12], $0xF00  }
0xb4: {  	_ =	swait.ge [sflag:s13], $0xF00  }
0xb5: {  	[sflag:s13] =	ssyncset.done $0x0  }
0xb6: {  	[sflag:s13] =	ssyncadd.s32 $0xFFFFF100  }
0xb7: {  	_ =	sfence.sel $0x180000  }
0xb8: {  	[bflag:$0x0] =	sbarrier.arrive $0xFFFF  }
0xb9: {  	p0 =	sne.s32 s0, $0x0;
	_ =	strace $0x9000004D  }
0xba: {  	s0 =	sadd.s32 @!p0 $0x100000, s1;
	[bflag:$0x2] =	sbarrier.arrive $0xFFFF  }
0xbb: {  	[sflag:s0] =	ssyncadd.tile.s32 @!p0 $0x1;
	_ =	shalt  }
.Lfunc_end2:
_tile_overlayer_lowered:
.L_overlay_start_2:
0xbc: {  	(tag) =	ssettag $0x2  }
0xbd: {  	s0 =	rddreg [dreg:$0x0];
	s2 =	stileid.u32  }
0xbe: {  	s1 =	rddreg [dreg:$0x1];
	p0 =	sne.s32 s2, $0x0  }
0xbf: {  	s3 =	rddreg [dreg:$0x2];
	[bflag:$0x3] =	sbarrier.arrive $0xFFFF;
	s2 =	simm.s32 @!p0 $0x1C02  }
0xc0: {  	[timem:s3], [sflag:s2] =	dma.local @!p0 [hbm:s0], s1  }
0xc1: {  	s0 =	simm.s32 @!p0 $0x2  }
0xc2: {  	_ =	swait.ge @!p0 [sflag:s0], s1  }
0xc3: {  	s1 =	ssub.s32 @!p0 $0x0, s1;
	[sflag:s0] =	ssyncset.done @!p0 $0x0  }
0xc4: {  	[sflag:s0] =	ssyncadd.s32 @!p0 s1  }
0xc5: {  	[bflag:$0x3] =	sbarrier.arrive $0xFFFF  }
0xc6: {  	_ =	shalt  }

// kernel: kernel.8.cloned.1.call-start
scs
__scs_entry_jumppad:
0x0: {  	(pc) =	sbr.rel $0x88, $3  }
0x1: {  	(tag) =	ssettag $0x0;
	lr =	simm.s32 $0x1  }
0x2: {  	[smem:$0x3F9A] =	sst lr;
	_ =	strace $0xD0000000  }
0x3: {  	_ = 	snop  }
0x4: {  	_ = 	snop  }
0x5: {  	_ = 	snop  }
0x6: {  	_ = 	snop  }
0x7: {  	_ = 	snop  }
__scs_overlays_trampoline_lowered:
0x8: {  	[smem:$0x3FA9] =	sst s0  }
0x9: {  	[smem:$0x3FAA] =	sst s1  }
0xa: {  	[smem:$0x3FAB] =	sst s2  }
0xb: {  	[smem:$0x3FAC] =	sst s3  }
0xc: {  	[smem:$0x3FAD] =	sst s4  }
0xd: {  	[smem:$0x3FAE] =	sst s5  }
0xe: {  	[smem:$0x3FAF] =	sst s6  }
0xf: {  	[smem:$0x3FB0] =	sst s7  }
0x10: {  	[smem:$0x3FB1] =	sst s8  }
0x11: {  	[smem:$0x3FB2] =	sst s9;
	s0 =	simm.s32 @!p0 $0x0  }
0x12: {  	s1 =	sld [smem:$0x3F98];
	s0 =	simm.s32 @p0 $0x1  }
0x13: {  	[smem:$0x3FB3] =	sst s0;
	s0 =	simm.s32 @!p1 $0x0  }
0x14: {  	s2 =	sld [smem:$0x3F97];
	s0 =	simm.s32 @p1 $0x1  }
0x15: {  	[smem:$0x3FB4] =	sst s0;
	s0 =	simm.s32 @!p2 $0x0  }
0x16: {  	s3 =	sld [smem:$0x3FDB];
	s0 =	simm.s32 @p2 $0x1  }
0x17: {  	s4 =	simm.s32 $0x1BF5;
	[smem:$0x3FB6] =	sst s0  }
0x18: {  	s0 =	sld [smem:$0x3F99];
	_ =	swait.ge [sflag:s4], $0x0  }
0x19: {  	s7 =	sld [smem:$0x3F9A]  }
0x1a: {  	s8 =	sadd.s32 $0xFFFFE003, lr  }
0x1b: {  	s9 =	sadd.s32 $0xFFFFFEF7, lr;
	s5 =	simm.s32 $0xFFFFFFFF;
	p2 =	slt.u32 s8, $0xFFFFF086  }
0x1c: {  	p1 =	slt.u32 s9, $0xF7A;
	s5 =	simm.s32 @!p2 $0x0  }
0x1d: {  	s5 =	simm.s32 @p1 $0x1;
	p0 =	seq.s32 s7, s2  }
0x1e: {  	s7 =	smul.u32 @!p0 $0xF7A, s2;
	p2 =	seq.s32 @!p0 s5, $0x0  }
0x1f: {  	s9 =	smul.u32 $0xF7A, s1;
	s8 =	simm.s32 @!p0 $0x1BF5;
	p2 =	por !p2, p0  }
0x20: {  	[sflag:s8] =	ssyncset.s32 @!p0 $0xFFFFF086;
	s6 =	sadd.s32 @!p0 s3, s7;
	s7 =	simm.s32 @!p0 $0x108  }
0x21: {  	s3 =	sadd.s32 s3, s9;
	s6 =	sadd.s32 @!p0 $0x88, s6;
	s7 =	simm.s32 @p2 $0x1082  }
0x22: {  	[simem:s7], [sflag:s8] =	dma.local @!p0 [hbm:s6], $0xF7A  }
0x23: {  	s9 =	sor.u32 $0xD0000000, s2;
	s6 =	simm.s32 $0x108;
	_ =	swait.ge @!p0 [sflag:s8], $0x0  }
0x24: {  	s3 =	sadd.s32 $0x88, s3;
	s6 =	simm.s32 @!p1 $0x1082;
	[sflag:s4] =	ssyncset.s32 $0xFFFFF086  }
0x25: {  	[simem:s6], [sflag:s4] =	dma.local [hbm:s3], $0xF7A  }
0x26: {  	[smem:$0x3F9A] =	sst s1;
	(tag) =	ssettag s2;
	_ =	strace s9  }
0x27: {  	s1 =	sld [smem:$0x3FAA]  }
0x28: {  	s2 =	sld [smem:$0x3FAB]  }
0x29: {  	s4 =	sld [smem:$0x3FAD]  }
0x2a: {  	p0 =	seq.s32 s5, $0x0;
	s5 =	sld [smem:$0x3FAE]  }
0x2b: {  	s6 =	sld [smem:$0x3FAF]  }
0x2c: {  	s7 =	sld [smem:$0x3FB0]  }
0x2d: {  	s3 =	simm.s32 $0x108;
	s8 =	sld [smem:$0x3FB1]  }
0x2e: {  	s3 =	simm.s32 @!p0 $0x1082;
	s9 =	sld [smem:$0x3FB2]  }
0x2f: {  	lr =	sadd.s32 s0, s3;
	s0 =	sld [smem:$0x3FA9]  }
0x30: {  	s3 =	sld [smem:$0x3FAC]  }
0x31: {  	[smem:$0x3FB5] =	sst s10  }
0x32: {  	s10 =	sld [smem:$0x3FB3];
	_ =	sdelay $0x3  }
0x33: {  	p0 =	seq.s32 s10, $0x1;
	s10 =	sld [smem:$0x3FB5];
	_ =	sdelay $0x3  }
0x34: {  	[smem:$0x3FB5] =	sst s10  }
0x35: {  	s10 =	sld [smem:$0x3FB4];
	_ =	sdelay $0x3  }
0x36: {  	p1 =	seq.s32 s10, $0x1;
	s10 =	sld [smem:$0x3FB5];
	_ =	sdelay $0x3  }
0x37: {  	[smem:$0x3FB5] =	sst s10  }
0x38: {  	s10 =	sld [smem:$0x3FB6]  }
0x39: {  	_ = 	snop;
	(pc) =	sbr.ind lr, $3  }
0x3a: {  	_ = 	snop  }
0x3b: {  	_ = 	snop  }
0x3c: {  	p2 =	seq.s32 s10, $0x1;
	s10 =	sld [smem:$0x3FB5]  }
0x3d: {  	_ =	shalt  }
0x3e: {  	_ =	shalt  }
0x3f: {  	_ =	shalt  }
0x40: {  	_ =	shalt  }
0x41: {  	_ =	shalt  }
0x42: {  	_ =	shalt  }
0x43: {  	_ =	shalt  }
0x44: {  	_ =	shalt  }
0x45: {  	_ =	shalt  }
0x46: {  	_ =	shalt  }
0x47: {  	_ =	shalt  }
0x48: {  	_ =	shalt  }
0x49: {  	_ =	shalt  }
0x4a: {  	_ =	shalt  }
0x4b: {  	_ =	shalt  }
0x4c: {  	_ =	shalt  }
0x4d: {  	_ =	shalt  }
0x4e: {  	_ =	shalt  }
0x4f: {  	_ =	shalt  }
0x50: {  	_ =	shalt  }
0x51: {  	_ =	shalt  }
0x52: {  	_ =	shalt  }
0x53: {  	_ =	shalt  }
0x54: {  	_ =	shalt  }
0x55: {  	_ =	shalt  }
0x56: {  	_ =	shalt  }
0x57: {  	_ =	shalt  }
0x58: {  	_ =	shalt  }
0x59: {  	_ =	shalt  }
0x5a: {  	_ =	shalt  }
0x5b: {  	_ =	shalt  }
0x5c: {  	_ =	shalt  }
0x5d: {  	_ =	shalt  }
0x5e: {  	_ =	shalt  }
0x5f: {  	_ =	shalt  }
0x60: {  	_ =	shalt  }
0x61: {  	_ =	shalt  }
0x62: {  	_ =	shalt  }
0x63: {  	_ =	shalt  }
0x64: {  	_ =	shalt  }
0x65: {  	_ =	shalt  }
0x66: {  	_ =	shalt  }
0x67: {  	_ =	shalt  }
0x68: {  	_ =	shalt  }
0x69: {  	_ =	shalt  }
0x6a: {  	_ =	shalt  }
0x6b: {  	_ =	shalt  }
0x6c: {  	_ =	shalt  }
0x6d: {  	_ =	shalt  }
0x6e: {  	_ =	shalt  }
0x6f: {  	_ =	shalt  }
0x70: {  	_ =	shalt  }
0x71: {  	_ =	shalt  }
0x72: {  	_ =	shalt  }
0x73: {  	_ =	shalt  }
0x74: {  	_ =	shalt  }
0x75: {  	_ =	shalt  }
0x76: {  	_ =	shalt  }
0x77: {  	_ =	shalt  }
0x78: {  	_ =	shalt  }
0x79: {  	_ =	shalt  }
0x7a: {  	_ =	shalt  }
0x7b: {  	_ =	shalt  }
0x7c: {  	_ =	shalt  }
0x7d: {  	_ =	shalt  }
0x7e: {  	_ =	shalt  }
0x7f: {  	_ =	shalt  }
0x80: {  	_ =	shalt  }
0x81: {  	_ =	shalt  }
0x82: {  	_ =	shalt  }
0x83: {  	_ =	shalt  }
0x84: {  	_ =	shalt  }
0x85: {  	_ =	shalt  }
0x86: {  	_ =	shalt  }
0x87: {  	_ =	shalt  }
.Lfunc_end0:
.L_simem_size_0:
called_computation_lowered:
.L_overlay_start_0:
0x88: {  	s2 =	sld [smem:$0x3FD9]  }
0x89: {  	s3 =	sld [smem:$0x3FFE];
	_ =	sdelay $0x1  }
0x8a: {  	s1 =	srdreg.scid  }
0x8b: {  	s0 =	sand.u32 $0x1, s1  }
0x8c: {  	s17 =	sshll.u32 s0, $0xA;
	s2 =	sadd.s32 s3, s2  }
0x8d: {  	s2 =	sadd.s32 s2, s17  }
0x8e: {  	[smem:$0x3FC1] =	sst s2  }
0x8f: {  	_ = 	snop  }
0x90: {  	s2 =	sld [smem:$0x3FC7];
	(tm) =	ssettm $0x1  }
0x91: {  	s18 =	sld [smem:$0x3FFB];
	_ =	sdelay $0x3  }
0x92: {  	_ =	strace s18  }
0x93: {  	s3 =	sld [smem:$0x3FFC];
	_ =	sdelay $0x3  }
0x94: {  	_ =	strace s3  }
0x95: {  	s3 =	sld [smem:$0x3FFD];
	_ =	sdelay $0x3  }
0x96: {  	_ =	strace s3  }
0x97: {  	_ =	strace $0x8FFFFFFF  }
0x98: {  	s19 =	sld [smem:$0x3FDB];
	_ =	sdelay $0x1  }
0x99: {  	s4 =	simm.s32 $_scs_section_size  }
0x9a: {  	s5 =	simm.s32 $_size__tile_overlayer_lowered;
	s6 =	simm.s32 $_tile_overlayer_lowered  }
0x9b: {  	s22 =	simm.s32 $0x1BFF;
	s21 =	sshll.u32 s6, $0x1;
	s3 =	sadd.s32 s4, s19  }
0x9c: {  	s7 =	simm.s32 $0x0;
	s20 =	sshll.u32 s5, $0x1;
	s5 =	sadd.s32 s21, s3  }
0x9d: {  	[timem:s7], [sflag:s22] =	dma.local [hbm:s5], s20  }
0x9e: {  	_ =	swait.ge [sflag:s22], s20  }
0x9f: {  	s4 =	ssub.s32 $0x0, s20;
	[sflag:s22] =	ssyncset.done $0x0  }
0xa0: {  	[sflag:s22] =	ssyncadd.s32 s4;
	_ =	sdelay $0x1  }
0xa1: {  	s23 =	simm.s32 $0x1B8B  }
0xa2: {  	_ =	swait.ge [sflag:s23], $0x1  }
0xa3: {  	[sflag:s23] =	ssyncset.done $0x0  }
0xa4: {  	s25 =	simm.s32 $0x1B8E;
	s24 =	sld [smem:$0x3FFE];
	[sflag:s23] =	ssyncadd.s32 $0xFFFFFFFF  }
0xa5: {  	s26 =	simm.s32 $execute0_lowered;
	[smem:$0x3FD2] =	sst s25  }
0xa6: {  	s5 =	sshll.u32 s26, $0x1;
	_ =	strace $0x80000046;
	[dreg:$0x1] =	wrdreg $0xFFFFFFFF  }
0xa7: {  	s28 =	simm.s32 $_size_execute0_lowered;
	s3 =	sadd.s32 s3, s5;
	[dreg:$0x0] =	wrdreg $0x0  }
0xa8: {  	s5 =	sshll.u32 s28, $0x1;
	[dreg:$0x2] =	wrdreg s3  }
0xa9: {  	[dreg:$0x3] =	wrdreg s5  }
0xaa: {  	[dreg:$0x4] =	wrdreg $0xC0  }
0xab: {  	_ =	task [dreg:s7], $0x5FFFF  }
0xac: {  	[dreg:$0x1] =	wrdreg $0xFFFFFFFF  }
0xad: {  	[dreg:$0x0] =	wrdreg $0x60  }
0xae: {  	[dreg:$0x2] =	wrdreg s24  }
0xaf: {  	[dreg:$0x3] =	wrdreg s2  }
0xb0: {  	[dreg:$0x4] =	wrdreg $0x4E200  }
0xb1: {  	[dreg:$0x5] =	wrdreg $0x9  }
0xb2: {  	_ =	task.clear_ibuf [dreg:s7], $0x6FFFF;
	_ =	strace $0x90000046  }
0xb3: {  	s29 =	simm.s32 $0x9;
	_ =	strace $0x80000048  }
0xb4: {  	_ =	swait.ge [sflag:s29], $0x1  }
0xb5: {  	[sflag:s29] =	ssyncadd.s32 $0xFFFFFFFF  }
0xb6: {  	_ =	strace $0x90000048  }
0xb7: {  	_ =	sfence  }
0xb8: {  	s30 =	sld [smem:$0x0];
	_ =	sdelay $0x2  }
0xb9: {  	s31 =	sshll.u32 s1, $0xD;
	s1 =	sshrl.u32 s1, $0x2  }
0xba: {  	s3 =	sand.u32 $0x4000, s31;
	s1 =	sadd.s32 s1, s30  }
0xbb: {  	s0 =	sor.u32 s3, s0;
	s1 =	sshll.u32 s1, $0x11  }
0xbc: {  	s0 =	sor.u32 s1, s0  }
0xbd: {  	s0 =	sadd.s32 $0x8F2B, s0  }
0xbe: {  	[sflag:s0] =	ssyncadd.remote.s32 $0x1  }
0xbf: {  	_ =	sfence.sel $0xFFFF  }
0xc0: {  	[dreg:$0x0] =	wrdreg $0xFFFFFFFF;
	(pc) =	sbr.abs _section_cstart, $3  }
0xc1: {  	[dreg:$0x1] =	wrdreg $0xFFFFFFFF  }
0xc2: {  	_ =	task.clear_ibuf [dreg:s7], $0x2FFFF;
	_ =	strace $0x9FFFFFFF  }
0xc3: {  	(tm) =	ssettm $0x7FFFFFFF  }
tec
execute0_lowered:
.L_overlay_start_1:
0x0: {  	(tag) =	ssettag $0x1  }
0x1: {  	s6 =	rddreg [dreg:$0x0]  }
0x2: {  	s1 =	srdreg.scid;
	s7 =	rddreg [dreg:$0x1]  }
0x3: {  	s0 =	stileid.u32;
	s2 =	rddreg [dreg:$0x2]  }
0x4: {  	s3 =	simm.s32 $0x0;
	s5 =	sand.u32 $0x1, s1;
	s30 =	sshll.u32 s0, $0x1  }
0x5: {  	s9 =	smul.u32 $0x280, s0;
	[smem:$0x7FF] =	sst s3;
	s12 =	sshll.u32 s0, $0x6  }
0x6: {  	s1 =	sor.u32 s5, s30;
	s4 =	smul.u32 $0x2800, s5;
	s5 =	ssub.s32 $0x2, s5  }
0x7: {  	s8 =	smul.u32 $0x4E2, s1;
	s1 =	rddreg [dreg:$0x3];
	_ =	strace $0x80000047  }
0x8: {  	s31 =	sshrl.u32 s5, $0x1;
	s14 =	sadd.s32 s9, s2;
	s11 =	sadd.s32 s9, s4  }
0x9: {  	s4 =	sadd.s32 $0xC400, s6;
	s13 =	ssub.s32 s5, s31;
	s5 =	sor.u32 $0x1C01, s12  }
0xa: {  	s12 =	simm.s32 $0x2710;
	s10 =	sadd.s32 s8, s6;
	s11 =	sshrl.u32 s11, $0x3  }
0xb: {  	s7 =	sadd.s32 s7, s8;
	s9 =	smax.u32 s13, $0x1;
	s13 =	simm.s32 $0x50  }
0xc: {  	s11 =	sadd.s32 s11, s6;
	s6 =	sadd.s32 $0x2600, s10;
	s10 =	sshrl.u32 s14, $0x3  }
0xd: {  	s14 =	simm.s32 $0x0;
	s8 =	sadd.s32 $0xC600, s11;
	s11 =	simm.s32 $0x1  }
.LBB2_1:
0xe: {  	[spmem:s10], [sflag:s5] =	dma.local [hbm:s4], $0x50  }
0xf: {  	_ =	swait.ge [sflag:s11], $0x50  }
0x10: {  	[sflag:s11] =	ssyncset.done $0x0  }
0x11: {  	[sflag:s11] =	ssyncadd.s32 $0xFFFFFFB0  }
0x12: {  	[bflag:$0x0] =	sbarrier.arrive $0xFFFF  }
0x13: {  	[tilespmem:s3], [sflag:$0x1] =	stream.linear.gather [hbm4b:s6+s3], $0x2710, $0x38;
	[tilespmem:$0x50A0] =	vst v63  }
0x14: {  	_ =	swait.ge [sflag:s11], $0x2710  }
0x15: {  	[sflag:s11] =	ssyncset.done $0x0  }
0x16: {  	[sflag:s11] =	ssyncadd.s32 $0xFFFFD8F0  }
0x17: {  	[tilespmem:s12], [sflag:$0x1] =	stream.linear.gather [hbm4b:s7+s3], $0x2710, $0x38;
	[tilespmem:$0x50A0] =	vst v63  }
0x18: {  	_ =	swait.ge [sflag:s11], $0x2710  }
0x19: {  	[sflag:s11] =	ssyncset.done $0x0  }
0x1a: {  	s15 =	simm.s32 $0x0;
	s16 =	simm.s32 $0x2710;
	[sflag:s11] =	ssyncadd.s32 $0xFFFFD8F0  }
0x1b: {  	[spmem:s2] =	stream.indirect.scatter.add.f32 [tilespmem:s16], [sflag:$0x1], $0x1, s15, s13, $0xb8;
	[tilespmem:$0x50A0] =	vst v63  }
0x1c: {  	s15 =	simm.s32 $0x140;
	_ =	swait.ge [sflag:s11], $0x50  }
.LBB2_2:
0x1d: {  	s16 =	sshra.s32 s15, $0x2;
	[sflag:s11] =	ssyncset.done $0x0;
	p0 =	sne.s32 s15, $0x9B00  }
.Ltmp0:
0x1e: {  	s17 =	sadd.s32 $0x2710, s16;
	[sflag:s11] =	ssyncadd.s32 $0xFFFFFFB0;
	(pc) =	sbr.rel @p0 .LBB2_2-.Ltmp0, $3  }
0x1f: {  	[spmem:s2] =	stream.indirect.scatter.add.f32 [tilespmem:s17], [sflag:$0x1], $0x1, s16, s13, $0xb8;
	[tilespmem:$0x50A0] =	vst v63  }
0x20: {  	s15 =	sadd.s32 $0x140, s15;
	_ =	sdelay $0x1  }
0x21: {  	_ =	swait.ge [sflag:s11], $0x50  }
0x22: {  	[sflag:s11] =	ssyncset.done $0x0;
	s14 =	sadd.s32 $0x1, s14  }
0x23: {  	[sflag:s11] =	ssyncadd.s32 $0xFFFFFFB0;
	p0 =	sne.s32 s14, s9  }
.Ltmp1:
0x24: {  	[bflag:$0x0] =	sbarrier.arrive $0xFFFF;
	(pc) =	sbr.rel @p0 .LBB2_1-.Ltmp1, $4  }
0x25: {  	[hbm:s8], [sflag:s5] =	dma.local [spmem:s10], $0x50  }
0x26: {  	_ =	swait.ge [sflag:s11], $0x50  }
0x27: {  	[sflag:s11] =	ssyncset.done $0x0  }
0x28: {  	[sflag:s11] =	ssyncadd.s32 $0xFFFFFFB0  }
0x29: {  	_ =	sfence.sel $0x180000  }
0x2a: {  	[bflag:$0x0] =	sbarrier.arrive $0xFFFF  }
0x2b: {  	p0 =	sne.s32 s0, $0x0;
	_ =	strace $0x90000047  }
0x2c: {  	s0 =	sadd.s32 @!p0 $0x100000, s1;
	[bflag:$0x2] =	sbarrier.arrive $0xFFFF  }
0x2d: {  	[sflag:s0] =	ssyncadd.tile.s32 @!p0 $0x1;
	_ =	shalt  }
.Lfunc_end2:
_tile_overlayer_lowered:
.L_overlay_start_2:
0x2e: {  	(tag) =	ssettag $0x2  }
0x2f: {  	s0 =	rddreg [dreg:$0x0];
	s2 =	stileid.u32  }
0x30: {  	s1 =	rddreg [dreg:$0x1];
	p0 =	sne.s32 s2, $0x0  }
0x31: {  	s3 =	rddreg [dreg:$0x2];
	[bflag:$0x3] =	sbarrier.arrive $0xFFFF;
	s2 =	simm.s32 @!p0 $0x1C01  }
0x32: {  	[timem:s3], [sflag:s2] =	dma.local @!p0 [hbm:s0], s1  }
0x33: {  	s0 =	simm.s32 @!p0 $0x1  }
0x34: {  	_ =	swait.ge @!p0 [sflag:s0], s1  }
0x35: {  	s1 =	ssub.s32 @!p0 $0x0, s1;
	[sflag:s0] =	ssyncset.done @!p0 $0x0  }
0x36: {  	[sflag:s0] =	ssyncadd.s32 @!p0 s1  }
0x37: {  	[bflag:$0x3] =	sbarrier.arrive $0xFFFF  }
0x38: {  	_ =	shalt  }

</sc_bundles>
